<compile_context>
chip_gen: v7x
topology: tpu7x:2x2x1
jax: 0.10.2.dev20260603
libtpu: 0.0.44.dev20260713+nightly
codegen_flags: <defaults>
</compile_context>

<pallas_src>
import jax
import jax.numpy as jnp
from jax import lax
from jax.experimental import pallas as pl
from jax.experimental.pallas import tpu as pltpu
from jax.experimental.pallas import tpu_sc as plsc

_VOCAB = 100000
_EMB = 64
_REGION = 5
_NW = 32
_CP = 98
_NVEC = _EMB // 16


def _sc_kernel(w_hbm, word_hbm, idx_hbm, out_hbm,
               idx_v, unit_v, word_v, out_v,
               isem0, isem1, gsem0, gsem1, ssem0, ssem1):
  B = idx_hbm.shape[0]
  rows_per_w = B // _NW
  wid = lax.axis_index("c") * 16 + lax.axis_index("s")
  b0 = wid * rows_per_w
  isems = (isem0, isem1)
  gsems = (gsem0, gsem1)
  ssems = (ssem0, ssem1)

  def fire_idx(b, h):
    pltpu.async_copy(idx_hbm.at[b, h], idx_v.at[h], isems[h])

  def wait_idx(h):
    pltpu.make_async_copy(idx_hbm.at[0, 0], idx_v.at[h], isems[h]).wait()

  def fire_gathers(h):
    for r in range(_REGION):
      pltpu.async_copy(w_hbm.at[idx_v.at[h, r]], unit_v.at[h, r], gsems[h])
    pltpu.async_copy(word_hbm.at[idx_v.at[h, _REGION]],
                     word_v.at[h], gsems[h])

  def wait_gathers(h):
    for r in range(_REGION):
      pltpu.make_async_copy(w_hbm.at[idx_v.at[h, r]],
                            unit_v.at[h, r], gsems[h]).wait()
    pltpu.make_async_copy(word_hbm.at[idx_v.at[h, _REGION]],
                          word_v.at[h], gsems[h]).wait()

  for h in range(2):
    fire_idx(b0, h)
  for h in range(2):
    wait_idx(h)
    fire_gathers(h)

  @pl.loop(0, rows_per_w, step=2)
  def _rows(jr):
    for rp in range(2):
      j = jr + rp
      b = b0 + j

      @pl.when(j >= 2)
      def _():
        pltpu.make_async_copy(out_v.at[rp], out_hbm.at[b], ssems[rp]).wait()

      for h in range(2):
        wait_gathers(h)

        @pl.when(j + 1 < rows_per_w)
        def _():
          fire_idx(b + 1, h)

        @pl.loop(0, _CP)
        def _pos(i):
          for k in range(_NVEC):
            sl = pl.ds(16 * k, 16)
            w = word_v[h, i, sl]
            acc = unit_v[h, 0, i, sl] * w
            for r in range(1, _REGION):
              acc = jnp.maximum(acc, unit_v[h, r, i, sl] * w)
            out_v[rp, h * _CP + i, sl] = acc

        @pl.when(j + 1 < rows_per_w)
        def _():
          wait_idx(h)
          fire_gathers(h)

      pltpu.async_copy(out_v.at[rp], out_hbm.at[b], ssems[rp])

  for rp in range(2):
    pltpu.make_async_copy(out_v.at[rp], out_hbm.at[b0], ssems[rp]).wait()


@jax.jit
def kernel(seq, W, word_table):
  B, L = seq.shape
  radius = _REGION // 2
  Lc = L - 2 * radius
  seq = seq.astype(jnp.int32)

  rows = [seq[:, r:r + Lc] + jnp.int32(r * _VOCAB) for r in range(_REGION)]
  rows.append(seq[:, radius:radius + Lc])
  idx = jnp.stack(rows, axis=1)
  idx = idx.reshape(B, _REGION + 1, 2, _CP).transpose(0, 2, 1, 3)

  mesh = plsc.VectorSubcoreMesh(core_axis_name="c", subcore_axis_name="s")
  run = pl.kernel(
      _sc_kernel,
      out_type=jax.ShapeDtypeStruct((B, Lc, _EMB), jnp.float32),
      mesh=mesh,
      compiler_params=pltpu.CompilerParams(use_tc_tiling_on_sc=False),
      scratch_types=[
          pltpu.VMEM((2, _REGION + 1, _CP), jnp.int32),
          pltpu.VMEM((2, _REGION, _CP, _EMB), jnp.float32),
          pltpu.VMEM((2, _CP, _EMB), jnp.float32),
          pltpu.VMEM((2, 2 * _CP, _EMB), jnp.float32),
          pltpu.SemaphoreType.DMA,
          pltpu.SemaphoreType.DMA,
          pltpu.SemaphoreType.DMA,
          pltpu.SemaphoreType.DMA,
          pltpu.SemaphoreType.DMA,
          pltpu.SemaphoreType.DMA,
      ],
  )
  return run(W, word_table, idx)

# --- scband reference (transcript-rebuilt; emitter-appended) ---
"""Pipeline reference for scband-context-word-region-embedding-layer-48885317763679 (READ-ONLY COPY).

The authoritative reference and input builder live on the scoring server;
editing this copy changes nothing except your own understanding.
"""

import jax, jax.numpy as jnp
import numpy as np

VOCAB = 100000
EMB = 64
REGION = 5
BATCH = 1024
SEQLEN = 200


def setup_inputs(seed: int = 0) -> dict:
    key = jax.random.key(seed)
    k1, k2, k3 = jax.random.split(key, 3)
    seq = jax.random.randint(k1, (BATCH, SEQLEN), 0, VOCAB, dtype=jnp.int64 if jax.config.read('jax_enable_x64') else jnp.int32)
    # context-unit table: [vocab * region_size, emb]
    W = jax.random.normal(k2, (VOCAB * REGION, EMB), dtype=jnp.float32) * 0.05
    # word table: [vocab, emb]
    word_table = jax.random.normal(k3, (VOCAB, EMB), dtype=jnp.float32) * 0.05
    return {"seq": seq, "W": W, "word_table": word_table}


def reference(seq, W, word_table):
    region_size = REGION
    region_radius = region_size // 2
    B, L = seq.shape
    Lc = L - 2 * region_radius
    # RegionAlignmentLayer: sliding windows of size region_size -> [B, Lc, region_size]
    win_idx = jnp.arange(Lc)[:, None] + jnp.arange(region_size)[None, :]
    region_aligned_seq = seq[:, win_idx]  # [B, Lc, region_size]
    # add per-slot id bias so each window slot indexes its own vocab block
    unit_id_bias = (jnp.arange(region_size) * VOCAB).astype(region_aligned_seq.dtype)
    region_aligned_seq = region_aligned_seq + unit_id_bias
    # context-unit embedding lookup: [B, Lc, region_size, emb]
    region_aligned_unit = jnp.take(W, region_aligned_seq, axis=0)
    # middle-word embedding: [B, Lc, emb] -> [B, Lc, 1, emb]
    mid = seq[:, region_radius:L - region_radius]
    word_emb = jnp.take(word_table, mid, axis=0)
    word_emb = word_emb[:, :, None, :]
    embedding = region_aligned_unit * word_emb
    # region_merge_fn = max over region axis
    embedding = jnp.max(embedding, axis=2)
    return embedding

if __name__ == "__main__":
    import jax
    _d = setup_inputs()
    print(jax.jit(kernel)(*tuple(_d.values())))

</pallas_src>

<mosaic_0001>
#map = affine_map<(d0, d1) -> (0, 0)>
#map1 = affine_map<(d0, d1) -> (0, 0, 0, 0)>
#map2 = affine_map<(d0, d1) -> (0, 0, 0)>
module attributes {stable_mosaic.version = 14 : i64} {
  func.func @_sc_kernel(%arg0: i32, %arg1: i32, %arg2: memref<500000x64xf32, #tpu.memory_space<hbm>>, %arg3: memref<100000x64xf32, #tpu.memory_space<hbm>>, %arg4: memref<1024x2x6x98xi32, #tpu.memory_space<hbm>>, %arg5: memref<1024x196x64xf32, #tpu.memory_space<hbm>>, %arg6: memref<2x6x98xi32, #tpu.memory_space<vmem>>, %arg7: memref<2x5x98x64xf32, #tpu.memory_space<vmem>>, %arg8: memref<2x98x64xf32, #tpu.memory_space<vmem>>, %arg9: memref<2x196x64xf32, #tpu.memory_space<vmem>>, %arg10: memref<!tpu.dma_semaphore, #tpu.memory_space<semaphore_mem>>, %arg11: memref<!tpu.dma_semaphore, #tpu.memory_space<semaphore_mem>>, %arg12: memref<!tpu.dma_semaphore, #tpu.memory_space<semaphore_mem>>, %arg13: memref<!tpu.dma_semaphore, #tpu.memory_space<semaphore_mem>>, %arg14: memref<!tpu.dma_semaphore, #tpu.memory_space<semaphore_mem>>, %arg15: memref<!tpu.dma_semaphore, #tpu.memory_space<semaphore_mem>>) attributes {dimension_semantics = [#tpu.dimension_semantics<core_parallel>, #tpu.dimension_semantics<subcore_parallel>], iteration_bounds = array<i64: 2, 16>, scalar_prefetch = 0 : i64, scratch_operands = 10 : i64, tpu.core_type = #tpu.core_type<sc_vector_subcore>, window_params = [{transform_indices = #map}, {transform_indices = #map}, {transform_indices = #map1}, {transform_indices = #map2}]} {
    %mul3A = arith.constant 16 : i32
    %mul3A_0 = arith.muli %arg0, %mul3A : i32
    %add3A = arith.addi %mul3A_0, %arg1 : i32
    %mul3A_1 = arith.constant 32 : i32
    %mul3A_2 = arith.muli %add3A, %mul3A_1 : i32
    %dma_start3A = arith.constant 0 : i32
    %dma_start3A_3 = arith.constant 0 : i32
    %dma_start3A_4 = arith.constant 0 : i32
    %dma_start3A_5 = arith.constant 0 : i32
    %dma_start3A_6 = tpu.memref_slice %arg6[%dma_start3A_3, %dma_start3A_4, %dma_start3A_5] : memref<2x6x98xi32, #tpu.memory_space<vmem>> -> memref<1x6x98xi32, #tpu.memory_space<vmem>>
    %dma_start3A_7 = tpu.memref_squeeze %dma_start3A_6 : memref<1x6x98xi32, #tpu.memory_space<vmem>> -> memref<6x98xi32, #tpu.memory_space<vmem>>
    %dma_start3A_8 = arith.constant 0 : i32
    %dma_start3A_9 = arith.constant 0 : i32
    %dma_start3A_10 = tpu.memref_slice %arg4[%mul3A_2, %dma_start3A, %dma_start3A_8, %dma_start3A_9] : memref<1024x2x6x98xi32, #tpu.memory_space<hbm>> -> memref<1x1x6x98xi32, #tpu.memory_space<hbm>>
    %dma_start3A_11 = tpu.memref_squeeze %dma_start3A_10 : memref<1x1x6x98xi32, #tpu.memory_space<hbm>> -> memref<6x98xi32, #tpu.memory_space<hbm>>
    %dma_start3A_12 = arith.constant 0 : i32
    %dma_start3A_13 = arith.constant 0 : i32
    %dma_start3A_14 = tpu.memref_slice %arg6[%dma_start3A_3, %dma_start3A_12, %dma_start3A_13] : memref<2x6x98xi32, #tpu.memory_space<vmem>> -> memref<1x6x98xi32, #tpu.memory_space<vmem>>
    %dma_start3A_15 = tpu.memref_squeeze %dma_start3A_14 : memref<1x6x98xi32, #tpu.memory_space<vmem>> -> memref<6x98xi32, #tpu.memory_space<vmem>>
    %dma_start3A_16 = arith.constant 0 : i32
    %dma_start3A_17 = arith.constant 0 : i32
    %dma_start3A_18 = tpu.memref_slice %arg4[%mul3A_2, %dma_start3A, %dma_start3A_16, %dma_start3A_17] : memref<1024x2x6x98xi32, #tpu.memory_space<hbm>> -> memref<1x1x6x98xi32, #tpu.memory_space<hbm>>
    %dma_start3A_19 = tpu.memref_squeeze %dma_start3A_18 : memref<1x1x6x98xi32, #tpu.memory_space<hbm>> -> memref<6x98xi32, #tpu.memory_space<hbm>>
    tpu.enqueue_dma source(%dma_start3A_19 : memref<6x98xi32, #tpu.memory_space<hbm>>) target(%dma_start3A_15 : memref<6x98xi32, #tpu.memory_space<vmem>>) target_semaphore(%arg10 : memref<!tpu.dma_semaphore, #tpu.memory_space<semaphore_mem>>)
    %dma_start3A_20 = arith.constant 1 : i32
    %dma_start3A_21 = arith.constant 1 : i32
    %dma_start3A_22 = arith.constant 0 : i32
    %dma_start3A_23 = arith.constant 0 : i32
    %dma_start3A_24 = tpu.memref_slice %arg6[%dma_start3A_21, %dma_start3A_22, %dma_start3A_23] : memref<2x6x98xi32, #tpu.memory_space<vmem>> -> memref<1x6x98xi32, #tpu.memory_space<vmem>>
    %dma_start3A_25 = tpu.memref_squeeze %dma_start3A_24 : memref<1x6x98xi32, #tpu.memory_space<vmem>> -> memref<6x98xi32, #tpu.memory_space<vmem>>
    %dma_start3A_26 = arith.constant 0 : i32
    %dma_start3A_27 = arith.constant 0 : i32
    %dma_start3A_28 = tpu.memref_slice %arg4[%mul3A_2, %dma_start3A_20, %dma_start3A_26, %dma_start3A_27] : memref<1024x2x6x98xi32, #tpu.memory_space<hbm>> -> memref<1x1x6x98xi32, #tpu.memory_space<hbm>>
    %dma_start3A_29 = tpu.memref_squeeze %dma_start3A_28 : memref<1x1x6x98xi32, #tpu.memory_space<hbm>> -> memref<6x98xi32, #tpu.memory_space<hbm>>
    %dma_start3A_30 = arith.constant 0 : i32
    %dma_start3A_31 = arith.constant 0 : i32
    %dma_start3A_32 = tpu.memref_slice %arg6[%dma_start3A_21, %dma_start3A_30, %dma_start3A_31] : memref<2x6x98xi32, #tpu.memory_space<vmem>> -> memref<1x6x98xi32, #tpu.memory_space<vmem>>
    %dma_start3A_33 = tpu.memref_squeeze %dma_start3A_32 : memref<1x6x98xi32, #tpu.memory_space<vmem>> -> memref<6x98xi32, #tpu.memory_space<vmem>>
    %dma_start3A_34 = arith.constant 0 : i32
    %dma_start3A_35 = arith.constant 0 : i32
    %dma_start3A_36 = tpu.memref_slice %arg4[%mul3A_2, %dma_start3A_20, %dma_start3A_34, %dma_start3A_35] : memref<1024x2x6x98xi32, #tpu.memory_space<hbm>> -> memref<1x1x6x98xi32, #tpu.memory_space<hbm>>
    %dma_start3A_37 = tpu.memref_squeeze %dma_start3A_36 : memref<1x1x6x98xi32, #tpu.memory_space<hbm>> -> memref<6x98xi32, #tpu.memory_space<hbm>>
    tpu.enqueue_dma source(%dma_start3A_37 : memref<6x98xi32, #tpu.memory_space<hbm>>) target(%dma_start3A_33 : memref<6x98xi32, #tpu.memory_space<vmem>>) target_semaphore(%arg11 : memref<!tpu.dma_semaphore, #tpu.memory_space<semaphore_mem>>)
    %dma_wait3A = arith.constant 0 : i32
    %dma_wait3A_38 = arith.constant 0 : i32
    %dma_wait3A_39 = arith.constant 0 : i32
    %dma_wait3A_40 = arith.constant 0 : i32
    %dma_wait3A_41 = arith.constant 0 : i32
    %dma_wait3A_42 = tpu.memref_slice %arg6[%dma_wait3A_39, %dma_wait3A_40, %dma_wait3A_41] : memref<2x6x98xi32, #tpu.memory_space<vmem>> -> memref<1x6x98xi32, #tpu.memory_space<vmem>>
    %dma_wait3A_43 = tpu.memref_squeeze %dma_wait3A_42 : memref<1x6x98xi32, #tpu.memory_space<vmem>> -> memref<6x98xi32, #tpu.memory_space<vmem>>
    %dma_wait3A_44 = arith.constant 0 : i32
    %dma_wait3A_45 = arith.constant 0 : i32
    %dma_wait3A_46 = tpu.memref_slice %arg4[%dma_wait3A, %dma_wait3A_38, %dma_wait3A_44, %dma_wait3A_45] : memref<1024x2x6x98xi32, #tpu.memory_space<hbm>> -> memref<1x1x6x98xi32, #tpu.memory_space<hbm>>
    %dma_wait3A_47 = tpu.memref_squeeze %dma_wait3A_46 : memref<1x1x6x98xi32, #tpu.memory_space<hbm>> -> memref<6x98xi32, #tpu.memory_space<hbm>>
    %dma_wait3A_48 = arith.constant 0 : i32
    %dma_wait3A_49 = arith.constant 0 : i32
    %dma_wait3A_50 = tpu.memref_slice %arg6[%dma_wait3A_39, %dma_wait3A_48, %dma_wait3A_49] : memref<2x6x98xi32, #tpu.memory_space<vmem>> -> memref<1x6x98xi32, #tpu.memory_space<vmem>>
    %dma_wait3A_51 = tpu.memref_squeeze %dma_wait3A_50 : memref<1x6x98xi32, #tpu.memory_space<vmem>> -> memref<6x98xi32, #tpu.memory_space<vmem>>
    %dma_wait3A_52 = arith.constant 0 : i32
    %dma_wait3A_53 = arith.constant 0 : i32
    %dma_wait3A_54 = tpu.memref_slice %arg4[%dma_wait3A, %dma_wait3A_38, %dma_wait3A_52, %dma_wait3A_53] : memref<1024x2x6x98xi32, #tpu.memory_space<hbm>> -> memref<1x1x6x98xi32, #tpu.memory_space<hbm>>
    %dma_wait3A_55 = tpu.memref_squeeze %dma_wait3A_54 : memref<1x1x6x98xi32, #tpu.memory_space<hbm>> -> memref<6x98xi32, #tpu.memory_space<hbm>>
    tpu.wait_dma2 semaphore(%arg10 : memref<!tpu.dma_semaphore, #tpu.memory_space<semaphore_mem>>) src(%dma_wait3A_55 : memref<6x98xi32, #tpu.memory_space<hbm>>) dst(%dma_wait3A_51 : memref<6x98xi32, #tpu.memory_space<vmem>>)
    %dma_start3A_56 = arith.constant 0 : i32
    %dma_start3A_57 = arith.constant 0 : i32
    %dma_start3A_58 = arith.constant 0 : i32
    %dma_start3A_59 = arith.constant 0 : i32
    %dma_start3A_60 = arith.constant 0 : i32
    %dma_start3A_61 = arith.constant 0 : i32
    %dma_start3A_62 = tpu.memref_slice %arg7[%dma_start3A_58, %dma_start3A_59, %dma_start3A_60, %dma_start3A_61] : memref<2x5x98x64xf32, #tpu.memory_space<vmem>> -> memref<1x1x98x64xf32, #tpu.memory_space<vmem>>
    %dma_start3A_63 = tpu.memref_squeeze %dma_start3A_62 : memref<1x1x98x64xf32, #tpu.memory_space<vmem>> -> memref<98x64xf32, #tpu.memory_space<vmem>>
    %dma_start3A_64 = arith.constant 0 : i32
    %dma_start3A_65 = tpu.memref_slice %arg6[%dma_start3A_56, %dma_start3A_57, %dma_start3A_64] : memref<2x6x98xi32, #tpu.memory_space<vmem>> -> memref<1x1x98xi32, #tpu.memory_space<vmem>>
    %dma_start3A_66 = tpu.memref_squeeze %dma_start3A_65 : memref<1x1x98xi32, #tpu.memory_space<vmem>> -> memref<98xi32, #tpu.memory_space<vmem>>
    %dma_start3A_67 = arith.constant 0 : i32
    %dma_start3A_68 = arith.constant 0 : i32
    %dma_start3A_69 = tpu.memref_slice %arg2[%dma_start3A_67, %dma_start3A_68] : memref<500000x64xf32, #tpu.memory_space<hbm>> -> memref<500000x64xf32, #tpu.memory_space<hbm>>
    tpu.enqueue_indirect_dma source(%dma_start3A_69 : memref<500000x64xf32, #tpu.memory_space<hbm>>) target(%dma_start3A_63 : memref<98x64xf32, #tpu.memory_space<vmem>>) offsets(%dma_start3A_66 : memref<98xi32, #tpu.memory_space<vmem>>) semaphore(%arg12 : memref<!tpu.dma_semaphore, #tpu.memory_space<semaphore_mem>>)
    %dma_start3A_70 = arith.constant 0 : i32
    %dma_start3A_71 = arith.constant 1 : i32
    %dma_start3A_72 = arith.constant 0 : i32
    %dma_start3A_73 = arith.constant 1 : i32
    %dma_start3A_74 = arith.constant 0 : i32
    %dma_start3A_75 = arith.constant 0 : i32
    %dma_start3A_76 = tpu.memref_slice %arg7[%dma_start3A_72, %dma_start3A_73, %dma_start3A_74, %dma_start3A_75] : memref<2x5x98x64xf32, #tpu.memory_space<vmem>> -> memref<1x1x98x64xf32, #tpu.memory_space<vmem>>
    %dma_start3A_77 = tpu.memref_squeeze %dma_start3A_76 : memref<1x1x98x64xf32, #tpu.memory_space<vmem>> -> memref<98x64xf32, #tpu.memory_space<vmem>>
    %dma_start3A_78 = arith.constant 0 : i32
    %dma_start3A_79 = tpu.memref_slice %arg6[%dma_start3A_70, %dma_start3A_71, %dma_start3A_78] : memref<2x6x98xi32, #tpu.memory_space<vmem>> -> memref<1x1x98xi32, #tpu.memory_space<vmem>>
    %dma_start3A_80 = tpu.memref_squeeze %dma_start3A_79 : memref<1x1x98xi32, #tpu.memory_space<vmem>> -> memref<98xi32, #tpu.memory_space<vmem>>
    %dma_start3A_81 = arith.constant 0 : i32
    %dma_start3A_82 = arith.constant 0 : i32
    %dma_start3A_83 = tpu.memref_slice %arg2[%dma_start3A_81, %dma_start3A_82] : memref<500000x64xf32, #tpu.memory_space<hbm>> -> memref<500000x64xf32, #tpu.memory_space<hbm>>
    tpu.enqueue_indirect_dma source(%dma_start3A_83 : memref<500000x64xf32, #tpu.memory_space<hbm>>) target(%dma_start3A_77 : memref<98x64xf32, #tpu.memory_space<vmem>>) offsets(%dma_start3A_80 : memref<98xi32, #tpu.memory_space<vmem>>) semaphore(%arg12 : memref<!tpu.dma_semaphore, #tpu.memory_space<semaphore_mem>>)
    %dma_start3A_84 = arith.constant 0 : i32
    %dma_start3A_85 = arith.constant 2 : i32
    %dma_start3A_86 = arith.constant 0 : i32
    %dma_start3A_87 = arith.constant 2 : i32
    %dma_start3A_88 = arith.constant 0 : i32
    %dma_start3A_89 = arith.constant 0 : i32
    %dma_start3A_90 = tpu.memref_slice %arg7[%dma_start3A_86, %dma_start3A_87, %dma_start3A_88, %dma_start3A_89] : memref<2x5x98x64xf32, #tpu.memory_space<vmem>> -> memref<1x1x98x64xf32, #tpu.memory_space<vmem>>
    %dma_start3A_91 = tpu.memref_squeeze %dma_start3A_90 : memref<1x1x98x64xf32, #tpu.memory_space<vmem>> -> memref<98x64xf32, #tpu.memory_space<vmem>>
    %dma_start3A_92 = arith.constant 0 : i32
    %dma_start3A_93 = tpu.memref_slice %arg6[%dma_start3A_84, %dma_start3A_85, %dma_start3A_92] : memref<2x6x98xi32, #tpu.memory_space<vmem>> -> memref<1x1x98xi32, #tpu.memory_space<vmem>>
    %dma_start3A_94 = tpu.memref_squeeze %dma_start3A_93 : memref<1x1x98xi32, #tpu.memory_space<vmem>> -> memref<98xi32, #tpu.memory_space<vmem>>
    %dma_start3A_95 = arith.constant 0 : i32
    %dma_start3A_96 = arith.constant 0 : i32
    %dma_start3A_97 = tpu.memref_slice %arg2[%dma_start3A_95, %dma_start3A_96] : memref<500000x64xf32, #tpu.memory_space<hbm>> -> memref<500000x64xf32, #tpu.memory_space<hbm>>
    tpu.enqueue_indirect_dma source(%dma_start3A_97 : memref<500000x64xf32, #tpu.memory_space<hbm>>) target(%dma_start3A_91 : memref<98x64xf32, #tpu.memory_space<vmem>>) offsets(%dma_start3A_94 : memref<98xi32, #tpu.memory_space<vmem>>) semaphore(%arg12 : memref<!tpu.dma_semaphore, #tpu.memory_space<semaphore_mem>>)
    %dma_start3A_98 = arith.constant 0 : i32
    %dma_start3A_99 = arith.constant 3 : i32
    %dma_start3A_100 = arith.constant 0 : i32
    %dma_start3A_101 = arith.constant 3 : i32
    %dma_start3A_102 = arith.constant 0 : i32
    %dma_start3A_103 = arith.constant 0 : i32
    %dma_start3A_104 = tpu.memref_slice %arg7[%dma_start3A_100, %dma_start3A_101, %dma_start3A_102, %dma_start3A_103] : memref<2x5x98x64xf32, #tpu.memory_space<vmem>> -> memref<1x1x98x64xf32, #tpu.memory_space<vmem>>
    %dma_start3A_105 = tpu.memref_squeeze %dma_start3A_104 : memref<1x1x98x64xf32, #tpu.memory_space<vmem>> -> memref<98x64xf32, #tpu.memory_space<vmem>>
    %dma_start3A_106 = arith.constant 0 : i32
    %dma_start3A_107 = tpu.memref_slice %arg6[%dma_start3A_98, %dma_start3A_99, %dma_start3A_106] : memref<2x6x98xi32, #tpu.memory_space<vmem>> -> memref<1x1x98xi32, #tpu.memory_space<vmem>>
    %dma_start3A_108 = tpu.memref_squeeze %dma_start3A_107 : memref<1x1x98xi32, #tpu.memory_space<vmem>> -> memref<98xi32, #tpu.memory_space<vmem>>
    %dma_start3A_109 = arith.constant 0 : i32
    %dma_start3A_110 = arith.constant 0 : i32
    %dma_start3A_111 = tpu.memref_slice %arg2[%dma_start3A_109, %dma_start3A_110] : memref<500000x64xf32, #tpu.memory_space<hbm>> -> memref<500000x64xf32, #tpu.memory_space<hbm>>
    tpu.enqueue_indirect_dma source(%dma_start3A_111 : memref<500000x64xf32, #tpu.memory_space<hbm>>) target(%dma_start3A_105 : memref<98x64xf32, #tpu.memory_space<vmem>>) offsets(%dma_start3A_108 : memref<98xi32, #tpu.memory_space<vmem>>) semaphore(%arg12 : memref<!tpu.dma_semaphore, #tpu.memory_space<semaphore_mem>>)
    %dma_start3A_112 = arith.constant 0 : i32
    %dma_start3A_113 = arith.constant 4 : i32
    %dma_start3A_114 = arith.constant 0 : i32
    %dma_start3A_115 = arith.constant 4 : i32
    %dma_start3A_116 = arith.constant 0 : i32
    %dma_start3A_117 = arith.constant 0 : i32
    %dma_start3A_118 = tpu.memref_slice %arg7[%dma_start3A_114, %dma_start3A_115, %dma_start3A_116, %dma_start3A_117] : memref<2x5x98x64xf32, #tpu.memory_space<vmem>> -> memref<1x1x98x64xf32, #tpu.memory_space<vmem>>
    %dma_start3A_119 = tpu.memref_squeeze %dma_start3A_118 : memref<1x1x98x64xf32, #tpu.memory_space<vmem>> -> memref<98x64xf32, #tpu.memory_space<vmem>>
    %dma_start3A_120 = arith.constant 0 : i32
    %dma_start3A_121 = tpu.memref_slice %arg6[%dma_start3A_112, %dma_start3A_113, %dma_start3A_120] : memref<2x6x98xi32, #tpu.memory_space<vmem>> -> memref<1x1x98xi32, #tpu.memory_space<vmem>>
    %dma_start3A_122 = tpu.memref_squeeze %dma_start3A_121 : memref<1x1x98xi32, #tpu.memory_space<vmem>> -> memref<98xi32, #tpu.memory_space<vmem>>
    %dma_start3A_123 = arith.constant 0 : i32
    %dma_start3A_124 = arith.constant 0 : i32
    %dma_start3A_125 = tpu.memref_slice %arg2[%dma_start3A_123, %dma_start3A_124] : memref<500000x64xf32, #tpu.memory_space<hbm>> -> memref<500000x64xf32, #tpu.memory_space<hbm>>
    tpu.enqueue_indirect_dma source(%dma_start3A_125 : memref<500000x64xf32, #tpu.memory_space<hbm>>) target(%dma_start3A_119 : memref<98x64xf32, #tpu.memory_space<vmem>>) offsets(%dma_start3A_122 : memref<98xi32, #tpu.memory_space<vmem>>) semaphore(%arg12 : memref<!tpu.dma_semaphore, #tpu.memory_space<semaphore_mem>>)
    %dma_start3A_126 = arith.constant 0 : i32
    %dma_start3A_127 = arith.constant 5 : i32
    %dma_start3A_128 = arith.constant 0 : i32
    %dma_start3A_129 = arith.constant 0 : i32
    %dma_start3A_130 = arith.constant 0 : i32
    %dma_start3A_131 = tpu.memref_slice %arg8[%dma_start3A_128, %dma_start3A_129, %dma_start3A_130] : memref<2x98x64xf32, #tpu.memory_space<vmem>> -> memref<1x98x64xf32, #tpu.memory_space<vmem>>
    %dma_start3A_132 = tpu.memref_squeeze %dma_start3A_131 : memref<1x98x64xf32, #tpu.memory_space<vmem>> -> memref<98x64xf32, #tpu.memory_space<vmem>>
    %dma_start3A_133 = arith.constant 0 : i32
    %dma_start3A_134 = tpu.memref_slice %arg6[%dma_start3A_126, %dma_start3A_127, %dma_start3A_133] : memref<2x6x98xi32, #tpu.memory_space<vmem>> -> memref<1x1x98xi32, #tpu.memory_space<vmem>>
    %dma_start3A_135 = tpu.memref_squeeze %dma_start3A_134 : memref<1x1x98xi32, #tpu.memory_space<vmem>> -> memref<98xi32, #tpu.memory_space<vmem>>
    %dma_start3A_136 = arith.constant 0 : i32
    %dma_start3A_137 = arith.constant 0 : i32
    %dma_start3A_138 = tpu.memref_slice %arg3[%dma_start3A_136, %dma_start3A_137] : memref<100000x64xf32, #tpu.memory_space<hbm>> -> memref<100000x64xf32, #tpu.memory_space<hbm>>
    tpu.enqueue_indirect_dma source(%dma_start3A_138 : memref<100000x64xf32, #tpu.memory_space<hbm>>) target(%dma_start3A_132 : memref<98x64xf32, #tpu.memory_space<vmem>>) offsets(%dma_start3A_135 : memref<98xi32, #tpu.memory_space<vmem>>) semaphore(%arg12 : memref<!tpu.dma_semaphore, #tpu.memory_space<semaphore_mem>>)
    %dma_wait3A_139 = arith.constant 0 : i32
    %dma_wait3A_140 = arith.constant 0 : i32
    %dma_wait3A_141 = arith.constant 1 : i32
    %dma_wait3A_142 = arith.constant 0 : i32
    %dma_wait3A_143 = arith.constant 0 : i32
    %dma_wait3A_144 = tpu.memref_slice %arg6[%dma_wait3A_141, %dma_wait3A_142, %dma_wait3A_143] : memref<2x6x98xi32, #tpu.memory_space<vmem>> -> memref<1x6x98xi32, #tpu.memory_space<vmem>>
    %dma_wait3A_145 = tpu.memref_squeeze %dma_wait3A_144 : memref<1x6x98xi32, #tpu.memory_space<vmem>> -> memref<6x98xi32, #tpu.memory_space<vmem>>
    %dma_wait3A_146 = arith.constant 0 : i32
    %dma_wait3A_147 = arith.constant 0 : i32
    %dma_wait3A_148 = tpu.memref_slice %arg4[%dma_wait3A_139, %dma_wait3A_140, %dma_wait3A_146, %dma_wait3A_147] : memref<1024x2x6x98xi32, #tpu.memory_space<hbm>> -> memref<1x1x6x98xi32, #tpu.memory_space<hbm>>
    %dma_wait3A_149 = tpu.memref_squeeze %dma_wait3A_148 : memref<1x1x6x98xi32, #tpu.memory_space<hbm>> -> memref<6x98xi32, #tpu.memory_space<hbm>>
    %dma_wait3A_150 = arith.constant 0 : i32
    %dma_wait3A_151 = arith.constant 0 : i32
    %dma_wait3A_152 = tpu.memref_slice %arg6[%dma_wait3A_141, %dma_wait3A_150, %dma_wait3A_151] : memref<2x6x98xi32, #tpu.memory_space<vmem>> -> memref<1x6x98xi32, #tpu.memory_space<vmem>>
    %dma_wait3A_153 = tpu.memref_squeeze %dma_wait3A_152 : memref<1x6x98xi32, #tpu.memory_space<vmem>> -> memref<6x98xi32, #tpu.memory_space<vmem>>
    %dma_wait3A_154 = arith.constant 0 : i32
    %dma_wait3A_155 = arith.constant 0 : i32
    %dma_wait3A_156 = tpu.memref_slice %arg4[%dma_wait3A_139, %dma_wait3A_140, %dma_wait3A_154, %dma_wait3A_155] : memref<1024x2x6x98xi32, #tpu.memory_space<hbm>> -> memref<1x1x6x98xi32, #tpu.memory_space<hbm>>
    %dma_wait3A_157 = tpu.memref_squeeze %dma_wait3A_156 : memref<1x1x6x98xi32, #tpu.memory_space<hbm>> -> memref<6x98xi32, #tpu.memory_space<hbm>>
    tpu.wait_dma2 semaphore(%arg11 : memref<!tpu.dma_semaphore, #tpu.memory_space<semaphore_mem>>) src(%dma_wait3A_157 : memref<6x98xi32, #tpu.memory_space<hbm>>) dst(%dma_wait3A_153 : memref<6x98xi32, #tpu.memory_space<vmem>>)
    %dma_start3A_158 = arith.constant 1 : i32
    %dma_start3A_159 = arith.constant 0 : i32
    %dma_start3A_160 = arith.constant 1 : i32
    %dma_start3A_161 = arith.constant 0 : i32
    %dma_start3A_162 = arith.constant 0 : i32
    %dma_start3A_163 = arith.constant 0 : i32
    %dma_start3A_164 = tpu.memref_slice %arg7[%dma_start3A_160, %dma_start3A_161, %dma_start3A_162, %dma_start3A_163] : memref<2x5x98x64xf32, #tpu.memory_space<vmem>> -> memref<1x1x98x64xf32, #tpu.memory_space<vmem>>
    %dma_start3A_165 = tpu.memref_squeeze %dma_start3A_164 : memref<1x1x98x64xf32, #tpu.memory_space<vmem>> -> memref<98x64xf32, #tpu.memory_space<vmem>>
    %dma_start3A_166 = arith.constant 0 : i32
    %dma_start3A_167 = tpu.memref_slice %arg6[%dma_start3A_158, %dma_start3A_159, %dma_start3A_166] : memref<2x6x98xi32, #tpu.memory_space<vmem>> -> memref<1x1x98xi32, #tpu.memory_space<vmem>>
    %dma_start3A_168 = tpu.memref_squeeze %dma_start3A_167 : memref<1x1x98xi32, #tpu.memory_space<vmem>> -> memref<98xi32, #tpu.memory_space<vmem>>
    %dma_start3A_169 = arith.constant 0 : i32
    %dma_start3A_170 = arith.constant 0 : i32
    %dma_start3A_171 = tpu.memref_slice %arg2[%dma_start3A_169, %dma_start3A_170] : memref<500000x64xf32, #tpu.memory_space<hbm>> -> memref<500000x64xf32, #tpu.memory_space<hbm>>
    tpu.enqueue_indirect_dma source(%dma_start3A_171 : memref<500000x64xf32, #tpu.memory_space<hbm>>) target(%dma_start3A_165 : memref<98x64xf32, #tpu.memory_space<vmem>>) offsets(%dma_start3A_168 : memref<98xi32, #tpu.memory_space<vmem>>) semaphore(%arg13 : memref<!tpu.dma_semaphore, #tpu.memory_space<semaphore_mem>>)
    %dma_start3A_172 = arith.constant 1 : i32
    %dma_start3A_173 = arith.constant 1 : i32
    %dma_start3A_174 = arith.constant 1 : i32
    %dma_start3A_175 = arith.constant 1 : i32
    %dma_start3A_176 = arith.constant 0 : i32
    %dma_start3A_177 = arith.constant 0 : i32
    %dma_start3A_178 = tpu.memref_slice %arg7[%dma_start3A_174, %dma_start3A_175, %dma_start3A_176, %dma_start3A_177] : memref<2x5x98x64xf32, #tpu.memory_space<vmem>> -> memref<1x1x98x64xf32, #tpu.memory_space<vmem>>
    %dma_start3A_179 = tpu.memref_squeeze %dma_start3A_178 : memref<1x1x98x64xf32, #tpu.memory_space<vmem>> -> memref<98x64xf32, #tpu.memory_space<vmem>>
    %dma_start3A_180 = arith.constant 0 : i32
    %dma_start3A_181 = tpu.memref_slice %arg6[%dma_start3A_172, %dma_start3A_173, %dma_start3A_180] : memref<2x6x98xi32, #tpu.memory_space<vmem>> -> memref<1x1x98xi32, #tpu.memory_space<vmem>>
    %dma_start3A_182 = tpu.memref_squeeze %dma_start3A_181 : memref<1x1x98xi32, #tpu.memory_space<vmem>> -> memref<98xi32, #tpu.memory_space<vmem>>
    %dma_start3A_183 = arith.constant 0 : i32
    %dma_start3A_184 = arith.constant 0 : i32
    %dma_start3A_185 = tpu.memref_slice %arg2[%dma_start3A_183, %dma_start3A_184] : memref<500000x64xf32, #tpu.memory_space<hbm>> -> memref<500000x64xf32, #tpu.memory_space<hbm>>
    tpu.enqueue_indirect_dma source(%dma_start3A_185 : memref<500000x64xf32, #tpu.memory_space<hbm>>) target(%dma_start3A_179 : memref<98x64xf32, #tpu.memory_space<vmem>>) offsets(%dma_start3A_182 : memref<98xi32, #tpu.memory_space<vmem>>) semaphore(%arg13 : memref<!tpu.dma_semaphore, #tpu.memory_space<semaphore_mem>>)
    %dma_start3A_186 = arith.constant 1 : i32
    %dma_start3A_187 = arith.constant 2 : i32
    %dma_start3A_188 = arith.constant 1 : i32
    %dma_start3A_189 = arith.constant 2 : i32
    %dma_start3A_190 = arith.constant 0 : i32
    %dma_start3A_191 = arith.constant 0 : i32
    %dma_start3A_192 = tpu.memref_slice %arg7[%dma_start3A_188, %dma_start3A_189, %dma_start3A_190, %dma_start3A_191] : memref<2x5x98x64xf32, #tpu.memory_space<vmem>> -> memref<1x1x98x64xf32, #tpu.memory_space<vmem>>
    %dma_start3A_193 = tpu.memref_squeeze %dma_start3A_192 : memref<1x1x98x64xf32, #tpu.memory_space<vmem>> -> memref<98x64xf32, #tpu.memory_space<vmem>>
    %dma_start3A_194 = arith.constant 0 : i32
    %dma_start3A_195 = tpu.memref_slice %arg6[%dma_start3A_186, %dma_start3A_187, %dma_start3A_194] : memref<2x6x98xi32, #tpu.memory_space<vmem>> -> memref<1x1x98xi32, #tpu.memory_space<vmem>>
    %dma_start3A_196 = tpu.memref_squeeze %dma_start3A_195 : memref<1x1x98xi32, #tpu.memory_space<vmem>> -> memref<98xi32, #tpu.memory_space<vmem>>
    %dma_start3A_197 = arith.constant 0 : i32
    %dma_start3A_198 = arith.constant 0 : i32
    %dma_start3A_199 = tpu.memref_slice %arg2[%dma_start3A_197, %dma_start3A_198] : memref<500000x64xf32, #tpu.memory_space<hbm>> -> memref<500000x64xf32, #tpu.memory_space<hbm>>
    tpu.enqueue_indirect_dma source(%dma_start3A_199 : memref<500000x64xf32, #tpu.memory_space<hbm>>) target(%dma_start3A_193 : memref<98x64xf32, #tpu.memory_space<vmem>>) offsets(%dma_start3A_196 : memref<98xi32, #tpu.memory_space<vmem>>) semaphore(%arg13 : memref<!tpu.dma_semaphore, #tpu.memory_space<semaphore_mem>>)
    %dma_start3A_200 = arith.constant 1 : i32
    %dma_start3A_201 = arith.constant 3 : i32
    %dma_start3A_202 = arith.constant 1 : i32
    %dma_start3A_203 = arith.constant 3 : i32
    %dma_start3A_204 = arith.constant 0 : i32
    %dma_start3A_205 = arith.constant 0 : i32
    %dma_start3A_206 = tpu.memref_slice %arg7[%dma_start3A_202, %dma_start3A_203, %dma_start3A_204, %dma_start3A_205] : memref<2x5x98x64xf32, #tpu.memory_space<vmem>> -> memref<1x1x98x64xf32, #tpu.memory_space<vmem>>
    %dma_start3A_207 = tpu.memref_squeeze %dma_start3A_206 : memref<1x1x98x64xf32, #tpu.memory_space<vmem>> -> memref<98x64xf32, #tpu.memory_space<vmem>>
    %dma_start3A_208 = arith.constant 0 : i32
    %dma_start3A_209 = tpu.memref_slice %arg6[%dma_start3A_200, %dma_start3A_201, %dma_start3A_208] : memref<2x6x98xi32, #tpu.memory_space<vmem>> -> memref<1x1x98xi32, #tpu.memory_space<vmem>>
    %dma_start3A_210 = tpu.memref_squeeze %dma_start3A_209 : memref<1x1x98xi32, #tpu.memory_space<vmem>> -> memref<98xi32, #tpu.memory_space<vmem>>
    %dma_start3A_211 = arith.constant 0 : i32
    %dma_start3A_212 = arith.constant 0 : i32
    %dma_start3A_213 = tpu.memref_slice %arg2[%dma_start3A_211, %dma_start3A_212] : memref<500000x64xf32, #tpu.memory_space<hbm>> -> memref<500000x64xf32, #tpu.memory_space<hbm>>
    tpu.enqueue_indirect_dma source(%dma_start3A_213 : memref<500000x64xf32, #tpu.memory_space<hbm>>) target(%dma_start3A_207 : memref<98x64xf32, #tpu.memory_space<vmem>>) offsets(%dma_start3A_210 : memref<98xi32, #tpu.memory_space<vmem>>) semaphore(%arg13 : memref<!tpu.dma_semaphore, #tpu.memory_space<semaphore_mem>>)
    %dma_start3A_214 = arith.constant 1 : i32
    %dma_start3A_215 = arith.constant 4 : i32
    %dma_start3A_216 = arith.constant 1 : i32
    %dma_start3A_217 = arith.constant 4 : i32
    %dma_start3A_218 = arith.constant 0 : i32
    %dma_start3A_219 = arith.constant 0 : i32
    %dma_start3A_220 = tpu.memref_slice %arg7[%dma_start3A_216, %dma_start3A_217, %dma_start3A_218, %dma_start3A_219] : memref<2x5x98x64xf32, #tpu.memory_space<vmem>> -> memref<1x1x98x64xf32, #tpu.memory_space<vmem>>
    %dma_start3A_221 = tpu.memref_squeeze %dma_start3A_220 : memref<1x1x98x64xf32, #tpu.memory_space<vmem>> -> memref<98x64xf32, #tpu.memory_space<vmem>>
    %dma_start3A_222 = arith.constant 0 : i32
    %dma_start3A_223 = tpu.memref_slice %arg6[%dma_start3A_214, %dma_start3A_215, %dma_start3A_222] : memref<2x6x98xi32, #tpu.memory_space<vmem>> -> memref<1x1x98xi32, #tpu.memory_space<vmem>>
    %dma_start3A_224 = tpu.memref_squeeze %dma_start3A_223 : memref<1x1x98xi32, #tpu.memory_space<vmem>> -> memref<98xi32, #tpu.memory_space<vmem>>
    %dma_start3A_225 = arith.constant 0 : i32
    %dma_start3A_226 = arith.constant 0 : i32
    %dma_start3A_227 = tpu.memref_slice %arg2[%dma_start3A_225, %dma_start3A_226] : memref<500000x64xf32, #tpu.memory_space<hbm>> -> memref<500000x64xf32, #tpu.memory_space<hbm>>
    tpu.enqueue_indirect_dma source(%dma_start3A_227 : memref<500000x64xf32, #tpu.memory_space<hbm>>) target(%dma_start3A_221 : memref<98x64xf32, #tpu.memory_space<vmem>>) offsets(%dma_start3A_224 : memref<98xi32, #tpu.memory_space<vmem>>) semaphore(%arg13 : memref<!tpu.dma_semaphore, #tpu.memory_space<semaphore_mem>>)
    %dma_start3A_228 = arith.constant 1 : i32
    %dma_start3A_229 = arith.constant 5 : i32
    %dma_start3A_230 = arith.constant 1 : i32
    %dma_start3A_231 = arith.constant 0 : i32
    %dma_start3A_232 = arith.constant 0 : i32
    %dma_start3A_233 = tpu.memref_slice %arg8[%dma_start3A_230, %dma_start3A_231, %dma_start3A_232] : memref<2x98x64xf32, #tpu.memory_space<vmem>> -> memref<1x98x64xf32, #tpu.memory_space<vmem>>
    %dma_start3A_234 = tpu.memref_squeeze %dma_start3A_233 : memref<1x98x64xf32, #tpu.memory_space<vmem>> -> memref<98x64xf32, #tpu.memory_space<vmem>>
    %dma_start3A_235 = arith.constant 0 : i32
    %dma_start3A_236 = tpu.memref_slice %arg6[%dma_start3A_228, %dma_start3A_229, %dma_start3A_235] : memref<2x6x98xi32, #tpu.memory_space<vmem>> -> memref<1x1x98xi32, #tpu.memory_space<vmem>>
    %dma_start3A_237 = tpu.memref_squeeze %dma_start3A_236 : memref<1x1x98xi32, #tpu.memory_space<vmem>> -> memref<98xi32, #tpu.memory_space<vmem>>
    %dma_start3A_238 = arith.constant 0 : i32
    %dma_start3A_239 = arith.constant 0 : i32
    %dma_start3A_240 = tpu.memref_slice %arg3[%dma_start3A_238, %dma_start3A_239] : memref<100000x64xf32, #tpu.memory_space<hbm>> -> memref<100000x64xf32, #tpu.memory_space<hbm>>
    tpu.enqueue_indirect_dma source(%dma_start3A_240 : memref<100000x64xf32, #tpu.memory_space<hbm>>) target(%dma_start3A_234 : memref<98x64xf32, #tpu.memory_space<vmem>>) offsets(%dma_start3A_237 : memref<98xi32, #tpu.memory_space<vmem>>) semaphore(%arg13 : memref<!tpu.dma_semaphore, #tpu.memory_space<semaphore_mem>>)
    %scan3A = arith.constant 0 : i32
    %scan3A_241 = arith.constant 16 : i32
    %scan3A_242 = arith.addi %scan3A, %scan3A_241 : i32
    %scan3A_243 = arith.constant 1 : i32
    scf.for %scan3A_279 = %scan3A to %scan3A_242 step %scan3A_243  : i32 {
      %mul3A_280 = arith.constant 2 : i32
      %mul3A_281 = arith.muli %scan3A_279, %mul3A_280 : i32
      %add3A_282 = arith.constant 0 : i32
      %add3A_283 = arith.addi %add3A_282, %mul3A_281 : i32
      %add3A_284 = arith.constant 0 : i32
      %add3A_285 = arith.addi %add3A_283, %add3A_284 : i32
      %add3A_286 = arith.addi %mul3A_2, %add3A_285 : i32
      %ge3A = arith.constant 2 : i32
      %ge3A_287 = arith.cmpi sge, %add3A_285, %ge3A : i32
      %convert_element_type3A = arith.extui %ge3A_287 : i1 to i32
      %cond3A = arith.constant 0 : i32
      %cond3A_288 = arith.cmpi ne, %convert_element_type3A, %cond3A : i32
      scf.if %cond3A_288 {
        %dma_wait3A_738 = arith.constant 0 : i32
        %dma_wait3A_739 = arith.constant 0 : i32
        %dma_wait3A_740 = arith.constant 0 : i32
        %dma_wait3A_741 = tpu.memref_slice %arg9[%dma_wait3A_738, %dma_wait3A_739, %dma_wait3A_740] : memref<2x196x64xf32, #tpu.memory_space<vmem>> -> memref<1x196x64xf32, #tpu.memory_space<vmem>>
        %dma_wait3A_742 = tpu.memref_squeeze %dma_wait3A_741 : memref<1x196x64xf32, #tpu.memory_space<vmem>> -> memref<196x64xf32, #tpu.memory_space<vmem>>
        %dma_wait3A_743 = arith.constant 0 : i32
        %dma_wait3A_744 = arith.constant 0 : i32
        %dma_wait3A_745 = tpu.memref_slice %arg5[%add3A_286, %dma_wait3A_743, %dma_wait3A_744] : memref<1024x196x64xf32, #tpu.memory_space<hbm>> -> memref<1x196x64xf32, #tpu.memory_space<hbm>>
        %dma_wait3A_746 = tpu.memref_squeeze %dma_wait3A_745 : memref<1x196x64xf32, #tpu.memory_space<hbm>> -> memref<196x64xf32, #tpu.memory_space<hbm>>
        %dma_wait3A_747 = arith.constant 0 : i32
        %dma_wait3A_748 = arith.constant 0 : i32
        %dma_wait3A_749 = tpu.memref_slice %arg5[%add3A_286, %dma_wait3A_747, %dma_wait3A_748] : memref<1024x196x64xf32, #tpu.memory_space<hbm>> -> memref<1x196x64xf32, #tpu.memory_space<hbm>>
        %dma_wait3A_750 = tpu.memref_squeeze %dma_wait3A_749 : memref<1x196x64xf32, #tpu.memory_space<hbm>> -> memref<196x64xf32, #tpu.memory_space<hbm>>
        %dma_wait3A_751 = arith.constant 0 : i32
        %dma_wait3A_752 = arith.constant 0 : i32
        %dma_wait3A_753 = tpu.memref_slice %arg9[%dma_wait3A_738, %dma_wait3A_751, %dma_wait3A_752] : memref<2x196x64xf32, #tpu.memory_space<vmem>> -> memref<1x196x64xf32, #tpu.memory_space<vmem>>
        %dma_wait3A_754 = tpu.memref_squeeze %dma_wait3A_753 : memref<1x196x64xf32, #tpu.memory_space<vmem>> -> memref<196x64xf32, #tpu.memory_space<vmem>>
        tpu.wait_dma2 semaphore(%arg14 : memref<!tpu.dma_semaphore, #tpu.memory_space<semaphore_mem>>) src(%dma_wait3A_754 : memref<196x64xf32, #tpu.memory_space<vmem>>) dst(%dma_wait3A_750 : memref<196x64xf32, #tpu.memory_space<hbm>>)
      } else {
      }
      %dma_wait3A_289 = arith.constant 0 : i32
      %dma_wait3A_290 = arith.constant 0 : i32
      %dma_wait3A_291 = arith.constant 0 : i32
      %dma_wait3A_292 = arith.constant 0 : i32
      %dma_wait3A_293 = arith.constant 0 : i32
      %dma_wait3A_294 = arith.constant 0 : i32
      %dma_wait3A_295 = tpu.memref_slice %arg7[%dma_wait3A_291, %dma_wait3A_292, %dma_wait3A_293, %dma_wait3A_294] : memref<2x5x98x64xf32, #tpu.memory_space<vmem>> -> memref<1x1x98x64xf32, #tpu.memory_space<vmem>>
      %dma_wait3A_296 = tpu.memref_squeeze %dma_wait3A_295 : memref<1x1x98x64xf32, #tpu.memory_space<vmem>> -> memref<98x64xf32, #tpu.memory_space<vmem>>
      %dma_wait3A_297 = arith.constant 0 : i32
      %dma_wait3A_298 = tpu.memref_slice %arg6[%dma_wait3A_289, %dma_wait3A_290, %dma_wait3A_297] : memref<2x6x98xi32, #tpu.memory_space<vmem>> -> memref<1x1x98xi32, #tpu.memory_space<vmem>>
      %dma_wait3A_299 = tpu.memref_squeeze %dma_wait3A_298 : memref<1x1x98xi32, #tpu.memory_space<vmem>> -> memref<98xi32, #tpu.memory_space<vmem>>
      %dma_wait3A_300 = arith.constant 0 : i32
      %dma_wait3A_301 = arith.constant 0 : i32
      %dma_wait3A_302 = tpu.memref_slice %arg2[%dma_wait3A_300, %dma_wait3A_301] : memref<500000x64xf32, #tpu.memory_space<hbm>> -> memref<500000x64xf32, #tpu.memory_space<hbm>>
      tpu.wait_indirect_dma semaphore(%arg12 : memref<!tpu.dma_semaphore, #tpu.memory_space<semaphore_mem>>) src(%dma_wait3A_302 : memref<500000x64xf32, #tpu.memory_space<hbm>>) dst(%dma_wait3A_296 : memref<98x64xf32, #tpu.memory_space<vmem>>)
      %dma_wait3A_303 = arith.constant 0 : i32
      %dma_wait3A_304 = arith.constant 1 : i32
      %dma_wait3A_305 = arith.constant 0 : i32
      %dma_wait3A_306 = arith.constant 1 : i32
      %dma_wait3A_307 = arith.constant 0 : i32
      %dma_wait3A_308 = arith.constant 0 : i32
      %dma_wait3A_309 = tpu.memref_slice %arg7[%dma_wait3A_305, %dma_wait3A_306, %dma_wait3A_307, %dma_wait3A_308] : memref<2x5x98x64xf32, #tpu.memory_space<vmem>> -> memref<1x1x98x64xf32, #tpu.memory_space<vmem>>
      %dma_wait3A_310 = tpu.memref_squeeze %dma_wait3A_309 : memref<1x1x98x64xf32, #tpu.memory_space<vmem>> -> memref<98x64xf32, #tpu.memory_space<vmem>>
      %dma_wait3A_311 = arith.constant 0 : i32
      %dma_wait3A_312 = tpu.memref_slice %arg6[%dma_wait3A_303, %dma_wait3A_304, %dma_wait3A_311] : memref<2x6x98xi32, #tpu.memory_space<vmem>> -> memref<1x1x98xi32, #tpu.memory_space<vmem>>
      %dma_wait3A_313 = tpu.memref_squeeze %dma_wait3A_312 : memref<1x1x98xi32, #tpu.memory_space<vmem>> -> memref<98xi32, #tpu.memory_space<vmem>>
      %dma_wait3A_314 = arith.constant 0 : i32
      %dma_wait3A_315 = arith.constant 0 : i32
      %dma_wait3A_316 = tpu.memref_slice %arg2[%dma_wait3A_314, %dma_wait3A_315] : memref<500000x64xf32, #tpu.memory_space<hbm>> -> memref<500000x64xf32, #tpu.memory_space<hbm>>
      tpu.wait_indirect_dma semaphore(%arg12 : memref<!tpu.dma_semaphore, #tpu.memory_space<semaphore_mem>>) src(%dma_wait3A_316 : memref<500000x64xf32, #tpu.memory_space<hbm>>) dst(%dma_wait3A_310 : memref<98x64xf32, #tpu.memory_space<vmem>>)
      %dma_wait3A_317 = arith.constant 0 : i32
      %dma_wait3A_318 = arith.constant 2 : i32
      %dma_wait3A_319 = arith.constant 0 : i32
      %dma_wait3A_320 = arith.constant 2 : i32
      %dma_wait3A_321 = arith.constant 0 : i32
      %dma_wait3A_322 = arith.constant 0 : i32
      %dma_wait3A_323 = tpu.memref_slice %arg7[%dma_wait3A_319, %dma_wait3A_320, %dma_wait3A_321, %dma_wait3A_322] : memref<2x5x98x64xf32, #tpu.memory_space<vmem>> -> memref<1x1x98x64xf32, #tpu.memory_space<vmem>>
      %dma_wait3A_324 = tpu.memref_squeeze %dma_wait3A_323 : memref<1x1x98x64xf32, #tpu.memory_space<vmem>> -> memref<98x64xf32, #tpu.memory_space<vmem>>
      %dma_wait3A_325 = arith.constant 0 : i32
      %dma_wait3A_326 = tpu.memref_slice %arg6[%dma_wait3A_317, %dma_wait3A_318, %dma_wait3A_325] : memref<2x6x98xi32, #tpu.memory_space<vmem>> -> memref<1x1x98xi32, #tpu.memory_space<vmem>>
      %dma_wait3A_327 = tpu.memref_squeeze %dma_wait3A_326 : memref<1x1x98xi32, #tpu.memory_space<vmem>> -> memref<98xi32, #tpu.memory_space<vmem>>
      %dma_wait3A_328 = arith.constant 0 : i32
      %dma_wait3A_329 = arith.constant 0 : i32
      %dma_wait3A_330 = tpu.memref_slice %arg2[%dma_wait3A_328, %dma_wait3A_329] : memref<500000x64xf32, #tpu.memory_space<hbm>> -> memref<500000x64xf32, #tpu.memory_space<hbm>>
      tpu.wait_indirect_dma semaphore(%arg12 : memref<!tpu.dma_semaphore, #tpu.memory_space<semaphore_mem>>) src(%dma_wait3A_330 : memref<500000x64xf32, #tpu.memory_space<hbm>>) dst(%dma_wait3A_324 : memref<98x64xf32, #tpu.memory_space<vmem>>)
      %dma_wait3A_331 = arith.constant 0 : i32
      %dma_wait3A_332 = arith.constant 3 : i32
      %dma_wait3A_333 = arith.constant 0 : i32
      %dma_wait3A_334 = arith.constant 3 : i32
      %dma_wait3A_335 = arith.constant 0 : i32
      %dma_wait3A_336 = arith.constant 0 : i32
      %dma_wait3A_337 = tpu.memref_slice %arg7[%dma_wait3A_333, %dma_wait3A_334, %dma_wait3A_335, %dma_wait3A_336] : memref<2x5x98x64xf32, #tpu.memory_space<vmem>> -> memref<1x1x98x64xf32, #tpu.memory_space<vmem>>
      %dma_wait3A_338 = tpu.memref_squeeze %dma_wait3A_337 : memref<1x1x98x64xf32, #tpu.memory_space<vmem>> -> memref<98x64xf32, #tpu.memory_space<vmem>>
      %dma_wait3A_339 = arith.constant 0 : i32
      %dma_wait3A_340 = tpu.memref_slice %arg6[%dma_wait3A_331, %dma_wait3A_332, %dma_wait3A_339] : memref<2x6x98xi32, #tpu.memory_space<vmem>> -> memref<1x1x98xi32, #tpu.memory_space<vmem>>
      %dma_wait3A_341 = tpu.memref_squeeze %dma_wait3A_340 : memref<1x1x98xi32, #tpu.memory_space<vmem>> -> memref<98xi32, #tpu.memory_space<vmem>>
      %dma_wait3A_342 = arith.constant 0 : i32
      %dma_wait3A_343 = arith.constant 0 : i32
      %dma_wait3A_344 = tpu.memref_slice %arg2[%dma_wait3A_342, %dma_wait3A_343] : memref<500000x64xf32, #tpu.memory_space<hbm>> -> memref<500000x64xf32, #tpu.memory_space<hbm>>
      tpu.wait_indirect_dma semaphore(%arg12 : memref<!tpu.dma_semaphore, #tpu.memory_space<semaphore_mem>>) src(%dma_wait3A_344 : memref<500000x64xf32, #tpu.memory_space<hbm>>) dst(%dma_wait3A_338 : memref<98x64xf32, #tpu.memory_space<vmem>>)
      %dma_wait3A_345 = arith.constant 0 : i32
      %dma_wait3A_346 = arith.constant 4 : i32
      %dma_wait3A_347 = arith.constant 0 : i32
      %dma_wait3A_348 = arith.constant 4 : i32
      %dma_wait3A_349 = arith.constant 0 : i32
      %dma_wait3A_350 = arith.constant 0 : i32
      %dma_wait3A_351 = tpu.memref_slice %arg7[%dma_wait3A_347, %dma_wait3A_348, %dma_wait3A_349, %dma_wait3A_350] : memref<2x5x98x64xf32, #tpu.memory_space<vmem>> -> memref<1x1x98x64xf32, #tpu.memory_space<vmem>>
      %dma_wait3A_352 = tpu.memref_squeeze %dma_wait3A_351 : memref<1x1x98x64xf32, #tpu.memory_space<vmem>> -> memref<98x64xf32, #tpu.memory_space<vmem>>
      %dma_wait3A_353 = arith.constant 0 : i32
      %dma_wait3A_354 = tpu.memref_slice %arg6[%dma_wait3A_345, %dma_wait3A_346, %dma_wait3A_353] : memref<2x6x98xi32, #tpu.memory_space<vmem>> -> memref<1x1x98xi32, #tpu.memory_space<vmem>>
      %dma_wait3A_355 = tpu.memref_squeeze %dma_wait3A_354 : memref<1x1x98xi32, #tpu.memory_space<vmem>> -> memref<98xi32, #tpu.memory_space<vmem>>
      %dma_wait3A_356 = arith.constant 0 : i32
      %dma_wait3A_357 = arith.constant 0 : i32
      %dma_wait3A_358 = tpu.memref_slice %arg2[%dma_wait3A_356, %dma_wait3A_357] : memref<500000x64xf32, #tpu.memory_space<hbm>> -> memref<500000x64xf32, #tpu.memory_space<hbm>>
      tpu.wait_indirect_dma semaphore(%arg12 : memref<!tpu.dma_semaphore, #tpu.memory_space<semaphore_mem>>) src(%dma_wait3A_358 : memref<500000x64xf32, #tpu.memory_space<hbm>>) dst(%dma_wait3A_352 : memref<98x64xf32, #tpu.memory_space<vmem>>)
      %dma_wait3A_359 = arith.constant 0 : i32
      %dma_wait3A_360 = arith.constant 5 : i32
      %dma_wait3A_361 = arith.constant 0 : i32
      %dma_wait3A_362 = arith.constant 0 : i32
      %dma_wait3A_363 = arith.constant 0 : i32
      %dma_wait3A_364 = tpu.memref_slice %arg8[%dma_wait3A_361, %dma_wait3A_362, %dma_wait3A_363] : memref<2x98x64xf32, #tpu.memory_space<vmem>> -> memref<1x98x64xf32, #tpu.memory_space<vmem>>
      %dma_wait3A_365 = tpu.memref_squeeze %dma_wait3A_364 : memref<1x98x64xf32, #tpu.memory_space<vmem>> -> memref<98x64xf32, #tpu.memory_space<vmem>>
      %dma_wait3A_366 = arith.constant 0 : i32
      %dma_wait3A_367 = tpu.memref_slice %arg6[%dma_wait3A_359, %dma_wait3A_360, %dma_wait3A_366] : memref<2x6x98xi32, #tpu.memory_space<vmem>> -> memref<1x1x98xi32, #tpu.memory_space<vmem>>
      %dma_wait3A_368 = tpu.memref_squeeze %dma_wait3A_367 : memref<1x1x98xi32, #tpu.memory_space<vmem>> -> memref<98xi32, #tpu.memory_space<vmem>>
      %dma_wait3A_369 = arith.constant 0 : i32
      %dma_wait3A_370 = arith.constant 0 : i32
      %dma_wait3A_371 = tpu.memref_slice %arg3[%dma_wait3A_369, %dma_wait3A_370] : memref<100000x64xf32, #tpu.memory_space<hbm>> -> memref<100000x64xf32, #tpu.memory_space<hbm>>
      tpu.wait_indirect_dma semaphore(%arg12 : memref<!tpu.dma_semaphore, #tpu.memory_space<semaphore_mem>>) src(%dma_wait3A_371 : memref<100000x64xf32, #tpu.memory_space<hbm>>) dst(%dma_wait3A_365 : memref<98x64xf32, #tpu.memory_space<vmem>>)
      %add3A_372 = arith.constant 1 : i32
      %add3A_373 = arith.addi %add3A_285, %add3A_372 : i32
      %lt3A = arith.constant 32 : i32
      %lt3A_374 = arith.cmpi slt, %add3A_373, %lt3A : i32
      %convert_element_type3A_375 = arith.extui %lt3A_374 : i1 to i32
      %cond3A_376 = arith.constant 0 : i32
      %cond3A_377 = arith.cmpi ne, %convert_element_type3A_375, %cond3A_376 : i32
      scf.if %cond3A_377 {
        %add3A_738 = arith.constant 1 : i32
        %add3A_739 = arith.addi %add3A_286, %add3A_738 : i32
        %dma_start3A_740 = arith.constant 0 : i32
        %dma_start3A_741 = arith.constant 0 : i32
        %dma_start3A_742 = arith.constant 0 : i32
        %dma_start3A_743 = arith.constant 0 : i32
        %dma_start3A_744 = tpu.memref_slice %arg6[%dma_start3A_741, %dma_start3A_742, %dma_start3A_743] : memref<2x6x98xi32, #tpu.memory_space<vmem>> -> memref<1x6x98xi32, #tpu.memory_space<vmem>>
        %dma_start3A_745 = tpu.memref_squeeze %dma_start3A_744 : memref<1x6x98xi32, #tpu.memory_space<vmem>> -> memref<6x98xi32, #tpu.memory_space<vmem>>
        %dma_start3A_746 = arith.constant 0 : i32
        %dma_start3A_747 = arith.constant 0 : i32
        %dma_start3A_748 = tpu.memref_slice %arg4[%add3A_739, %dma_start3A_740, %dma_start3A_746, %dma_start3A_747] : memref<1024x2x6x98xi32, #tpu.memory_space<hbm>> -> memref<1x1x6x98xi32, #tpu.memory_space<hbm>>
        %dma_start3A_749 = tpu.memref_squeeze %dma_start3A_748 : memref<1x1x6x98xi32, #tpu.memory_space<hbm>> -> memref<6x98xi32, #tpu.memory_space<hbm>>
        %dma_start3A_750 = arith.constant 0 : i32
        %dma_start3A_751 = arith.constant 0 : i32
        %dma_start3A_752 = tpu.memref_slice %arg6[%dma_start3A_741, %dma_start3A_750, %dma_start3A_751] : memref<2x6x98xi32, #tpu.memory_space<vmem>> -> memref<1x6x98xi32, #tpu.memory_space<vmem>>
        %dma_start3A_753 = tpu.memref_squeeze %dma_start3A_752 : memref<1x6x98xi32, #tpu.memory_space<vmem>> -> memref<6x98xi32, #tpu.memory_space<vmem>>
        %dma_start3A_754 = arith.constant 0 : i32
        %dma_start3A_755 = arith.constant 0 : i32
        %dma_start3A_756 = tpu.memref_slice %arg4[%add3A_739, %dma_start3A_740, %dma_start3A_754, %dma_start3A_755] : memref<1024x2x6x98xi32, #tpu.memory_space<hbm>> -> memref<1x1x6x98xi32, #tpu.memory_space<hbm>>
        %dma_start3A_757 = tpu.memref_squeeze %dma_start3A_756 : memref<1x1x6x98xi32, #tpu.memory_space<hbm>> -> memref<6x98xi32, #tpu.memory_space<hbm>>
        tpu.enqueue_dma source(%dma_start3A_757 : memref<6x98xi32, #tpu.memory_space<hbm>>) target(%dma_start3A_753 : memref<6x98xi32, #tpu.memory_space<vmem>>) target_semaphore(%arg10 : memref<!tpu.dma_semaphore, #tpu.memory_space<semaphore_mem>>)
      } else {
      }
      %scan3A_378 = arith.constant 0 : i32
      %scan3A_379 = arith.constant 98 : i32
      %scan3A_380 = arith.addi %scan3A_378, %scan3A_379 : i32
      %scan3A_381 = arith.constant 1 : i32
      scf.for %scan3A_738 = %scan3A_378 to %scan3A_380 step %scan3A_381  : i32 {
        %mul3A_739 = arith.constant 1 : i32
        %mul3A_740 = arith.muli %scan3A_738, %mul3A_739 : i32
        %add3A_741 = arith.constant 0 : i32
        %add3A_742 = arith.addi %add3A_741, %mul3A_740 : i32
        %get3A = arith.constant 0 : i32
        %get3A_743 = arith.index_cast %get3A : i32 to index
        %get3A_744 = arith.index_cast %add3A_742 : i32 to index
        %get3A_745 = arith.constant 0 : index
        %get3A_746 = tpu.vector_load %arg8[%get3A_743, %get3A_744, %get3A_745] {strides = array<i32>} : memref<2x98x64xf32, #tpu.memory_space<vmem>>, vector<1x1x16xf32>,
        %get3A_747 = vector.shape_cast %get3A_746 : vector<1x1x16xf32> to vector<16xf32>
        %get3A_748 = arith.constant 0 : i32
        %get3A_749 = arith.constant 0 : i32
        %get3A_750 = arith.index_cast %get3A_748 : i32 to index
        %get3A_751 = arith.index_cast %get3A_749 : i32 to index
        %get3A_752 = arith.index_cast %add3A_742 : i32 to index
        %get3A_753 = arith.constant 0 : index
        %get3A_754 = tpu.vector_load %arg7[%get3A_750, %get3A_751, %get3A_752, %get3A_753] {strides = array<i32>} : memref<2x5x98x64xf32, #tpu.memory_space<vmem>>, vector<1x1x1x16xf32>,
        %get3A_755 = vector.shape_cast %get3A_754 : vector<1x1x1x16xf32> to vector<16xf32>
        %mul3A_756 = arith.mulf %get3A_755, %get3A_747 : vector<16xf32>
        %get3A_757 = arith.constant 0 : i32
        %get3A_758 = arith.constant 1 : i32
        %get3A_759 = arith.index_cast %get3A_757 : i32 to index
        %get3A_760 = arith.index_cast %get3A_758 : i32 to index
        %get3A_761 = arith.index_cast %add3A_742 : i32 to index
        %get3A_762 = arith.constant 0 : index
        %get3A_763 = tpu.vector_load %arg7[%get3A_759, %get3A_760, %get3A_761, %get3A_762] {strides = array<i32>} : memref<2x5x98x64xf32, #tpu.memory_space<vmem>>, vector<1x1x1x16xf32>,
        %get3A_764 = vector.shape_cast %get3A_763 : vector<1x1x1x16xf32> to vector<16xf32>
        %mul3A_765 = arith.mulf %get3A_764, %get3A_747 : vector<16xf32>
        %max3A = arith.maximumf %mul3A_756, %mul3A_765 : vector<16xf32>
        %get3A_766 = arith.constant 0 : i32
        %get3A_767 = arith.constant 2 : i32
        %get3A_768 = arith.index_cast %get3A_766 : i32 to index
        %get3A_769 = arith.index_cast %get3A_767 : i32 to index
        %get3A_770 = arith.index_cast %add3A_742 : i32 to index
        %get3A_771 = arith.constant 0 : index
        %get3A_772 = tpu.vector_load %arg7[%get3A_768, %get3A_769, %get3A_770, %get3A_771] {strides = array<i32>} : memref<2x5x98x64xf32, #tpu.memory_space<vmem>>, vector<1x1x1x16xf32>,
        %get3A_773 = vector.shape_cast %get3A_772 : vector<1x1x1x16xf32> to vector<16xf32>
        %mul3A_774 = arith.mulf %get3A_773, %get3A_747 : vector<16xf32>
        %max3A_775 = arith.maximumf %max3A, %mul3A_774 : vector<16xf32>
        %get3A_776 = arith.constant 0 : i32
        %get3A_777 = arith.constant 3 : i32
        %get3A_778 = arith.index_cast %get3A_776 : i32 to index
        %get3A_779 = arith.index_cast %get3A_777 : i32 to index
        %get3A_780 = arith.index_cast %add3A_742 : i32 to index
        %get3A_781 = arith.constant 0 : index
        %get3A_782 = tpu.vector_load %arg7[%get3A_778, %get3A_779, %get3A_780, %get3A_781] {strides = array<i32>} : memref<2x5x98x64xf32, #tpu.memory_space<vmem>>, vector<1x1x1x16xf32>,
        %get3A_783 = vector.shape_cast %get3A_782 : vector<1x1x1x16xf32> to vector<16xf32>
        %mul3A_784 = arith.mulf %get3A_783, %get3A_747 : vector<16xf32>
        %max3A_785 = arith.maximumf %max3A_775, %mul3A_784 : vector<16xf32>
        %get3A_786 = arith.constant 0 : i32
        %get3A_787 = arith.constant 4 : i32
        %get3A_788 = arith.index_cast %get3A_786 : i32 to index
        %get3A_789 = arith.index_cast %get3A_787 : i32 to index
        %get3A_790 = arith.index_cast %add3A_742 : i32 to index
        %get3A_791 = arith.constant 0 : index
        %get3A_792 = tpu.vector_load %arg7[%get3A_788, %get3A_789, %get3A_790, %get3A_791] {strides = array<i32>} : memref<2x5x98x64xf32, #tpu.memory_space<vmem>>, vector<1x1x1x16xf32>,
        %get3A_793 = vector.shape_cast %get3A_792 : vector<1x1x1x16xf32> to vector<16xf32>
        %mul3A_794 = arith.mulf %get3A_793, %get3A_747 : vector<16xf32>
        %max3A_795 = arith.maximumf %max3A_785, %mul3A_794 : vector<16xf32>
        %add3A_796 = arith.constant 0 : i32
        %add3A_797 = arith.addi %add3A_796, %add3A_742 : i32
        %swap3A = arith.constant 0 : i32
        %swap3A_798 = arith.index_cast %swap3A : i32 to index
        %swap3A_799 = arith.index_cast %add3A_797 : i32 to index
        %swap3A_800 = arith.constant 0 : index
        %swap3A_801 = tpu.vector_load %arg9[%swap3A_798, %swap3A_799, %swap3A_800] {strides = array<i32>} : memref<2x196x64xf32, #tpu.memory_space<vmem>>, vector<1x1x16xf32>,
        %swap3A_802 = vector.shape_cast %swap3A_801 : vector<1x1x16xf32> to vector<16xf32>
        %swap3A_803 = vector.shape_cast %max3A_795 : vector<16xf32> to vector<1x1x16xf32>
        tpu.vector_store %arg9[%swap3A_798, %swap3A_799, %swap3A_800], %swap3A_803 {strides = array<i32>} : memref<2x196x64xf32, #tpu.memory_space<vmem>>, vector<1x1x16xf32>,
        %get3A_804 = arith.constant 0 : i32
        %get3A_805 = arith.index_cast %get3A_804 : i32 to index
        %get3A_806 = arith.index_cast %add3A_742 : i32 to index
        %get3A_807 = arith.constant 16 : index
        %get3A_808 = tpu.vector_load %arg8[%get3A_805, %get3A_806, %get3A_807] {strides = array<i32>} : memref<2x98x64xf32, #tpu.memory_space<vmem>>, vector<1x1x16xf32>,
        %get3A_809 = vector.shape_cast %get3A_808 : vector<1x1x16xf32> to vector<16xf32>
        %get3A_810 = arith.constant 0 : i32
        %get3A_811 = arith.constant 0 : i32
        %get3A_812 = arith.index_cast %get3A_810 : i32 to index
        %get3A_813 = arith.index_cast %get3A_811 : i32 to index
        %get3A_814 = arith.index_cast %add3A_742 : i32 to index
        %get3A_815 = arith.constant 16 : index
        %get3A_816 = tpu.vector_load %arg7[%get3A_812, %get3A_813, %get3A_814, %get3A_815] {strides = array<i32>} : memref<2x5x98x64xf32, #tpu.memory_space<vmem>>, vector<1x1x1x16xf32>,
        %get3A_817 = vector.shape_cast %get3A_816 : vector<1x1x1x16xf32> to vector<16xf32>
        %mul3A_818 = arith.mulf %get3A_817, %get3A_809 : vector<16xf32>
        %get3A_819 = arith.constant 0 : i32
        %get3A_820 = arith.constant 1 : i32
        %get3A_821 = arith.index_cast %get3A_819 : i32 to index
        %get3A_822 = arith.index_cast %get3A_820 : i32 to index
        %get3A_823 = arith.index_cast %add3A_742 : i32 to index
        %get3A_824 = arith.constant 16 : index
        %get3A_825 = tpu.vector_load %arg7[%get3A_821, %get3A_822, %get3A_823, %get3A_824] {strides = array<i32>} : memref<2x5x98x64xf32, #tpu.memory_space<vmem>>, vector<1x1x1x16xf32>,
        %get3A_826 = vector.shape_cast %get3A_825 : vector<1x1x1x16xf32> to vector<16xf32>
        %mul3A_827 = arith.mulf %get3A_826, %get3A_809 : vector<16xf32>
        %max3A_828 = arith.maximumf %mul3A_818, %mul3A_827 : vector<16xf32>
        %get3A_829 = arith.constant 0 : i32
        %get3A_830 = arith.constant 2 : i32
        %get3A_831 = arith.index_cast %get3A_829 : i32 to index
        %get3A_832 = arith.index_cast %get3A_830 : i32 to index
        %get3A_833 = arith.index_cast %add3A_742 : i32 to index
        %get3A_834 = arith.constant 16 : index
        %get3A_835 = tpu.vector_load %arg7[%get3A_831, %get3A_832, %get3A_833, %get3A_834] {strides = array<i32>} : memref<2x5x98x64xf32, #tpu.memory_space<vmem>>, vector<1x1x1x16xf32>,
        %get3A_836 = vector.shape_cast %get3A_835 : vector<1x1x1x16xf32> to vector<16xf32>
        %mul3A_837 = arith.mulf %get3A_836, %get3A_809 : vector<16xf32>
        %max3A_838 = arith.maximumf %max3A_828, %mul3A_837 : vector<16xf32>
        %get3A_839 = arith.constant 0 : i32
        %get3A_840 = arith.constant 3 : i32
        %get3A_841 = arith.index_cast %get3A_839 : i32 to index
        %get3A_842 = arith.index_cast %get3A_840 : i32 to index
        %get3A_843 = arith.index_cast %add3A_742 : i32 to index
        %get3A_844 = arith.constant 16 : index
        %get3A_845 = tpu.vector_load %arg7[%get3A_841, %get3A_842, %get3A_843, %get3A_844] {strides = array<i32>} : memref<2x5x98x64xf32, #tpu.memory_space<vmem>>, vector<1x1x1x16xf32>,
        %get3A_846 = vector.shape_cast %get3A_845 : vector<1x1x1x16xf32> to vector<16xf32>
        %mul3A_847 = arith.mulf %get3A_846, %get3A_809 : vector<16xf32>
        %max3A_848 = arith.maximumf %max3A_838, %mul3A_847 : vector<16xf32>
        %get3A_849 = arith.constant 0 : i32
        %get3A_850 = arith.constant 4 : i32
        %get3A_851 = arith.index_cast %get3A_849 : i32 to index
        %get3A_852 = arith.index_cast %get3A_850 : i32 to index
        %get3A_853 = arith.index_cast %add3A_742 : i32 to index
        %get3A_854 = arith.constant 16 : index
        %get3A_855 = tpu.vector_load %arg7[%get3A_851, %get3A_852, %get3A_853, %get3A_854] {strides = array<i32>} : memref<2x5x98x64xf32, #tpu.memory_space<vmem>>, vector<1x1x1x16xf32>,
        %get3A_856 = vector.shape_cast %get3A_855 : vector<1x1x1x16xf32> to vector<16xf32>
        %mul3A_857 = arith.mulf %get3A_856, %get3A_809 : vector<16xf32>
        %max3A_858 = arith.maximumf %max3A_848, %mul3A_857 : vector<16xf32>
        %add3A_859 = arith.constant 0 : i32
        %add3A_860 = arith.addi %add3A_859, %add3A_742 : i32
        %swap3A_861 = arith.constant 0 : i32
        %swap3A_862 = arith.index_cast %swap3A_861 : i32 to index
        %swap3A_863 = arith.index_cast %add3A_860 : i32 to index
        %swap3A_864 = arith.constant 16 : index
        %swap3A_865 = tpu.vector_load %arg9[%swap3A_862, %swap3A_863, %swap3A_864] {strides = array<i32>} : memref<2x196x64xf32, #tpu.memory_space<vmem>>, vector<1x1x16xf32>,
        %swap3A_866 = vector.shape_cast %swap3A_865 : vector<1x1x16xf32> to vector<16xf32>
        %swap3A_867 = vector.shape_cast %max3A_858 : vector<16xf32> to vector<1x1x16xf32>
        tpu.vector_store %arg9[%swap3A_862, %swap3A_863, %swap3A_864], %swap3A_867 {strides = array<i32>} : memref<2x196x64xf32, #tpu.memory_space<vmem>>, vector<1x1x16xf32>,
        %get3A_868 = arith.constant 0 : i32
        %get3A_869 = arith.index_cast %get3A_868 : i32 to index
        %get3A_870 = arith.index_cast %add3A_742 : i32 to index
        %get3A_871 = arith.constant 32 : index
        %get3A_872 = tpu.vector_load %arg8[%get3A_869, %get3A_870, %get3A_871] {strides = array<i32>} : memref<2x98x64xf32, #tpu.memory_space<vmem>>, vector<1x1x16xf32>,
        %get3A_873 = vector.shape_cast %get3A_872 : vector<1x1x16xf32> to vector<16xf32>
        %get3A_874 = arith.constant 0 : i32
        %get3A_875 = arith.constant 0 : i32
        %get3A_876 = arith.index_cast %get3A_874 : i32 to index
        %get3A_877 = arith.index_cast %get3A_875 : i32 to index
        %get3A_878 = arith.index_cast %add3A_742 : i32 to index
        %get3A_879 = arith.constant 32 : index
        %get3A_880 = tpu.vector_load %arg7[%get3A_876, %get3A_877, %get3A_878, %get3A_879] {strides = array<i32>} : memref<2x5x98x64xf32, #tpu.memory_space<vmem>>, vector<1x1x1x16xf32>,
        %get3A_881 = vector.shape_cast %get3A_880 : vector<1x1x1x16xf32> to vector<16xf32>
        %mul3A_882 = arith.mulf %get3A_881, %get3A_873 : vector<16xf32>
        %get3A_883 = arith.constant 0 : i32
        %get3A_884 = arith.constant 1 : i32
        %get3A_885 = arith.index_cast %get3A_883 : i32 to index
        %get3A_886 = arith.index_cast %get3A_884 : i32 to index
        %get3A_887 = arith.index_cast %add3A_742 : i32 to index
        %get3A_888 = arith.constant 32 : index
        %get3A_889 = tpu.vector_load %arg7[%get3A_885, %get3A_886, %get3A_887, %get3A_888] {strides = array<i32>} : memref<2x5x98x64xf32, #tpu.memory_space<vmem>>, vector<1x1x1x16xf32>,
        %get3A_890 = vector.shape_cast %get3A_889 : vector<1x1x1x16xf32> to vector<16xf32>
        %mul3A_891 = arith.mulf %get3A_890, %get3A_873 : vector<16xf32>
        %max3A_892 = arith.maximumf %mul3A_882, %mul3A_891 : vector<16xf32>
        %get3A_893 = arith.constant 0 : i32
        %get3A_894 = arith.constant 2 : i32
        %get3A_895 = arith.index_cast %get3A_893 : i32 to index
        %get3A_896 = arith.index_cast %get3A_894 : i32 to index
        %get3A_897 = arith.index_cast %add3A_742 : i32 to index
        %get3A_898 = arith.constant 32 : index
        %get3A_899 = tpu.vector_load %arg7[%get3A_895, %get3A_896, %get3A_897, %get3A_898] {strides = array<i32>} : memref<2x5x98x64xf32, #tpu.memory_space<vmem>>, vector<1x1x1x16xf32>,
        %get3A_900 = vector.shape_cast %get3A_899 : vector<1x1x1x16xf32> to vector<16xf32>
        %mul3A_901 = arith.mulf %get3A_900, %get3A_873 : vector<16xf32>
        %max3A_902 = arith.maximumf %max3A_892, %mul3A_901 : vector<16xf32>
        %get3A_903 = arith.constant 0 : i32
        %get3A_904 = arith.constant 3 : i32
        %get3A_905 = arith.index_cast %get3A_903 : i32 to index
        %get3A_906 = arith.index_cast %get3A_904 : i32 to index
        %get3A_907 = arith.index_cast %add3A_742 : i32 to index
        %get3A_908 = arith.constant 32 : index
        %get3A_909 = tpu.vector_load %arg7[%get3A_905, %get3A_906, %get3A_907, %get3A_908] {strides = array<i32>} : memref<2x5x98x64xf32, #tpu.memory_space<vmem>>, vector<1x1x1x16xf32>,
        %get3A_910 = vector.shape_cast %get3A_909 : vector<1x1x1x16xf32> to vector<16xf32>
        %mul3A_911 = arith.mulf %get3A_910, %get3A_873 : vector<16xf32>
        %max3A_912 = arith.maximumf %max3A_902, %mul3A_911 : vector<16xf32>
        %get3A_913 = arith.constant 0 : i32
        %get3A_914 = arith.constant 4 : i32
        %get3A_915 = arith.index_cast %get3A_913 : i32 to index
        %get3A_916 = arith.index_cast %get3A_914 : i32 to index
        %get3A_917 = arith.index_cast %add3A_742 : i32 to index
        %get3A_918 = arith.constant 32 : index
        %get3A_919 = tpu.vector_load %arg7[%get3A_915, %get3A_916, %get3A_917, %get3A_918] {strides = array<i32>} : memref<2x5x98x64xf32, #tpu.memory_space<vmem>>, vector<1x1x1x16xf32>,
        %get3A_920 = vector.shape_cast %get3A_919 : vector<1x1x1x16xf32> to vector<16xf32>
        %mul3A_921 = arith.mulf %get3A_920, %get3A_873 : vector<16xf32>
        %max3A_922 = arith.maximumf %max3A_912, %mul3A_921 : vector<16xf32>
        %add3A_923 = arith.constant 0 : i32
        %add3A_924 = arith.addi %add3A_923, %add3A_742 : i32
        %swap3A_925 = arith.constant 0 : i32
        %swap3A_926 = arith.index_cast %swap3A_925 : i32 to index
        %swap3A_927 = arith.index_cast %add3A_924 : i32 to index
        %swap3A_928 = arith.constant 32 : index
        %swap3A_929 = tpu.vector_load %arg9[%swap3A_926, %swap3A_927, %swap3A_928] {strides = array<i32>} : memref<2x196x64xf32, #tpu.memory_space<vmem>>, vector<1x1x16xf32>,
        %swap3A_930 = vector.shape_cast %swap3A_929 : vector<1x1x16xf32> to vector<16xf32>
        %swap3A_931 = vector.shape_cast %max3A_922 : vector<16xf32> to vector<1x1x16xf32>
        tpu.vector_store %arg9[%swap3A_926, %swap3A_927, %swap3A_928], %swap3A_931 {strides = array<i32>} : memref<2x196x64xf32, #tpu.memory_space<vmem>>, vector<1x1x16xf32>,
        %get3A_932 = arith.constant 0 : i32
        %get3A_933 = arith.index_cast %get3A_932 : i32 to index
        %get3A_934 = arith.index_cast %add3A_742 : i32 to index
        %get3A_935 = arith.constant 48 : index
        %get3A_936 = tpu.vector_load %arg8[%get3A_933, %get3A_934, %get3A_935] {strides = array<i32>} : memref<2x98x64xf32, #tpu.memory_space<vmem>>, vector<1x1x16xf32>,
        %get3A_937 = vector.shape_cast %get3A_936 : vector<1x1x16xf32> to vector<16xf32>
        %get3A_938 = arith.constant 0 : i32
        %get3A_939 = arith.constant 0 : i32
        %get3A_940 = arith.index_cast %get3A_938 : i32 to index
        %get3A_941 = arith.index_cast %get3A_939 : i32 to index
        %get3A_942 = arith.index_cast %add3A_742 : i32 to index
        %get3A_943 = arith.constant 48 : index
        %get3A_944 = tpu.vector_load %arg7[%get3A_940, %get3A_941, %get3A_942, %get3A_943] {strides = array<i32>} : memref<2x5x98x64xf32, #tpu.memory_space<vmem>>, vector<1x1x1x16xf32>,
        %get3A_945 = vector.shape_cast %get3A_944 : vector<1x1x1x16xf32> to vector<16xf32>
        %mul3A_946 = arith.mulf %get3A_945, %get3A_937 : vector<16xf32>
        %get3A_947 = arith.constant 0 : i32
        %get3A_948 = arith.constant 1 : i32
        %get3A_949 = arith.index_cast %get3A_947 : i32 to index
        %get3A_950 = arith.index_cast %get3A_948 : i32 to index
        %get3A_951 = arith.index_cast %add3A_742 : i32 to index
        %get3A_952 = arith.constant 48 : index
        %get3A_953 = tpu.vector_load %arg7[%get3A_949, %get3A_950, %get3A_951, %get3A_952] {strides = array<i32>} : memref<2x5x98x64xf32, #tpu.memory_space<vmem>>, vector<1x1x1x16xf32>,
        %get3A_954 = vector.shape_cast %get3A_953 : vector<1x1x1x16xf32> to vector<16xf32>
        %mul3A_955 = arith.mulf %get3A_954, %get3A_937 : vector<16xf32>
        %max3A_956 = arith.maximumf %mul3A_946, %mul3A_955 : vector<16xf32>
        %get3A_957 = arith.constant 0 : i32
        %get3A_958 = arith.constant 2 : i32
        %get3A_959 = arith.index_cast %get3A_957 : i32 to index
        %get3A_960 = arith.index_cast %get3A_958 : i32 to index
        %get3A_961 = arith.index_cast %add3A_742 : i32 to index
        %get3A_962 = arith.constant 48 : index
        %get3A_963 = tpu.vector_load %arg7[%get3A_959, %get3A_960, %get3A_961, %get3A_962] {strides = array<i32>} : memref<2x5x98x64xf32, #tpu.memory_space<vmem>>, vector<1x1x1x16xf32>,
        %get3A_964 = vector.shape_cast %get3A_963 : vector<1x1x1x16xf32> to vector<16xf32>
        %mul3A_965 = arith.mulf %get3A_964, %get3A_937 : vector<16xf32>
        %max3A_966 = arith.maximumf %max3A_956, %mul3A_965 : vector<16xf32>
        %get3A_967 = arith.constant 0 : i32
        %get3A_968 = arith.constant 3 : i32
        %get3A_969 = arith.index_cast %get3A_967 : i32 to index
        %get3A_970 = arith.index_cast %get3A_968 : i32 to index
        %get3A_971 = arith.index_cast %add3A_742 : i32 to index
        %get3A_972 = arith.constant 48 : index
        %get3A_973 = tpu.vector_load %arg7[%get3A_969, %get3A_970, %get3A_971, %get3A_972] {strides = array<i32>} : memref<2x5x98x64xf32, #tpu.memory_space<vmem>>, vector<1x1x1x16xf32>,
        %get3A_974 = vector.shape_cast %get3A_973 : vector<1x1x1x16xf32> to vector<16xf32>
        %mul3A_975 = arith.mulf %get3A_974, %get3A_937 : vector<16xf32>
        %max3A_976 = arith.maximumf %max3A_966, %mul3A_975 : vector<16xf32>
        %get3A_977 = arith.constant 0 : i32
        %get3A_978 = arith.constant 4 : i32
        %get3A_979 = arith.index_cast %get3A_977 : i32 to index
        %get3A_980 = arith.index_cast %get3A_978 : i32 to index
        %get3A_981 = arith.index_cast %add3A_742 : i32 to index
        %get3A_982 = arith.constant 48 : index
        %get3A_983 = tpu.vector_load %arg7[%get3A_979, %get3A_980, %get3A_981, %get3A_982] {strides = array<i32>} : memref<2x5x98x64xf32, #tpu.memory_space<vmem>>, vector<1x1x1x16xf32>,
        %get3A_984 = vector.shape_cast %get3A_983 : vector<1x1x1x16xf32> to vector<16xf32>
        %mul3A_985 = arith.mulf %get3A_984, %get3A_937 : vector<16xf32>
        %max3A_986 = arith.maximumf %max3A_976, %mul3A_985 : vector<16xf32>
        %add3A_987 = arith.constant 0 : i32
        %add3A_988 = arith.addi %add3A_987, %add3A_742 : i32
        %swap3A_989 = arith.constant 0 : i32
        %swap3A_990 = arith.index_cast %swap3A_989 : i32 to index
        %swap3A_991 = arith.index_cast %add3A_988 : i32 to index
        %swap3A_992 = arith.constant 48 : index
        %swap3A_993 = tpu.vector_load %arg9[%swap3A_990, %swap3A_991, %swap3A_992] {strides = array<i32>} : memref<2x196x64xf32, #tpu.memory_space<vmem>>, vector<1x1x16xf32>,
        %swap3A_994 = vector.shape_cast %swap3A_993 : vector<1x1x16xf32> to vector<16xf32>
        %swap3A_995 = vector.shape_cast %max3A_986 : vector<16xf32> to vector<1x1x16xf32>
        tpu.vector_store %arg9[%swap3A_990, %swap3A_991, %swap3A_992], %swap3A_995 {strides = array<i32>} : memref<2x196x64xf32, #tpu.memory_space<vmem>>, vector<1x1x16xf32>,
      }
      %scan3A_382 = arith.constant 98 : i32
      %add3A_383 = arith.constant 1 : i32
      %add3A_384 = arith.addi %add3A_285, %add3A_383 : i32
      %lt3A_385 = arith.constant 32 : i32
      %lt3A_386 = arith.cmpi slt, %add3A_384, %lt3A_385 : i32
      %convert_element_type3A_387 = arith.extui %lt3A_386 : i1 to i32
      %cond3A_388 = arith.constant 0 : i32
      %cond3A_389 = arith.cmpi ne, %convert_element_type3A_387, %cond3A_388 : i32
      scf.if %cond3A_389 {
        %dma_wait3A_738 = arith.constant 0 : i32
        %dma_wait3A_739 = arith.constant 0 : i32
        %dma_wait3A_740 = arith.constant 0 : i32
        %dma_wait3A_741 = arith.constant 0 : i32
        %dma_wait3A_742 = arith.constant 0 : i32
        %dma_wait3A_743 = tpu.memref_slice %arg6[%dma_wait3A_740, %dma_wait3A_741, %dma_wait3A_742] : memref<2x6x98xi32, #tpu.memory_space<vmem>> -> memref<1x6x98xi32, #tpu.memory_space<vmem>>
        %dma_wait3A_744 = tpu.memref_squeeze %dma_wait3A_743 : memref<1x6x98xi32, #tpu.memory_space<vmem>> -> memref<6x98xi32, #tpu.memory_space<vmem>>
        %dma_wait3A_745 = arith.constant 0 : i32
        %dma_wait3A_746 = arith.constant 0 : i32
        %dma_wait3A_747 = tpu.memref_slice %arg4[%dma_wait3A_738, %dma_wait3A_739, %dma_wait3A_745, %dma_wait3A_746] : memref<1024x2x6x98xi32, #tpu.memory_space<hbm>> -> memref<1x1x6x98xi32, #tpu.memory_space<hbm>>
        %dma_wait3A_748 = tpu.memref_squeeze %dma_wait3A_747 : memref<1x1x6x98xi32, #tpu.memory_space<hbm>> -> memref<6x98xi32, #tpu.memory_space<hbm>>
        %dma_wait3A_749 = arith.constant 0 : i32
        %dma_wait3A_750 = arith.constant 0 : i32
        %dma_wait3A_751 = tpu.memref_slice %arg6[%dma_wait3A_740, %dma_wait3A_749, %dma_wait3A_750] : memref<2x6x98xi32, #tpu.memory_space<vmem>> -> memref<1x6x98xi32, #tpu.memory_space<vmem>>
        %dma_wait3A_752 = tpu.memref_squeeze %dma_wait3A_751 : memref<1x6x98xi32, #tpu.memory_space<vmem>> -> memref<6x98xi32, #tpu.memory_space<vmem>>
        %dma_wait3A_753 = arith.constant 0 : i32
        %dma_wait3A_754 = arith.constant 0 : i32
        %dma_wait3A_755 = tpu.memref_slice %arg4[%dma_wait3A_738, %dma_wait3A_739, %dma_wait3A_753, %dma_wait3A_754] : memref<1024x2x6x98xi32, #tpu.memory_space<hbm>> -> memref<1x1x6x98xi32, #tpu.memory_space<hbm>>
        %dma_wait3A_756 = tpu.memref_squeeze %dma_wait3A_755 : memref<1x1x6x98xi32, #tpu.memory_space<hbm>> -> memref<6x98xi32, #tpu.memory_space<hbm>>
        tpu.wait_dma2 semaphore(%arg10 : memref<!tpu.dma_semaphore, #tpu.memory_space<semaphore_mem>>) src(%dma_wait3A_756 : memref<6x98xi32, #tpu.memory_space<hbm>>) dst(%dma_wait3A_752 : memref<6x98xi32, #tpu.memory_space<vmem>>)
        %dma_start3A_757 = arith.constant 0 : i32
        %dma_start3A_758 = arith.constant 0 : i32
        %dma_start3A_759 = arith.constant 0 : i32
        %dma_start3A_760 = arith.constant 0 : i32
        %dma_start3A_761 = arith.constant 0 : i32
        %dma_start3A_762 = arith.constant 0 : i32
        %dma_start3A_763 = tpu.memref_slice %arg7[%dma_start3A_759, %dma_start3A_760, %dma_start3A_761, %dma_start3A_762] : memref<2x5x98x64xf32, #tpu.memory_space<vmem>> -> memref<1x1x98x64xf32, #tpu.memory_space<vmem>>
        %dma_start3A_764 = tpu.memref_squeeze %dma_start3A_763 : memref<1x1x98x64xf32, #tpu.memory_space<vmem>> -> memref<98x64xf32, #tpu.memory_space<vmem>>
        %dma_start3A_765 = arith.constant 0 : i32
        %dma_start3A_766 = tpu.memref_slice %arg6[%dma_start3A_757, %dma_start3A_758, %dma_start3A_765] : memref<2x6x98xi32, #tpu.memory_space<vmem>> -> memref<1x1x98xi32, #tpu.memory_space<vmem>>
        %dma_start3A_767 = tpu.memref_squeeze %dma_start3A_766 : memref<1x1x98xi32, #tpu.memory_space<vmem>> -> memref<98xi32, #tpu.memory_space<vmem>>
        %dma_start3A_768 = arith.constant 0 : i32
        %dma_start3A_769 = arith.constant 0 : i32
        %dma_start3A_770 = tpu.memref_slice %arg2[%dma_start3A_768, %dma_start3A_769] : memref<500000x64xf32, #tpu.memory_space<hbm>> -> memref<500000x64xf32, #tpu.memory_space<hbm>>
        tpu.enqueue_indirect_dma source(%dma_start3A_770 : memref<500000x64xf32, #tpu.memory_space<hbm>>) target(%dma_start3A_764 : memref<98x64xf32, #tpu.memory_space<vmem>>) offsets(%dma_start3A_767 : memref<98xi32, #tpu.memory_space<vmem>>) semaphore(%arg12 : memref<!tpu.dma_semaphore, #tpu.memory_space<semaphore_mem>>)
        %dma_start3A_771 = arith.constant 0 : i32
        %dma_start3A_772 = arith.constant 1 : i32
        %dma_start3A_773 = arith.constant 0 : i32
        %dma_start3A_774 = arith.constant 1 : i32
        %dma_start3A_775 = arith.constant 0 : i32
        %dma_start3A_776 = arith.constant 0 : i32
        %dma_start3A_777 = tpu.memref_slice %arg7[%dma_start3A_773, %dma_start3A_774, %dma_start3A_775, %dma_start3A_776] : memref<2x5x98x64xf32, #tpu.memory_space<vmem>> -> memref<1x1x98x64xf32, #tpu.memory_space<vmem>>
        %dma_start3A_778 = tpu.memref_squeeze %dma_start3A_777 : memref<1x1x98x64xf32, #tpu.memory_space<vmem>> -> memref<98x64xf32, #tpu.memory_space<vmem>>
        %dma_start3A_779 = arith.constant 0 : i32
        %dma_start3A_780 = tpu.memref_slice %arg6[%dma_start3A_771, %dma_start3A_772, %dma_start3A_779] : memref<2x6x98xi32, #tpu.memory_space<vmem>> -> memref<1x1x98xi32, #tpu.memory_space<vmem>>
        %dma_start3A_781 = tpu.memref_squeeze %dma_start3A_780 : memref<1x1x98xi32, #tpu.memory_space<vmem>> -> memref<98xi32, #tpu.memory_space<vmem>>
        %dma_start3A_782 = arith.constant 0 : i32
        %dma_start3A_783 = arith.constant 0 : i32
        %dma_start3A_784 = tpu.memref_slice %arg2[%dma_start3A_782, %dma_start3A_783] : memref<500000x64xf32, #tpu.memory_space<hbm>> -> memref<500000x64xf32, #tpu.memory_space<hbm>>
        tpu.enqueue_indirect_dma source(%dma_start3A_784 : memref<500000x64xf32, #tpu.memory_space<hbm>>) target(%dma_start3A_778 : memref<98x64xf32, #tpu.memory_space<vmem>>) offsets(%dma_start3A_781 : memref<98xi32, #tpu.memory_space<vmem>>) semaphore(%arg12 : memref<!tpu.dma_semaphore, #tpu.memory_space<semaphore_mem>>)
        %dma_start3A_785 = arith.constant 0 : i32
        %dma_start3A_786 = arith.constant 2 : i32
        %dma_start3A_787 = arith.constant 0 : i32
        %dma_start3A_788 = arith.constant 2 : i32
        %dma_start3A_789 = arith.constant 0 : i32
        %dma_start3A_790 = arith.constant 0 : i32
        %dma_start3A_791 = tpu.memref_slice %arg7[%dma_start3A_787, %dma_start3A_788, %dma_start3A_789, %dma_start3A_790] : memref<2x5x98x64xf32, #tpu.memory_space<vmem>> -> memref<1x1x98x64xf32, #tpu.memory_space<vmem>>
        %dma_start3A_792 = tpu.memref_squeeze %dma_start3A_791 : memref<1x1x98x64xf32, #tpu.memory_space<vmem>> -> memref<98x64xf32, #tpu.memory_space<vmem>>
        %dma_start3A_793 = arith.constant 0 : i32
        %dma_start3A_794 = tpu.memref_slice %arg6[%dma_start3A_785, %dma_start3A_786, %dma_start3A_793] : memref<2x6x98xi32, #tpu.memory_space<vmem>> -> memref<1x1x98xi32, #tpu.memory_space<vmem>>
        %dma_start3A_795 = tpu.memref_squeeze %dma_start3A_794 : memref<1x1x98xi32, #tpu.memory_space<vmem>> -> memref<98xi32, #tpu.memory_space<vmem>>
        %dma_start3A_796 = arith.constant 0 : i32
        %dma_start3A_797 = arith.constant 0 : i32
        %dma_start3A_798 = tpu.memref_slice %arg2[%dma_start3A_796, %dma_start3A_797] : memref<500000x64xf32, #tpu.memory_space<hbm>> -> memref<500000x64xf32, #tpu.memory_space<hbm>>
        tpu.enqueue_indirect_dma source(%dma_start3A_798 : memref<500000x64xf32, #tpu.memory_space<hbm>>) target(%dma_start3A_792 : memref<98x64xf32, #tpu.memory_space<vmem>>) offsets(%dma_start3A_795 : memref<98xi32, #tpu.memory_space<vmem>>) semaphore(%arg12 : memref<!tpu.dma_semaphore, #tpu.memory_space<semaphore_mem>>)
        %dma_start3A_799 = arith.constant 0 : i32
        %dma_start3A_800 = arith.constant 3 : i32
        %dma_start3A_801 = arith.constant 0 : i32
        %dma_start3A_802 = arith.constant 3 : i32
        %dma_start3A_803 = arith.constant 0 : i32
        %dma_start3A_804 = arith.constant 0 : i32
        %dma_start3A_805 = tpu.memref_slice %arg7[%dma_start3A_801, %dma_start3A_802, %dma_start3A_803, %dma_start3A_804] : memref<2x5x98x64xf32, #tpu.memory_space<vmem>> -> memref<1x1x98x64xf32, #tpu.memory_space<vmem>>
        %dma_start3A_806 = tpu.memref_squeeze %dma_start3A_805 : memref<1x1x98x64xf32, #tpu.memory_space<vmem>> -> memref<98x64xf32, #tpu.memory_space<vmem>>
        %dma_start3A_807 = arith.constant 0 : i32
        %dma_start3A_808 = tpu.memref_slice %arg6[%dma_start3A_799, %dma_start3A_800, %dma_start3A_807] : memref<2x6x98xi32, #tpu.memory_space<vmem>> -> memref<1x1x98xi32, #tpu.memory_space<vmem>>
        %dma_start3A_809 = tpu.memref_squeeze %dma_start3A_808 : memref<1x1x98xi32, #tpu.memory_space<vmem>> -> memref<98xi32, #tpu.memory_space<vmem>>
        %dma_start3A_810 = arith.constant 0 : i32
        %dma_start3A_811 = arith.constant 0 : i32
        %dma_start3A_812 = tpu.memref_slice %arg2[%dma_start3A_810, %dma_start3A_811] : memref<500000x64xf32, #tpu.memory_space<hbm>> -> memref<500000x64xf32, #tpu.memory_space<hbm>>
        tpu.enqueue_indirect_dma source(%dma_start3A_812 : memref<500000x64xf32, #tpu.memory_space<hbm>>) target(%dma_start3A_806 : memref<98x64xf32, #tpu.memory_space<vmem>>) offsets(%dma_start3A_809 : memref<98xi32, #tpu.memory_space<vmem>>) semaphore(%arg12 : memref<!tpu.dma_semaphore, #tpu.memory_space<semaphore_mem>>)
        %dma_start3A_813 = arith.constant 0 : i32
        %dma_start3A_814 = arith.constant 4 : i32
        %dma_start3A_815 = arith.constant 0 : i32
        %dma_start3A_816 = arith.constant 4 : i32
        %dma_start3A_817 = arith.constant 0 : i32
        %dma_start3A_818 = arith.constant 0 : i32
        %dma_start3A_819 = tpu.memref_slice %arg7[%dma_start3A_815, %dma_start3A_816, %dma_start3A_817, %dma_start3A_818] : memref<2x5x98x64xf32, #tpu.memory_space<vmem>> -> memref<1x1x98x64xf32, #tpu.memory_space<vmem>>
        %dma_start3A_820 = tpu.memref_squeeze %dma_start3A_819 : memref<1x1x98x64xf32, #tpu.memory_space<vmem>> -> memref<98x64xf32, #tpu.memory_space<vmem>>
        %dma_start3A_821 = arith.constant 0 : i32
        %dma_start3A_822 = tpu.memref_slice %arg6[%dma_start3A_813, %dma_start3A_814, %dma_start3A_821] : memref<2x6x98xi32, #tpu.memory_space<vmem>> -> memref<1x1x98xi32, #tpu.memory_space<vmem>>
        %dma_start3A_823 = tpu.memref_squeeze %dma_start3A_822 : memref<1x1x98xi32, #tpu.memory_space<vmem>> -> memref<98xi32, #tpu.memory_space<vmem>>
        %dma_start3A_824 = arith.constant 0 : i32
        %dma_start3A_825 = arith.constant 0 : i32
        %dma_start3A_826 = tpu.memref_slice %arg2[%dma_start3A_824, %dma_start3A_825] : memref<500000x64xf32, #tpu.memory_space<hbm>> -> memref<500000x64xf32, #tpu.memory_space<hbm>>
        tpu.enqueue_indirect_dma source(%dma_start3A_826 : memref<500000x64xf32, #tpu.memory_space<hbm>>) target(%dma_start3A_820 : memref<98x64xf32, #tpu.memory_space<vmem>>) offsets(%dma_start3A_823 : memref<98xi32, #tpu.memory_space<vmem>>) semaphore(%arg12 : memref<!tpu.dma_semaphore, #tpu.memory_space<semaphore_mem>>)
        %dma_start3A_827 = arith.constant 0 : i32
        %dma_start3A_828 = arith.constant 5 : i32
        %dma_start3A_829 = arith.constant 0 : i32
        %dma_start3A_830 = arith.constant 0 : i32
        %dma_start3A_831 = arith.constant 0 : i32
        %dma_start3A_832 = tpu.memref_slice %arg8[%dma_start3A_829, %dma_start3A_830, %dma_start3A_831] : memref<2x98x64xf32, #tpu.memory_space<vmem>> -> memref<1x98x64xf32, #tpu.memory_space<vmem>>
        %dma_start3A_833 = tpu.memref_squeeze %dma_start3A_832 : memref<1x98x64xf32, #tpu.memory_space<vmem>> -> memref<98x64xf32, #tpu.memory_space<vmem>>
        %dma_start3A_834 = arith.constant 0 : i32
        %dma_start3A_835 = tpu.memref_slice %arg6[%dma_start3A_827, %dma_start3A_828, %dma_start3A_834] : memref<2x6x98xi32, #tpu.memory_space<vmem>> -> memref<1x1x98xi32, #tpu.memory_space<vmem>>
        %dma_start3A_836 = tpu.memref_squeeze %dma_start3A_835 : memref<1x1x98xi32, #tpu.memory_space<vmem>> -> memref<98xi32, #tpu.memory_space<vmem>>
        %dma_start3A_837 = arith.constant 0 : i32
        %dma_start3A_838 = arith.constant 0 : i32
        %dma_start3A_839 = tpu.memref_slice %arg3[%dma_start3A_837, %dma_start3A_838] : memref<100000x64xf32, #tpu.memory_space<hbm>> -> memref<100000x64xf32, #tpu.memory_space<hbm>>
        tpu.enqueue_indirect_dma source(%dma_start3A_839 : memref<100000x64xf32, #tpu.memory_space<hbm>>) target(%dma_start3A_833 : memref<98x64xf32, #tpu.memory_space<vmem>>) offsets(%dma_start3A_836 : memref<98xi32, #tpu.memory_space<vmem>>) semaphore(%arg12 : memref<!tpu.dma_semaphore, #tpu.memory_space<semaphore_mem>>)
      } else {
      }
      %dma_wait3A_390 = arith.constant 1 : i32
      %dma_wait3A_391 = arith.constant 0 : i32
      %dma_wait3A_392 = arith.constant 1 : i32
      %dma_wait3A_393 = arith.constant 0 : i32
      %dma_wait3A_394 = arith.constant 0 : i32
      %dma_wait3A_395 = arith.constant 0 : i32
      %dma_wait3A_396 = tpu.memref_slice %arg7[%dma_wait3A_392, %dma_wait3A_393, %dma_wait3A_394, %dma_wait3A_395] : memref<2x5x98x64xf32, #tpu.memory_space<vmem>> -> memref<1x1x98x64xf32, #tpu.memory_space<vmem>>
      %dma_wait3A_397 = tpu.memref_squeeze %dma_wait3A_396 : memref<1x1x98x64xf32, #tpu.memory_space<vmem>> -> memref<98x64xf32, #tpu.memory_space<vmem>>
      %dma_wait3A_398 = arith.constant 0 : i32
      %dma_wait3A_399 = tpu.memref_slice %arg6[%dma_wait3A_390, %dma_wait3A_391, %dma_wait3A_398] : memref<2x6x98xi32, #tpu.memory_space<vmem>> -> memref<1x1x98xi32, #tpu.memory_space<vmem>>
      %dma_wait3A_400 = tpu.memref_squeeze %dma_wait3A_399 : memref<1x1x98xi32, #tpu.memory_space<vmem>> -> memref<98xi32, #tpu.memory_space<vmem>>
      %dma_wait3A_401 = arith.constant 0 : i32
      %dma_wait3A_402 = arith.constant 0 : i32
      %dma_wait3A_403 = tpu.memref_slice %arg2[%dma_wait3A_401, %dma_wait3A_402] : memref<500000x64xf32, #tpu.memory_space<hbm>> -> memref<500000x64xf32, #tpu.memory_space<hbm>>
      tpu.wait_indirect_dma semaphore(%arg13 : memref<!tpu.dma_semaphore, #tpu.memory_space<semaphore_mem>>) src(%dma_wait3A_403 : memref<500000x64xf32, #tpu.memory_space<hbm>>) dst(%dma_wait3A_397 : memref<98x64xf32, #tpu.memory_space<vmem>>)
      %dma_wait3A_404 = arith.constant 1 : i32
      %dma_wait3A_405 = arith.constant 1 : i32
      %dma_wait3A_406 = arith.constant 1 : i32
      %dma_wait3A_407 = arith.constant 1 : i32
      %dma_wait3A_408 = arith.constant 0 : i32
      %dma_wait3A_409 = arith.constant 0 : i32
      %dma_wait3A_410 = tpu.memref_slice %arg7[%dma_wait3A_406, %dma_wait3A_407, %dma_wait3A_408, %dma_wait3A_409] : memref<2x5x98x64xf32, #tpu.memory_space<vmem>> -> memref<1x1x98x64xf32, #tpu.memory_space<vmem>>
      %dma_wait3A_411 = tpu.memref_squeeze %dma_wait3A_410 : memref<1x1x98x64xf32, #tpu.memory_space<vmem>> -> memref<98x64xf32, #tpu.memory_space<vmem>>
      %dma_wait3A_412 = arith.constant 0 : i32
      %dma_wait3A_413 = tpu.memref_slice %arg6[%dma_wait3A_404, %dma_wait3A_405, %dma_wait3A_412] : memref<2x6x98xi32, #tpu.memory_space<vmem>> -> memref<1x1x98xi32, #tpu.memory_space<vmem>>
      %dma_wait3A_414 = tpu.memref_squeeze %dma_wait3A_413 : memref<1x1x98xi32, #tpu.memory_space<vmem>> -> memref<98xi32, #tpu.memory_space<vmem>>
      %dma_wait3A_415 = arith.constant 0 : i32
      %dma_wait3A_416 = arith.constant 0 : i32
      %dma_wait3A_417 = tpu.memref_slice %arg2[%dma_wait3A_415, %dma_wait3A_416] : memref<500000x64xf32, #tpu.memory_space<hbm>> -> memref<500000x64xf32, #tpu.memory_space<hbm>>
      tpu.wait_indirect_dma semaphore(%arg13 : memref<!tpu.dma_semaphore, #tpu.memory_space<semaphore_mem>>) src(%dma_wait3A_417 : memref<500000x64xf32, #tpu.memory_space<hbm>>) dst(%dma_wait3A_411 : memref<98x64xf32, #tpu.memory_space<vmem>>)
      %dma_wait3A_418 = arith.constant 1 : i32
      %dma_wait3A_419 = arith.constant 2 : i32
      %dma_wait3A_420 = arith.constant 1 : i32
      %dma_wait3A_421 = arith.constant 2 : i32
      %dma_wait3A_422 = arith.constant 0 : i32
      %dma_wait3A_423 = arith.constant 0 : i32
      %dma_wait3A_424 = tpu.memref_slice %arg7[%dma_wait3A_420, %dma_wait3A_421, %dma_wait3A_422, %dma_wait3A_423] : memref<2x5x98x64xf32, #tpu.memory_space<vmem>> -> memref<1x1x98x64xf32, #tpu.memory_space<vmem>>
      %dma_wait3A_425 = tpu.memref_squeeze %dma_wait3A_424 : memref<1x1x98x64xf32, #tpu.memory_space<vmem>> -> memref<98x64xf32, #tpu.memory_space<vmem>>
      %dma_wait3A_426 = arith.constant 0 : i32
      %dma_wait3A_427 = tpu.memref_slice %arg6[%dma_wait3A_418, %dma_wait3A_419, %dma_wait3A_426] : memref<2x6x98xi32, #tpu.memory_space<vmem>> -> memref<1x1x98xi32, #tpu.memory_space<vmem>>
      %dma_wait3A_428 = tpu.memref_squeeze %dma_wait3A_427 : memref<1x1x98xi32, #tpu.memory_space<vmem>> -> memref<98xi32, #tpu.memory_space<vmem>>
      %dma_wait3A_429 = arith.constant 0 : i32
      %dma_wait3A_430 = arith.constant 0 : i32
      %dma_wait3A_431 = tpu.memref_slice %arg2[%dma_wait3A_429, %dma_wait3A_430] : memref<500000x64xf32, #tpu.memory_space<hbm>> -> memref<500000x64xf32, #tpu.memory_space<hbm>>
      tpu.wait_indirect_dma semaphore(%arg13 : memref<!tpu.dma_semaphore, #tpu.memory_space<semaphore_mem>>) src(%dma_wait3A_431 : memref<500000x64xf32, #tpu.memory_space<hbm>>) dst(%dma_wait3A_425 : memref<98x64xf32, #tpu.memory_space<vmem>>)
      %dma_wait3A_432 = arith.constant 1 : i32
      %dma_wait3A_433 = arith.constant 3 : i32
      %dma_wait3A_434 = arith.constant 1 : i32
      %dma_wait3A_435 = arith.constant 3 : i32
      %dma_wait3A_436 = arith.constant 0 : i32
      %dma_wait3A_437 = arith.constant 0 : i32
      %dma_wait3A_438 = tpu.memref_slice %arg7[%dma_wait3A_434, %dma_wait3A_435, %dma_wait3A_436, %dma_wait3A_437] : memref<2x5x98x64xf32, #tpu.memory_space<vmem>> -> memref<1x1x98x64xf32, #tpu.memory_space<vmem>>
      %dma_wait3A_439 = tpu.memref_squeeze %dma_wait3A_438 : memref<1x1x98x64xf32, #tpu.memory_space<vmem>> -> memref<98x64xf32, #tpu.memory_space<vmem>>
      %dma_wait3A_440 = arith.constant 0 : i32
      %dma_wait3A_441 = tpu.memref_slice %arg6[%dma_wait3A_432, %dma_wait3A_433, %dma_wait3A_440] : memref<2x6x98xi32, #tpu.memory_space<vmem>> -> memref<1x1x98xi32, #tpu.memory_space<vmem>>
      %dma_wait3A_442 = tpu.memref_squeeze %dma_wait3A_441 : memref<1x1x98xi32, #tpu.memory_space<vmem>> -> memref<98xi32, #tpu.memory_space<vmem>>
      %dma_wait3A_443 = arith.constant 0 : i32
      %dma_wait3A_444 = arith.constant 0 : i32
      %dma_wait3A_445 = tpu.memref_slice %arg2[%dma_wait3A_443, %dma_wait3A_444] : memref<500000x64xf32, #tpu.memory_space<hbm>> -> memref<500000x64xf32, #tpu.memory_space<hbm>>
      tpu.wait_indirect_dma semaphore(%arg13 : memref<!tpu.dma_semaphore, #tpu.memory_space<semaphore_mem>>) src(%dma_wait3A_445 : memref<500000x64xf32, #tpu.memory_space<hbm>>) dst(%dma_wait3A_439 : memref<98x64xf32, #tpu.memory_space<vmem>>)
      %dma_wait3A_446 = arith.constant 1 : i32
      %dma_wait3A_447 = arith.constant 4 : i32
      %dma_wait3A_448 = arith.constant 1 : i32
      %dma_wait3A_449 = arith.constant 4 : i32
      %dma_wait3A_450 = arith.constant 0 : i32
      %dma_wait3A_451 = arith.constant 0 : i32
      %dma_wait3A_452 = tpu.memref_slice %arg7[%dma_wait3A_448, %dma_wait3A_449, %dma_wait3A_450, %dma_wait3A_451] : memref<2x5x98x64xf32, #tpu.memory_space<vmem>> -> memref<1x1x98x64xf32, #tpu.memory_space<vmem>>
      %dma_wait3A_453 = tpu.memref_squeeze %dma_wait3A_452 : memref<1x1x98x64xf32, #tpu.memory_space<vmem>> -> memref<98x64xf32, #tpu.memory_space<vmem>>
      %dma_wait3A_454 = arith.constant 0 : i32
      %dma_wait3A_455 = tpu.memref_slice %arg6[%dma_wait3A_446, %dma_wait3A_447, %dma_wait3A_454] : memref<2x6x98xi32, #tpu.memory_space<vmem>> -> memref<1x1x98xi32, #tpu.memory_space<vmem>>
      %dma_wait3A_456 = tpu.memref_squeeze %dma_wait3A_455 : memref<1x1x98xi32, #tpu.memory_space<vmem>> -> memref<98xi32, #tpu.memory_space<vmem>>
      %dma_wait3A_457 = arith.constant 0 : i32
      %dma_wait3A_458 = arith.constant 0 : i32
      %dma_wait3A_459 = tpu.memref_slice %arg2[%dma_wait3A_457, %dma_wait3A_458] : memref<500000x64xf32, #tpu.memory_space<hbm>> -> memref<500000x64xf32, #tpu.memory_space<hbm>>
      tpu.wait_indirect_dma semaphore(%arg13 : memref<!tpu.dma_semaphore, #tpu.memory_space<semaphore_mem>>) src(%dma_wait3A_459 : memref<500000x64xf32, #tpu.memory_space<hbm>>) dst(%dma_wait3A_453 : memref<98x64xf32, #tpu.memory_space<vmem>>)
      %dma_wait3A_460 = arith.constant 1 : i32
      %dma_wait3A_461 = arith.constant 5 : i32
      %dma_wait3A_462 = arith.constant 1 : i32
      %dma_wait3A_463 = arith.constant 0 : i32
      %dma_wait3A_464 = arith.constant 0 : i32
      %dma_wait3A_465 = tpu.memref_slice %arg8[%dma_wait3A_462, %dma_wait3A_463, %dma_wait3A_464] : memref<2x98x64xf32, #tpu.memory_space<vmem>> -> memref<1x98x64xf32, #tpu.memory_space<vmem>>
      %dma_wait3A_466 = tpu.memref_squeeze %dma_wait3A_465 : memref<1x98x64xf32, #tpu.memory_space<vmem>> -> memref<98x64xf32, #tpu.memory_space<vmem>>
      %dma_wait3A_467 = arith.constant 0 : i32
      %dma_wait3A_468 = tpu.memref_slice %arg6[%dma_wait3A_460, %dma_wait3A_461, %dma_wait3A_467] : memref<2x6x98xi32, #tpu.memory_space<vmem>> -> memref<1x1x98xi32, #tpu.memory_space<vmem>>
      %dma_wait3A_469 = tpu.memref_squeeze %dma_wait3A_468 : memref<1x1x98xi32, #tpu.memory_space<vmem>> -> memref<98xi32, #tpu.memory_space<vmem>>
      %dma_wait3A_470 = arith.constant 0 : i32
      %dma_wait3A_471 = arith.constant 0 : i32
      %dma_wait3A_472 = tpu.memref_slice %arg3[%dma_wait3A_470, %dma_wait3A_471] : memref<100000x64xf32, #tpu.memory_space<hbm>> -> memref<100000x64xf32, #tpu.memory_space<hbm>>
      tpu.wait_indirect_dma semaphore(%arg13 : memref<!tpu.dma_semaphore, #tpu.memory_space<semaphore_mem>>) src(%dma_wait3A_472 : memref<100000x64xf32, #tpu.memory_space<hbm>>) dst(%dma_wait3A_466 : memref<98x64xf32, #tpu.memory_space<vmem>>)
      %add3A_473 = arith.constant 1 : i32
      %add3A_474 = arith.addi %add3A_285, %add3A_473 : i32
      %lt3A_475 = arith.constant 32 : i32
      %lt3A_476 = arith.cmpi slt, %add3A_474, %lt3A_475 : i32
      %convert_element_type3A_477 = arith.extui %lt3A_476 : i1 to i32
      %cond3A_478 = arith.constant 0 : i32
      %cond3A_479 = arith.cmpi ne, %convert_element_type3A_477, %cond3A_478 : i32
      scf.if %cond3A_479 {
        %add3A_738 = arith.constant 1 : i32
        %add3A_739 = arith.addi %add3A_286, %add3A_738 : i32
        %dma_start3A_740 = arith.constant 1 : i32
        %dma_start3A_741 = arith.constant 1 : i32
        %dma_start3A_742 = arith.constant 0 : i32
        %dma_start3A_743 = arith.constant 0 : i32
        %dma_start3A_744 = tpu.memref_slice %arg6[%dma_start3A_741, %dma_start3A_742, %dma_start3A_743] : memref<2x6x98xi32, #tpu.memory_space<vmem>> -> memref<1x6x98xi32, #tpu.memory_space<vmem>>
        %dma_start3A_745 = tpu.memref_squeeze %dma_start3A_744 : memref<1x6x98xi32, #tpu.memory_space<vmem>> -> memref<6x98xi32, #tpu.memory_space<vmem>>
        %dma_start3A_746 = arith.constant 0 : i32
        %dma_start3A_747 = arith.constant 0 : i32
        %dma_start3A_748 = tpu.memref_slice %arg4[%add3A_739, %dma_start3A_740, %dma_start3A_746, %dma_start3A_747] : memref<1024x2x6x98xi32, #tpu.memory_space<hbm>> -> memref<1x1x6x98xi32, #tpu.memory_space<hbm>>
        %dma_start3A_749 = tpu.memref_squeeze %dma_start3A_748 : memref<1x1x6x98xi32, #tpu.memory_space<hbm>> -> memref<6x98xi32, #tpu.memory_space<hbm>>
        %dma_start3A_750 = arith.constant 0 : i32
        %dma_start3A_751 = arith.constant 0 : i32
        %dma_start3A_752 = tpu.memref_slice %arg6[%dma_start3A_741, %dma_start3A_750, %dma_start3A_751] : memref<2x6x98xi32, #tpu.memory_space<vmem>> -> memref<1x6x98xi32, #tpu.memory_space<vmem>>
        %dma_start3A_753 = tpu.memref_squeeze %dma_start3A_752 : memref<1x6x98xi32, #tpu.memory_space<vmem>> -> memref<6x98xi32, #tpu.memory_space<vmem>>
        %dma_start3A_754 = arith.constant 0 : i32
        %dma_start3A_755 = arith.constant 0 : i32
        %dma_start3A_756 = tpu.memref_slice %arg4[%add3A_739, %dma_start3A_740, %dma_start3A_754, %dma_start3A_755] : memref<1024x2x6x98xi32, #tpu.memory_space<hbm>> -> memref<1x1x6x98xi32, #tpu.memory_space<hbm>>
        %dma_start3A_757 = tpu.memref_squeeze %dma_start3A_756 : memref<1x1x6x98xi32, #tpu.memory_space<hbm>> -> memref<6x98xi32, #tpu.memory_space<hbm>>
        tpu.enqueue_dma source(%dma_start3A_757 : memref<6x98xi32, #tpu.memory_space<hbm>>) target(%dma_start3A_753 : memref<6x98xi32, #tpu.memory_space<vmem>>) target_semaphore(%arg11 : memref<!tpu.dma_semaphore, #tpu.memory_space<semaphore_mem>>)
      } else {
      }
      %scan3A_480 = arith.constant 0 : i32
      %scan3A_481 = arith.constant 98 : i32
      %scan3A_482 = arith.addi %scan3A_480, %scan3A_481 : i32
      %scan3A_483 = arith.constant 1 : i32
      scf.for %scan3A_738 = %scan3A_480 to %scan3A_482 step %scan3A_483  : i32 {
        %mul3A_739 = arith.constant 1 : i32
        %mul3A_740 = arith.muli %scan3A_738, %mul3A_739 : i32
        %add3A_741 = arith.constant 0 : i32
        %add3A_742 = arith.addi %add3A_741, %mul3A_740 : i32
        %get3A = arith.constant 1 : i32
        %get3A_743 = arith.index_cast %get3A : i32 to index
        %get3A_744 = arith.index_cast %add3A_742 : i32 to index
        %get3A_745 = arith.constant 0 : index
        %get3A_746 = tpu.vector_load %arg8[%get3A_743, %get3A_744, %get3A_745] {strides = array<i32>} : memref<2x98x64xf32, #tpu.memory_space<vmem>>, vector<1x1x16xf32>,
        %get3A_747 = vector.shape_cast %get3A_746 : vector<1x1x16xf32> to vector<16xf32>
        %get3A_748 = arith.constant 1 : i32
        %get3A_749 = arith.constant 0 : i32
        %get3A_750 = arith.index_cast %get3A_748 : i32 to index
        %get3A_751 = arith.index_cast %get3A_749 : i32 to index
        %get3A_752 = arith.index_cast %add3A_742 : i32 to index
        %get3A_753 = arith.constant 0 : index
        %get3A_754 = tpu.vector_load %arg7[%get3A_750, %get3A_751, %get3A_752, %get3A_753] {strides = array<i32>} : memref<2x5x98x64xf32, #tpu.memory_space<vmem>>, vector<1x1x1x16xf32>,
        %get3A_755 = vector.shape_cast %get3A_754 : vector<1x1x1x16xf32> to vector<16xf32>
        %mul3A_756 = arith.mulf %get3A_755, %get3A_747 : vector<16xf32>
        %get3A_757 = arith.constant 1 : i32
        %get3A_758 = arith.constant 1 : i32
        %get3A_759 = arith.index_cast %get3A_757 : i32 to index
        %get3A_760 = arith.index_cast %get3A_758 : i32 to index
        %get3A_761 = arith.index_cast %add3A_742 : i32 to index
        %get3A_762 = arith.constant 0 : index
        %get3A_763 = tpu.vector_load %arg7[%get3A_759, %get3A_760, %get3A_761, %get3A_762] {strides = array<i32>} : memref<2x5x98x64xf32, #tpu.memory_space<vmem>>, vector<1x1x1x16xf32>,
        %get3A_764 = vector.shape_cast %get3A_763 : vector<1x1x1x16xf32> to vector<16xf32>
        %mul3A_765 = arith.mulf %get3A_764, %get3A_747 : vector<16xf32>
        %max3A = arith.maximumf %mul3A_756, %mul3A_765 : vector<16xf32>
        %get3A_766 = arith.constant 1 : i32
        %get3A_767 = arith.constant 2 : i32
        %get3A_768 = arith.index_cast %get3A_766 : i32 to index
        %get3A_769 = arith.index_cast %get3A_767 : i32 to index
        %get3A_770 = arith.index_cast %add3A_742 : i32 to index
        %get3A_771 = arith.constant 0 : index
        %get3A_772 = tpu.vector_load %arg7[%get3A_768, %get3A_769, %get3A_770, %get3A_771] {strides = array<i32>} : memref<2x5x98x64xf32, #tpu.memory_space<vmem>>, vector<1x1x1x16xf32>,
        %get3A_773 = vector.shape_cast %get3A_772 : vector<1x1x1x16xf32> to vector<16xf32>
        %mul3A_774 = arith.mulf %get3A_773, %get3A_747 : vector<16xf32>
        %max3A_775 = arith.maximumf %max3A, %mul3A_774 : vector<16xf32>
        %get3A_776 = arith.constant 1 : i32
        %get3A_777 = arith.constant 3 : i32
        %get3A_778 = arith.index_cast %get3A_776 : i32 to index
        %get3A_779 = arith.index_cast %get3A_777 : i32 to index
        %get3A_780 = arith.index_cast %add3A_742 : i32 to index
        %get3A_781 = arith.constant 0 : index
        %get3A_782 = tpu.vector_load %arg7[%get3A_778, %get3A_779, %get3A_780, %get3A_781] {strides = array<i32>} : memref<2x5x98x64xf32, #tpu.memory_space<vmem>>, vector<1x1x1x16xf32>,
        %get3A_783 = vector.shape_cast %get3A_782 : vector<1x1x1x16xf32> to vector<16xf32>
        %mul3A_784 = arith.mulf %get3A_783, %get3A_747 : vector<16xf32>
        %max3A_785 = arith.maximumf %max3A_775, %mul3A_784 : vector<16xf32>
        %get3A_786 = arith.constant 1 : i32
        %get3A_787 = arith.constant 4 : i32
        %get3A_788 = arith.index_cast %get3A_786 : i32 to index
        %get3A_789 = arith.index_cast %get3A_787 : i32 to index
        %get3A_790 = arith.index_cast %add3A_742 : i32 to index
        %get3A_791 = arith.constant 0 : index
        %get3A_792 = tpu.vector_load %arg7[%get3A_788, %get3A_789, %get3A_790, %get3A_791] {strides = array<i32>} : memref<2x5x98x64xf32, #tpu.memory_space<vmem>>, vector<1x1x1x16xf32>,
        %get3A_793 = vector.shape_cast %get3A_792 : vector<1x1x1x16xf32> to vector<16xf32>
        %mul3A_794 = arith.mulf %get3A_793, %get3A_747 : vector<16xf32>
        %max3A_795 = arith.maximumf %max3A_785, %mul3A_794 : vector<16xf32>
        %add3A_796 = arith.constant 98 : i32
        %add3A_797 = arith.addi %add3A_796, %add3A_742 : i32
        %swap3A = arith.constant 0 : i32
        %swap3A_798 = arith.index_cast %swap3A : i32 to index
        %swap3A_799 = arith.index_cast %add3A_797 : i32 to index
        %swap3A_800 = arith.constant 0 : index
        %swap3A_801 = tpu.vector_load %arg9[%swap3A_798, %swap3A_799, %swap3A_800] {strides = array<i32>} : memref<2x196x64xf32, #tpu.memory_space<vmem>>, vector<1x1x16xf32>,
        %swap3A_802 = vector.shape_cast %swap3A_801 : vector<1x1x16xf32> to vector<16xf32>
        %swap3A_803 = vector.shape_cast %max3A_795 : vector<16xf32> to vector<1x1x16xf32>
        tpu.vector_store %arg9[%swap3A_798, %swap3A_799, %swap3A_800], %swap3A_803 {strides = array<i32>} : memref<2x196x64xf32, #tpu.memory_space<vmem>>, vector<1x1x16xf32>,
        %get3A_804 = arith.constant 1 : i32
        %get3A_805 = arith.index_cast %get3A_804 : i32 to index
        %get3A_806 = arith.index_cast %add3A_742 : i32 to index
        %get3A_807 = arith.constant 16 : index
        %get3A_808 = tpu.vector_load %arg8[%get3A_805, %get3A_806, %get3A_807] {strides = array<i32>} : memref<2x98x64xf32, #tpu.memory_space<vmem>>, vector<1x1x16xf32>,
        %get3A_809 = vector.shape_cast %get3A_808 : vector<1x1x16xf32> to vector<16xf32>
        %get3A_810 = arith.constant 1 : i32
        %get3A_811 = arith.constant 0 : i32
        %get3A_812 = arith.index_cast %get3A_810 : i32 to index
        %get3A_813 = arith.index_cast %get3A_811 : i32 to index
        %get3A_814 = arith.index_cast %add3A_742 : i32 to index
        %get3A_815 = arith.constant 16 : index
        %get3A_816 = tpu.vector_load %arg7[%get3A_812, %get3A_813, %get3A_814, %get3A_815] {strides = array<i32>} : memref<2x5x98x64xf32, #tpu.memory_space<vmem>>, vector<1x1x1x16xf32>,
        %get3A_817 = vector.shape_cast %get3A_816 : vector<1x1x1x16xf32> to vector<16xf32>
        %mul3A_818 = arith.mulf %get3A_817, %get3A_809 : vector<16xf32>
        %get3A_819 = arith.constant 1 : i32
        %get3A_820 = arith.constant 1 : i32
        %get3A_821 = arith.index_cast %get3A_819 : i32 to index
        %get3A_822 = arith.index_cast %get3A_820 : i32 to index
        %get3A_823 = arith.index_cast %add3A_742 : i32 to index
        %get3A_824 = arith.constant 16 : index
        %get3A_825 = tpu.vector_load %arg7[%get3A_821, %get3A_822, %get3A_823, %get3A_824] {strides = array<i32>} : memref<2x5x98x64xf32, #tpu.memory_space<vmem>>, vector<1x1x1x16xf32>,
        %get3A_826 = vector.shape_cast %get3A_825 : vector<1x1x1x16xf32> to vector<16xf32>
        %mul3A_827 = arith.mulf %get3A_826, %get3A_809 : vector<16xf32>
        %max3A_828 = arith.maximumf %mul3A_818, %mul3A_827 : vector<16xf32>
        %get3A_829 = arith.constant 1 : i32
        %get3A_830 = arith.constant 2 : i32
        %get3A_831 = arith.index_cast %get3A_829 : i32 to index
        %get3A_832 = arith.index_cast %get3A_830 : i32 to index
        %get3A_833 = arith.index_cast %add3A_742 : i32 to index
        %get3A_834 = arith.constant 16 : index
        %get3A_835 = tpu.vector_load %arg7[%get3A_831, %get3A_832, %get3A_833, %get3A_834] {strides = array<i32>} : memref<2x5x98x64xf32, #tpu.memory_space<vmem>>, vector<1x1x1x16xf32>,
        %get3A_836 = vector.shape_cast %get3A_835 : vector<1x1x1x16xf32> to vector<16xf32>
        %mul3A_837 = arith.mulf %get3A_836, %get3A_809 : vector<16xf32>
        %max3A_838 = arith.maximumf %max3A_828, %mul3A_837 : vector<16xf32>
        %get3A_839 = arith.constant 1 : i32
        %get3A_840 = arith.constant 3 : i32
        %get3A_841 = arith.index_cast %get3A_839 : i32 to index
        %get3A_842 = arith.index_cast %get3A_840 : i32 to index
        %get3A_843 = arith.index_cast %add3A_742 : i32 to index
        %get3A_844 = arith.constant 16 : index
        %get3A_845 = tpu.vector_load %arg7[%get3A_841, %get3A_842, %get3A_843, %get3A_844] {strides = array<i32>} : memref<2x5x98x64xf32, #tpu.memory_space<vmem>>, vector<1x1x1x16xf32>,
        %get3A_846 = vector.shape_cast %get3A_845 : vector<1x1x1x16xf32> to vector<16xf32>
        %mul3A_847 = arith.mulf %get3A_846, %get3A_809 : vector<16xf32>
        %max3A_848 = arith.maximumf %max3A_838, %mul3A_847 : vector<16xf32>
        %get3A_849 = arith.constant 1 : i32
        %get3A_850 = arith.constant 4 : i32
        %get3A_851 = arith.index_cast %get3A_849 : i32 to index
        %get3A_852 = arith.index_cast %get3A_850 : i32 to index
        %get3A_853 = arith.index_cast %add3A_742 : i32 to index
        %get3A_854 = arith.constant 16 : index
        %get3A_855 = tpu.vector_load %arg7[%get3A_851, %get3A_852, %get3A_853, %get3A_854] {strides = array<i32>} : memref<2x5x98x64xf32, #tpu.memory_space<vmem>>, vector<1x1x1x16xf32>,
        %get3A_856 = vector.shape_cast %get3A_855 : vector<1x1x1x16xf32> to vector<16xf32>
        %mul3A_857 = arith.mulf %get3A_856, %get3A_809 : vector<16xf32>
        %max3A_858 = arith.maximumf %max3A_848, %mul3A_857 : vector<16xf32>
        %add3A_859 = arith.constant 98 : i32
        %add3A_860 = arith.addi %add3A_859, %add3A_742 : i32
        %swap3A_861 = arith.constant 0 : i32
        %swap3A_862 = arith.index_cast %swap3A_861 : i32 to index
        %swap3A_863 = arith.index_cast %add3A_860 : i32 to index
        %swap3A_864 = arith.constant 16 : index
        %swap3A_865 = tpu.vector_load %arg9[%swap3A_862, %swap3A_863, %swap3A_864] {strides = array<i32>} : memref<2x196x64xf32, #tpu.memory_space<vmem>>, vector<1x1x16xf32>,
        %swap3A_866 = vector.shape_cast %swap3A_865 : vector<1x1x16xf32> to vector<16xf32>
        %swap3A_867 = vector.shape_cast %max3A_858 : vector<16xf32> to vector<1x1x16xf32>
        tpu.vector_store %arg9[%swap3A_862, %swap3A_863, %swap3A_864], %swap3A_867 {strides = array<i32>} : memref<2x196x64xf32, #tpu.memory_space<vmem>>, vector<1x1x16xf32>,
        %get3A_868 = arith.constant 1 : i32
        %get3A_869 = arith.index_cast %get3A_868 : i32 to index
        %get3A_870 = arith.index_cast %add3A_742 : i32 to index
        %get3A_871 = arith.constant 32 : index
        %get3A_872 = tpu.vector_load %arg8[%get3A_869, %get3A_870, %get3A_871] {strides = array<i32>} : memref<2x98x64xf32, #tpu.memory_space<vmem>>, vector<1x1x16xf32>,
        %get3A_873 = vector.shape_cast %get3A_872 : vector<1x1x16xf32> to vector<16xf32>
        %get3A_874 = arith.constant 1 : i32
        %get3A_875 = arith.constant 0 : i32
        %get3A_876 = arith.index_cast %get3A_874 : i32 to index
        %get3A_877 = arith.index_cast %get3A_875 : i32 to index
        %get3A_878 = arith.index_cast %add3A_742 : i32 to index
        %get3A_879 = arith.constant 32 : index
        %get3A_880 = tpu.vector_load %arg7[%get3A_876, %get3A_877, %get3A_878, %get3A_879] {strides = array<i32>} : memref<2x5x98x64xf32, #tpu.memory_space<vmem>>, vector<1x1x1x16xf32>,
        %get3A_881 = vector.shape_cast %get3A_880 : vector<1x1x1x16xf32> to vector<16xf32>
        %mul3A_882 = arith.mulf %get3A_881, %get3A_873 : vector<16xf32>
        %get3A_883 = arith.constant 1 : i32
        %get3A_884 = arith.constant 1 : i32
        %get3A_885 = arith.index_cast %get3A_883 : i32 to index
        %get3A_886 = arith.index_cast %get3A_884 : i32 to index
        %get3A_887 = arith.index_cast %add3A_742 : i32 to index
        %get3A_888 = arith.constant 32 : index
        %get3A_889 = tpu.vector_load %arg7[%get3A_885, %get3A_886, %get3A_887, %get3A_888] {strides = array<i32>} : memref<2x5x98x64xf32, #tpu.memory_space<vmem>>, vector<1x1x1x16xf32>,
        %get3A_890 = vector.shape_cast %get3A_889 : vector<1x1x1x16xf32> to vector<16xf32>
        %mul3A_891 = arith.mulf %get3A_890, %get3A_873 : vector<16xf32>
        %max3A_892 = arith.maximumf %mul3A_882, %mul3A_891 : vector<16xf32>
        %get3A_893 = arith.constant 1 : i32
        %get3A_894 = arith.constant 2 : i32
        %get3A_895 = arith.index_cast %get3A_893 : i32 to index
        %get3A_896 = arith.index_cast %get3A_894 : i32 to index
        %get3A_897 = arith.index_cast %add3A_742 : i32 to index
        %get3A_898 = arith.constant 32 : index
        %get3A_899 = tpu.vector_load %arg7[%get3A_895, %get3A_896, %get3A_897, %get3A_898] {strides = array<i32>} : memref<2x5x98x64xf32, #tpu.memory_space<vmem>>, vector<1x1x1x16xf32>,
        %get3A_900 = vector.shape_cast %get3A_899 : vector<1x1x1x16xf32> to vector<16xf32>
        %mul3A_901 = arith.mulf %get3A_900, %get3A_873 : vector<16xf32>
        %max3A_902 = arith.maximumf %max3A_892, %mul3A_901 : vector<16xf32>
        %get3A_903 = arith.constant 1 : i32
        %get3A_904 = arith.constant 3 : i32
        %get3A_905 = arith.index_cast %get3A_903 : i32 to index
        %get3A_906 = arith.index_cast %get3A_904 : i32 to index
        %get3A_907 = arith.index_cast %add3A_742 : i32 to index
        %get3A_908 = arith.constant 32 : index
        %get3A_909 = tpu.vector_load %arg7[%get3A_905, %get3A_906, %get3A_907, %get3A_908] {strides = array<i32>} : memref<2x5x98x64xf32, #tpu.memory_space<vmem>>, vector<1x1x1x16xf32>,
        %get3A_910 = vector.shape_cast %get3A_909 : vector<1x1x1x16xf32> to vector<16xf32>
        %mul3A_911 = arith.mulf %get3A_910, %get3A_873 : vector<16xf32>
        %max3A_912 = arith.maximumf %max3A_902, %mul3A_911 : vector<16xf32>
        %get3A_913 = arith.constant 1 : i32
        %get3A_914 = arith.constant 4 : i32
        %get3A_915 = arith.index_cast %get3A_913 : i32 to index
        %get3A_916 = arith.index_cast %get3A_914 : i32 to index
        %get3A_917 = arith.index_cast %add3A_742 : i32 to index
        %get3A_918 = arith.constant 32 : index
        %get3A_919 = tpu.vector_load %arg7[%get3A_915, %get3A_916, %get3A_917, %get3A_918] {strides = array<i32>} : memref<2x5x98x64xf32, #tpu.memory_space<vmem>>, vector<1x1x1x16xf32>,
        %get3A_920 = vector.shape_cast %get3A_919 : vector<1x1x1x16xf32> to vector<16xf32>
        %mul3A_921 = arith.mulf %get3A_920, %get3A_873 : vector<16xf32>
        %max3A_922 = arith.maximumf %max3A_912, %mul3A_921 : vector<16xf32>
        %add3A_923 = arith.constant 98 : i32
        %add3A_924 = arith.addi %add3A_923, %add3A_742 : i32
        %swap3A_925 = arith.constant 0 : i32
        %swap3A_926 = arith.index_cast %swap3A_925 : i32 to index
        %swap3A_927 = arith.index_cast %add3A_924 : i32 to index
        %swap3A_928 = arith.constant 32 : index
        %swap3A_929 = tpu.vector_load %arg9[%swap3A_926, %swap3A_927, %swap3A_928] {strides = array<i32>} : memref<2x196x64xf32, #tpu.memory_space<vmem>>, vector<1x1x16xf32>,
        %swap3A_930 = vector.shape_cast %swap3A_929 : vector<1x1x16xf32> to vector<16xf32>
        %swap3A_931 = vector.shape_cast %max3A_922 : vector<16xf32> to vector<1x1x16xf32>
        tpu.vector_store %arg9[%swap3A_926, %swap3A_927, %swap3A_928], %swap3A_931 {strides = array<i32>} : memref<2x196x64xf32, #tpu.memory_space<vmem>>, vector<1x1x16xf32>,
        %get3A_932 = arith.constant 1 : i32
        %get3A_933 = arith.index_cast %get3A_932 : i32 to index
        %get3A_934 = arith.index_cast %add3A_742 : i32 to index
        %get3A_935 = arith.constant 48 : index
        %get3A_936 = tpu.vector_load %arg8[%get3A_933, %get3A_934, %get3A_935] {strides = array<i32>} : memref<2x98x64xf32, #tpu.memory_space<vmem>>, vector<1x1x16xf32>,
        %get3A_937 = vector.shape_cast %get3A_936 : vector<1x1x16xf32> to vector<16xf32>
        %get3A_938 = arith.constant 1 : i32
        %get3A_939 = arith.constant 0 : i32
        %get3A_940 = arith.index_cast %get3A_938 : i32 to index
        %get3A_941 = arith.index_cast %get3A_939 : i32 to index
        %get3A_942 = arith.index_cast %add3A_742 : i32 to index
        %get3A_943 = arith.constant 48 : index
        %get3A_944 = tpu.vector_load %arg7[%get3A_940, %get3A_941, %get3A_942, %get3A_943] {strides = array<i32>} : memref<2x5x98x64xf32, #tpu.memory_space<vmem>>, vector<1x1x1x16xf32>,
        %get3A_945 = vector.shape_cast %get3A_944 : vector<1x1x1x16xf32> to vector<16xf32>
        %mul3A_946 = arith.mulf %get3A_945, %get3A_937 : vector<16xf32>
        %get3A_947 = arith.constant 1 : i32
        %get3A_948 = arith.constant 1 : i32
        %get3A_949 = arith.index_cast %get3A_947 : i32 to index
        %get3A_950 = arith.index_cast %get3A_948 : i32 to index
        %get3A_951 = arith.index_cast %add3A_742 : i32 to index
        %get3A_952 = arith.constant 48 : index
        %get3A_953 = tpu.vector_load %arg7[%get3A_949, %get3A_950, %get3A_951, %get3A_952] {strides = array<i32>} : memref<2x5x98x64xf32, #tpu.memory_space<vmem>>, vector<1x1x1x16xf32>,
        %get3A_954 = vector.shape_cast %get3A_953 : vector<1x1x1x16xf32> to vector<16xf32>
        %mul3A_955 = arith.mulf %get3A_954, %get3A_937 : vector<16xf32>
        %max3A_956 = arith.maximumf %mul3A_946, %mul3A_955 : vector<16xf32>
        %get3A_957 = arith.constant 1 : i32
        %get3A_958 = arith.constant 2 : i32
        %get3A_959 = arith.index_cast %get3A_957 : i32 to index
        %get3A_960 = arith.index_cast %get3A_958 : i32 to index
        %get3A_961 = arith.index_cast %add3A_742 : i32 to index
        %get3A_962 = arith.constant 48 : index
        %get3A_963 = tpu.vector_load %arg7[%get3A_959, %get3A_960, %get3A_961, %get3A_962] {strides = array<i32>} : memref<2x5x98x64xf32, #tpu.memory_space<vmem>>, vector<1x1x1x16xf32>,
        %get3A_964 = vector.shape_cast %get3A_963 : vector<1x1x1x16xf32> to vector<16xf32>
        %mul3A_965 = arith.mulf %get3A_964, %get3A_937 : vector<16xf32>
        %max3A_966 = arith.maximumf %max3A_956, %mul3A_965 : vector<16xf32>
        %get3A_967 = arith.constant 1 : i32
        %get3A_968 = arith.constant 3 : i32
        %get3A_969 = arith.index_cast %get3A_967 : i32 to index
        %get3A_970 = arith.index_cast %get3A_968 : i32 to index
        %get3A_971 = arith.index_cast %add3A_742 : i32 to index
        %get3A_972 = arith.constant 48 : index
        %get3A_973 = tpu.vector_load %arg7[%get3A_969, %get3A_970, %get3A_971, %get3A_972] {strides = array<i32>} : memref<2x5x98x64xf32, #tpu.memory_space<vmem>>, vector<1x1x1x16xf32>,
        %get3A_974 = vector.shape_cast %get3A_973 : vector<1x1x1x16xf32> to vector<16xf32>
        %mul3A_975 = arith.mulf %get3A_974, %get3A_937 : vector<16xf32>
        %max3A_976 = arith.maximumf %max3A_966, %mul3A_975 : vector<16xf32>
        %get3A_977 = arith.constant 1 : i32
        %get3A_978 = arith.constant 4 : i32
        %get3A_979 = arith.index_cast %get3A_977 : i32 to index
        %get3A_980 = arith.index_cast %get3A_978 : i32 to index
        %get3A_981 = arith.index_cast %add3A_742 : i32 to index
        %get3A_982 = arith.constant 48 : index
        %get3A_983 = tpu.vector_load %arg7[%get3A_979, %get3A_980, %get3A_981, %get3A_982] {strides = array<i32>} : memref<2x5x98x64xf32, #tpu.memory_space<vmem>>, vector<1x1x1x16xf32>,
        %get3A_984 = vector.shape_cast %get3A_983 : vector<1x1x1x16xf32> to vector<16xf32>
        %mul3A_985 = arith.mulf %get3A_984, %get3A_937 : vector<16xf32>
        %max3A_986 = arith.maximumf %max3A_976, %mul3A_985 : vector<16xf32>
        %add3A_987 = arith.constant 98 : i32
        %add3A_988 = arith.addi %add3A_987, %add3A_742 : i32
        %swap3A_989 = arith.constant 0 : i32
        %swap3A_990 = arith.index_cast %swap3A_989 : i32 to index
        %swap3A_991 = arith.index_cast %add3A_988 : i32 to index
        %swap3A_992 = arith.constant 48 : index
        %swap3A_993 = tpu.vector_load %arg9[%swap3A_990, %swap3A_991, %swap3A_992] {strides = array<i32>} : memref<2x196x64xf32, #tpu.memory_space<vmem>>, vector<1x1x16xf32>,
        %swap3A_994 = vector.shape_cast %swap3A_993 : vector<1x1x16xf32> to vector<16xf32>
        %swap3A_995 = vector.shape_cast %max3A_986 : vector<16xf32> to vector<1x1x16xf32>
        tpu.vector_store %arg9[%swap3A_990, %swap3A_991, %swap3A_992], %swap3A_995 {strides = array<i32>} : memref<2x196x64xf32, #tpu.memory_space<vmem>>, vector<1x1x16xf32>,
      }
      %scan3A_484 = arith.constant 98 : i32
      %add3A_485 = arith.constant 1 : i32
      %add3A_486 = arith.addi %add3A_285, %add3A_485 : i32
      %lt3A_487 = arith.constant 32 : i32
      %lt3A_488 = arith.cmpi slt, %add3A_486, %lt3A_487 : i32
      %convert_element_type3A_489 = arith.extui %lt3A_488 : i1 to i32
      %cond3A_490 = arith.constant 0 : i32
      %cond3A_491 = arith.cmpi ne, %convert_element_type3A_489, %cond3A_490 : i32
      scf.if %cond3A_491 {
        %dma_wait3A_738 = arith.constant 0 : i32
        %dma_wait3A_739 = arith.constant 0 : i32
        %dma_wait3A_740 = arith.constant 1 : i32
        %dma_wait3A_741 = arith.constant 0 : i32
        %dma_wait3A_742 = arith.constant 0 : i32
        %dma_wait3A_743 = tpu.memref_slice %arg6[%dma_wait3A_740, %dma_wait3A_741, %dma_wait3A_742] : memref<2x6x98xi32, #tpu.memory_space<vmem>> -> memref<1x6x98xi32, #tpu.memory_space<vmem>>
        %dma_wait3A_744 = tpu.memref_squeeze %dma_wait3A_743 : memref<1x6x98xi32, #tpu.memory_space<vmem>> -> memref<6x98xi32, #tpu.memory_space<vmem>>
        %dma_wait3A_745 = arith.constant 0 : i32
        %dma_wait3A_746 = arith.constant 0 : i32
        %dma_wait3A_747 = tpu.memref_slice %arg4[%dma_wait3A_738, %dma_wait3A_739, %dma_wait3A_745, %dma_wait3A_746] : memref<1024x2x6x98xi32, #tpu.memory_space<hbm>> -> memref<1x1x6x98xi32, #tpu.memory_space<hbm>>
        %dma_wait3A_748 = tpu.memref_squeeze %dma_wait3A_747 : memref<1x1x6x98xi32, #tpu.memory_space<hbm>> -> memref<6x98xi32, #tpu.memory_space<hbm>>
        %dma_wait3A_749 = arith.constant 0 : i32
        %dma_wait3A_750 = arith.constant 0 : i32
        %dma_wait3A_751 = tpu.memref_slice %arg6[%dma_wait3A_740, %dma_wait3A_749, %dma_wait3A_750] : memref<2x6x98xi32, #tpu.memory_space<vmem>> -> memref<1x6x98xi32, #tpu.memory_space<vmem>>
        %dma_wait3A_752 = tpu.memref_squeeze %dma_wait3A_751 : memref<1x6x98xi32, #tpu.memory_space<vmem>> -> memref<6x98xi32, #tpu.memory_space<vmem>>
        %dma_wait3A_753 = arith.constant 0 : i32
        %dma_wait3A_754 = arith.constant 0 : i32
        %dma_wait3A_755 = tpu.memref_slice %arg4[%dma_wait3A_738, %dma_wait3A_739, %dma_wait3A_753, %dma_wait3A_754] : memref<1024x2x6x98xi32, #tpu.memory_space<hbm>> -> memref<1x1x6x98xi32, #tpu.memory_space<hbm>>
        %dma_wait3A_756 = tpu.memref_squeeze %dma_wait3A_755 : memref<1x1x6x98xi32, #tpu.memory_space<hbm>> -> memref<6x98xi32, #tpu.memory_space<hbm>>
        tpu.wait_dma2 semaphore(%arg11 : memref<!tpu.dma_semaphore, #tpu.memory_space<semaphore_mem>>) src(%dma_wait3A_756 : memref<6x98xi32, #tpu.memory_space<hbm>>) dst(%dma_wait3A_752 : memref<6x98xi32, #tpu.memory_space<vmem>>)
        %dma_start3A_757 = arith.constant 1 : i32
        %dma_start3A_758 = arith.constant 0 : i32
        %dma_start3A_759 = arith.constant 1 : i32
        %dma_start3A_760 = arith.constant 0 : i32
        %dma_start3A_761 = arith.constant 0 : i32
        %dma_start3A_762 = arith.constant 0 : i32
        %dma_start3A_763 = tpu.memref_slice %arg7[%dma_start3A_759, %dma_start3A_760, %dma_start3A_761, %dma_start3A_762] : memref<2x5x98x64xf32, #tpu.memory_space<vmem>> -> memref<1x1x98x64xf32, #tpu.memory_space<vmem>>
        %dma_start3A_764 = tpu.memref_squeeze %dma_start3A_763 : memref<1x1x98x64xf32, #tpu.memory_space<vmem>> -> memref<98x64xf32, #tpu.memory_space<vmem>>
        %dma_start3A_765 = arith.constant 0 : i32
        %dma_start3A_766 = tpu.memref_slice %arg6[%dma_start3A_757, %dma_start3A_758, %dma_start3A_765] : memref<2x6x98xi32, #tpu.memory_space<vmem>> -> memref<1x1x98xi32, #tpu.memory_space<vmem>>
        %dma_start3A_767 = tpu.memref_squeeze %dma_start3A_766 : memref<1x1x98xi32, #tpu.memory_space<vmem>> -> memref<98xi32, #tpu.memory_space<vmem>>
        %dma_start3A_768 = arith.constant 0 : i32
        %dma_start3A_769 = arith.constant 0 : i32
        %dma_start3A_770 = tpu.memref_slice %arg2[%dma_start3A_768, %dma_start3A_769] : memref<500000x64xf32, #tpu.memory_space<hbm>> -> memref<500000x64xf32, #tpu.memory_space<hbm>>
        tpu.enqueue_indirect_dma source(%dma_start3A_770 : memref<500000x64xf32, #tpu.memory_space<hbm>>) target(%dma_start3A_764 : memref<98x64xf32, #tpu.memory_space<vmem>>) offsets(%dma_start3A_767 : memref<98xi32, #tpu.memory_space<vmem>>) semaphore(%arg13 : memref<!tpu.dma_semaphore, #tpu.memory_space<semaphore_mem>>)
        %dma_start3A_771 = arith.constant 1 : i32
        %dma_start3A_772 = arith.constant 1 : i32
        %dma_start3A_773 = arith.constant 1 : i32
        %dma_start3A_774 = arith.constant 1 : i32
        %dma_start3A_775 = arith.constant 0 : i32
        %dma_start3A_776 = arith.constant 0 : i32
        %dma_start3A_777 = tpu.memref_slice %arg7[%dma_start3A_773, %dma_start3A_774, %dma_start3A_775, %dma_start3A_776] : memref<2x5x98x64xf32, #tpu.memory_space<vmem>> -> memref<1x1x98x64xf32, #tpu.memory_space<vmem>>
        %dma_start3A_778 = tpu.memref_squeeze %dma_start3A_777 : memref<1x1x98x64xf32, #tpu.memory_space<vmem>> -> memref<98x64xf32, #tpu.memory_space<vmem>>
        %dma_start3A_779 = arith.constant 0 : i32
        %dma_start3A_780 = tpu.memref_slice %arg6[%dma_start3A_771, %dma_start3A_772, %dma_start3A_779] : memref<2x6x98xi32, #tpu.memory_space<vmem>> -> memref<1x1x98xi32, #tpu.memory_space<vmem>>
        %dma_start3A_781 = tpu.memref_squeeze %dma_start3A_780 : memref<1x1x98xi32, #tpu.memory_space<vmem>> -> memref<98xi32, #tpu.memory_space<vmem>>
        %dma_start3A_782 = arith.constant 0 : i32
        %dma_start3A_783 = arith.constant 0 : i32
        %dma_start3A_784 = tpu.memref_slice %arg2[%dma_start3A_782, %dma_start3A_783] : memref<500000x64xf32, #tpu.memory_space<hbm>> -> memref<500000x64xf32, #tpu.memory_space<hbm>>
        tpu.enqueue_indirect_dma source(%dma_start3A_784 : memref<500000x64xf32, #tpu.memory_space<hbm>>) target(%dma_start3A_778 : memref<98x64xf32, #tpu.memory_space<vmem>>) offsets(%dma_start3A_781 : memref<98xi32, #tpu.memory_space<vmem>>) semaphore(%arg13 : memref<!tpu.dma_semaphore, #tpu.memory_space<semaphore_mem>>)
        %dma_start3A_785 = arith.constant 1 : i32
        %dma_start3A_786 = arith.constant 2 : i32
        %dma_start3A_787 = arith.constant 1 : i32
        %dma_start3A_788 = arith.constant 2 : i32
        %dma_start3A_789 = arith.constant 0 : i32
        %dma_start3A_790 = arith.constant 0 : i32
        %dma_start3A_791 = tpu.memref_slice %arg7[%dma_start3A_787, %dma_start3A_788, %dma_start3A_789, %dma_start3A_790] : memref<2x5x98x64xf32, #tpu.memory_space<vmem>> -> memref<1x1x98x64xf32, #tpu.memory_space<vmem>>
        %dma_start3A_792 = tpu.memref_squeeze %dma_start3A_791 : memref<1x1x98x64xf32, #tpu.memory_space<vmem>> -> memref<98x64xf32, #tpu.memory_space<vmem>>
        %dma_start3A_793 = arith.constant 0 : i32
        %dma_start3A_794 = tpu.memref_slice %arg6[%dma_start3A_785, %dma_start3A_786, %dma_start3A_793] : memref<2x6x98xi32, #tpu.memory_space<vmem>> -> memref<1x1x98xi32, #tpu.memory_space<vmem>>
        %dma_start3A_795 = tpu.memref_squeeze %dma_start3A_794 : memref<1x1x98xi32, #tpu.memory_space<vmem>> -> memref<98xi32, #tpu.memory_space<vmem>>
        %dma_start3A_796 = arith.constant 0 : i32
        %dma_start3A_797 = arith.constant 0 : i32
        %dma_start3A_798 = tpu.memref_slice %arg2[%dma_start3A_796, %dma_start3A_797] : memref<500000x64xf32, #tpu.memory_space<hbm>> -> memref<500000x64xf32, #tpu.memory_space<hbm>>
        tpu.enqueue_indirect_dma source(%dma_start3A_798 : memref<500000x64xf32, #tpu.memory_space<hbm>>) target(%dma_start3A_792 : memref<98x64xf32, #tpu.memory_space<vmem>>) offsets(%dma_start3A_795 : memref<98xi32, #tpu.memory_space<vmem>>) semaphore(%arg13 : memref<!tpu.dma_semaphore, #tpu.memory_space<semaphore_mem>>)
        %dma_start3A_799 = arith.constant 1 : i32
        %dma_start3A_800 = arith.constant 3 : i32
        %dma_start3A_801 = arith.constant 1 : i32
        %dma_start3A_802 = arith.constant 3 : i32
        %dma_start3A_803 = arith.constant 0 : i32
        %dma_start3A_804 = arith.constant 0 : i32
        %dma_start3A_805 = tpu.memref_slice %arg7[%dma_start3A_801, %dma_start3A_802, %dma_start3A_803, %dma_start3A_804] : memref<2x5x98x64xf32, #tpu.memory_space<vmem>> -> memref<1x1x98x64xf32, #tpu.memory_space<vmem>>
        %dma_start3A_806 = tpu.memref_squeeze %dma_start3A_805 : memref<1x1x98x64xf32, #tpu.memory_space<vmem>> -> memref<98x64xf32, #tpu.memory_space<vmem>>
        %dma_start3A_807 = arith.constant 0 : i32
        %dma_start3A_808 = tpu.memref_slice %arg6[%dma_start3A_799, %dma_start3A_800, %dma_start3A_807] : memref<2x6x98xi32, #tpu.memory_space<vmem>> -> memref<1x1x98xi32, #tpu.memory_space<vmem>>
        %dma_start3A_809 = tpu.memref_squeeze %dma_start3A_808 : memref<1x1x98xi32, #tpu.memory_space<vmem>> -> memref<98xi32, #tpu.memory_space<vmem>>
        %dma_start3A_810 = arith.constant 0 : i32
        %dma_start3A_811 = arith.constant 0 : i32
        %dma_start3A_812 = tpu.memref_slice %arg2[%dma_start3A_810, %dma_start3A_811] : memref<500000x64xf32, #tpu.memory_space<hbm>> -> memref<500000x64xf32, #tpu.memory_space<hbm>>
        tpu.enqueue_indirect_dma source(%dma_start3A_812 : memref<500000x64xf32, #tpu.memory_space<hbm>>) target(%dma_start3A_806 : memref<98x64xf32, #tpu.memory_space<vmem>>) offsets(%dma_start3A_809 : memref<98xi32, #tpu.memory_space<vmem>>) semaphore(%arg13 : memref<!tpu.dma_semaphore, #tpu.memory_space<semaphore_mem>>)
        %dma_start3A_813 = arith.constant 1 : i32
        %dma_start3A_814 = arith.constant 4 : i32
        %dma_start3A_815 = arith.constant 1 : i32
        %dma_start3A_816 = arith.constant 4 : i32
        %dma_start3A_817 = arith.constant 0 : i32
        %dma_start3A_818 = arith.constant 0 : i32
        %dma_start3A_819 = tpu.memref_slice %arg7[%dma_start3A_815, %dma_start3A_816, %dma_start3A_817, %dma_start3A_818] : memref<2x5x98x64xf32, #tpu.memory_space<vmem>> -> memref<1x1x98x64xf32, #tpu.memory_space<vmem>>
        %dma_start3A_820 = tpu.memref_squeeze %dma_start3A_819 : memref<1x1x98x64xf32, #tpu.memory_space<vmem>> -> memref<98x64xf32, #tpu.memory_space<vmem>>
        %dma_start3A_821 = arith.constant 0 : i32
        %dma_start3A_822 = tpu.memref_slice %arg6[%dma_start3A_813, %dma_start3A_814, %dma_start3A_821] : memref<2x6x98xi32, #tpu.memory_space<vmem>> -> memref<1x1x98xi32, #tpu.memory_space<vmem>>
        %dma_start3A_823 = tpu.memref_squeeze %dma_start3A_822 : memref<1x1x98xi32, #tpu.memory_space<vmem>> -> memref<98xi32, #tpu.memory_space<vmem>>
        %dma_start3A_824 = arith.constant 0 : i32
        %dma_start3A_825 = arith.constant 0 : i32
        %dma_start3A_826 = tpu.memref_slice %arg2[%dma_start3A_824, %dma_start3A_825] : memref<500000x64xf32, #tpu.memory_space<hbm>> -> memref<500000x64xf32, #tpu.memory_space<hbm>>
        tpu.enqueue_indirect_dma source(%dma_start3A_826 : memref<500000x64xf32, #tpu.memory_space<hbm>>) target(%dma_start3A_820 : memref<98x64xf32, #tpu.memory_space<vmem>>) offsets(%dma_start3A_823 : memref<98xi32, #tpu.memory_space<vmem>>) semaphore(%arg13 : memref<!tpu.dma_semaphore, #tpu.memory_space<semaphore_mem>>)
        %dma_start3A_827 = arith.constant 1 : i32
        %dma_start3A_828 = arith.constant 5 : i32
        %dma_start3A_829 = arith.constant 1 : i32
        %dma_start3A_830 = arith.constant 0 : i32
        %dma_start3A_831 = arith.constant 0 : i32
        %dma_start3A_832 = tpu.memref_slice %arg8[%dma_start3A_829, %dma_start3A_830, %dma_start3A_831] : memref<2x98x64xf32, #tpu.memory_space<vmem>> -> memref<1x98x64xf32, #tpu.memory_space<vmem>>
        %dma_start3A_833 = tpu.memref_squeeze %dma_start3A_832 : memref<1x98x64xf32, #tpu.memory_space<vmem>> -> memref<98x64xf32, #tpu.memory_space<vmem>>
        %dma_start3A_834 = arith.constant 0 : i32
        %dma_start3A_835 = tpu.memref_slice %arg6[%dma_start3A_827, %dma_start3A_828, %dma_start3A_834] : memref<2x6x98xi32, #tpu.memory_space<vmem>> -> memref<1x1x98xi32, #tpu.memory_space<vmem>>
        %dma_start3A_836 = tpu.memref_squeeze %dma_start3A_835 : memref<1x1x98xi32, #tpu.memory_space<vmem>> -> memref<98xi32, #tpu.memory_space<vmem>>
        %dma_start3A_837 = arith.constant 0 : i32
        %dma_start3A_838 = arith.constant 0 : i32
        %dma_start3A_839 = tpu.memref_slice %arg3[%dma_start3A_837, %dma_start3A_838] : memref<100000x64xf32, #tpu.memory_space<hbm>> -> memref<100000x64xf32, #tpu.memory_space<hbm>>
        tpu.enqueue_indirect_dma source(%dma_start3A_839 : memref<100000x64xf32, #tpu.memory_space<hbm>>) target(%dma_start3A_833 : memref<98x64xf32, #tpu.memory_space<vmem>>) offsets(%dma_start3A_836 : memref<98xi32, #tpu.memory_space<vmem>>) semaphore(%arg13 : memref<!tpu.dma_semaphore, #tpu.memory_space<semaphore_mem>>)
      } else {
      }
      %dma_start3A_492 = arith.constant 0 : i32
      %dma_start3A_493 = arith.constant 0 : i32
      %dma_start3A_494 = arith.constant 0 : i32
      %dma_start3A_495 = tpu.memref_slice %arg9[%dma_start3A_492, %dma_start3A_493, %dma_start3A_494] : memref<2x196x64xf32, #tpu.memory_space<vmem>> -> memref<1x196x64xf32, #tpu.memory_space<vmem>>
      %dma_start3A_496 = tpu.memref_squeeze %dma_start3A_495 : memref<1x196x64xf32, #tpu.memory_space<vmem>> -> memref<196x64xf32, #tpu.memory_space<vmem>>
      %dma_start3A_497 = arith.constant 0 : i32
      %dma_start3A_498 = arith.constant 0 : i32
      %dma_start3A_499 = tpu.memref_slice %arg5[%add3A_286, %dma_start3A_497, %dma_start3A_498] : memref<1024x196x64xf32, #tpu.memory_space<hbm>> -> memref<1x196x64xf32, #tpu.memory_space<hbm>>
      %dma_start3A_500 = tpu.memref_squeeze %dma_start3A_499 : memref<1x196x64xf32, #tpu.memory_space<hbm>> -> memref<196x64xf32, #tpu.memory_space<hbm>>
      %dma_start3A_501 = arith.constant 0 : i32
      %dma_start3A_502 = arith.constant 0 : i32
      %dma_start3A_503 = tpu.memref_slice %arg5[%add3A_286, %dma_start3A_501, %dma_start3A_502] : memref<1024x196x64xf32, #tpu.memory_space<hbm>> -> memref<1x196x64xf32, #tpu.memory_space<hbm>>
      %dma_start3A_504 = tpu.memref_squeeze %dma_start3A_503 : memref<1x196x64xf32, #tpu.memory_space<hbm>> -> memref<196x64xf32, #tpu.memory_space<hbm>>
      %dma_start3A_505 = arith.constant 0 : i32
      %dma_start3A_506 = arith.constant 0 : i32
      %dma_start3A_507 = tpu.memref_slice %arg9[%dma_start3A_492, %dma_start3A_505, %dma_start3A_506] : memref<2x196x64xf32, #tpu.memory_space<vmem>> -> memref<1x196x64xf32, #tpu.memory_space<vmem>>
      %dma_start3A_508 = tpu.memref_squeeze %dma_start3A_507 : memref<1x196x64xf32, #tpu.memory_space<vmem>> -> memref<196x64xf32, #tpu.memory_space<vmem>>
      tpu.enqueue_dma source(%dma_start3A_508 : memref<196x64xf32, #tpu.memory_space<vmem>>) target(%dma_start3A_504 : memref<196x64xf32, #tpu.memory_space<hbm>>) target_semaphore(%arg14 : memref<!tpu.dma_semaphore, #tpu.memory_space<semaphore_mem>>)
      %add3A_509 = arith.constant 1 : i32
      %add3A_510 = arith.addi %add3A_283, %add3A_509 : i32
      %add3A_511 = arith.addi %mul3A_2, %add3A_510 : i32
      %ge3A_512 = arith.constant 2 : i32
      %ge3A_513 = arith.cmpi sge, %add3A_510, %ge3A_512 : i32
      %convert_element_type3A_514 = arith.extui %ge3A_513 : i1 to i32
      %cond3A_515 = arith.constant 0 : i32
      %cond3A_516 = arith.cmpi ne, %convert_element_type3A_514, %cond3A_515 : i32
      scf.if %cond3A_516 {
        %dma_wait3A_738 = arith.constant 1 : i32
        %dma_wait3A_739 = arith.constant 0 : i32
        %dma_wait3A_740 = arith.constant 0 : i32
        %dma_wait3A_741 = tpu.memref_slice %arg9[%dma_wait3A_738, %dma_wait3A_739, %dma_wait3A_740] : memref<2x196x64xf32, #tpu.memory_space<vmem>> -> memref<1x196x64xf32, #tpu.memory_space<vmem>>
        %dma_wait3A_742 = tpu.memref_squeeze %dma_wait3A_741 : memref<1x196x64xf32, #tpu.memory_space<vmem>> -> memref<196x64xf32, #tpu.memory_space<vmem>>
        %dma_wait3A_743 = arith.constant 0 : i32
        %dma_wait3A_744 = arith.constant 0 : i32
        %dma_wait3A_745 = tpu.memref_slice %arg5[%add3A_511, %dma_wait3A_743, %dma_wait3A_744] : memref<1024x196x64xf32, #tpu.memory_space<hbm>> -> memref<1x196x64xf32, #tpu.memory_space<hbm>>
        %dma_wait3A_746 = tpu.memref_squeeze %dma_wait3A_745 : memref<1x196x64xf32, #tpu.memory_space<hbm>> -> memref<196x64xf32, #tpu.memory_space<hbm>>
        %dma_wait3A_747 = arith.constant 0 : i32
        %dma_wait3A_748 = arith.constant 0 : i32
        %dma_wait3A_749 = tpu.memref_slice %arg5[%add3A_511, %dma_wait3A_747, %dma_wait3A_748] : memref<1024x196x64xf32, #tpu.memory_space<hbm>> -> memref<1x196x64xf32, #tpu.memory_space<hbm>>
        %dma_wait3A_750 = tpu.memref_squeeze %dma_wait3A_749 : memref<1x196x64xf32, #tpu.memory_space<hbm>> -> memref<196x64xf32, #tpu.memory_space<hbm>>
        %dma_wait3A_751 = arith.constant 0 : i32
        %dma_wait3A_752 = arith.constant 0 : i32
        %dma_wait3A_753 = tpu.memref_slice %arg9[%dma_wait3A_738, %dma_wait3A_751, %dma_wait3A_752] : memref<2x196x64xf32, #tpu.memory_space<vmem>> -> memref<1x196x64xf32, #tpu.memory_space<vmem>>
        %dma_wait3A_754 = tpu.memref_squeeze %dma_wait3A_753 : memref<1x196x64xf32, #tpu.memory_space<vmem>> -> memref<196x64xf32, #tpu.memory_space<vmem>>
        tpu.wait_dma2 semaphore(%arg15 : memref<!tpu.dma_semaphore, #tpu.memory_space<semaphore_mem>>) src(%dma_wait3A_754 : memref<196x64xf32, #tpu.memory_space<vmem>>) dst(%dma_wait3A_750 : memref<196x64xf32, #tpu.memory_space<hbm>>)
      } else {
      }
      %dma_wait3A_517 = arith.constant 0 : i32
      %dma_wait3A_518 = arith.constant 0 : i32
      %dma_wait3A_519 = arith.constant 0 : i32
      %dma_wait3A_520 = arith.constant 0 : i32
      %dma_wait3A_521 = arith.constant 0 : i32
      %dma_wait3A_522 = arith.constant 0 : i32
      %dma_wait3A_523 = tpu.memref_slice %arg7[%dma_wait3A_519, %dma_wait3A_520, %dma_wait3A_521, %dma_wait3A_522] : memref<2x5x98x64xf32, #tpu.memory_space<vmem>> -> memref<1x1x98x64xf32, #tpu.memory_space<vmem>>
      %dma_wait3A_524 = tpu.memref_squeeze %dma_wait3A_523 : memref<1x1x98x64xf32, #tpu.memory_space<vmem>> -> memref<98x64xf32, #tpu.memory_space<vmem>>
      %dma_wait3A_525 = arith.constant 0 : i32
      %dma_wait3A_526 = tpu.memref_slice %arg6[%dma_wait3A_517, %dma_wait3A_518, %dma_wait3A_525] : memref<2x6x98xi32, #tpu.memory_space<vmem>> -> memref<1x1x98xi32, #tpu.memory_space<vmem>>
      %dma_wait3A_527 = tpu.memref_squeeze %dma_wait3A_526 : memref<1x1x98xi32, #tpu.memory_space<vmem>> -> memref<98xi32, #tpu.memory_space<vmem>>
      %dma_wait3A_528 = arith.constant 0 : i32
      %dma_wait3A_529 = arith.constant 0 : i32
      %dma_wait3A_530 = tpu.memref_slice %arg2[%dma_wait3A_528, %dma_wait3A_529] : memref<500000x64xf32, #tpu.memory_space<hbm>> -> memref<500000x64xf32, #tpu.memory_space<hbm>>
      tpu.wait_indirect_dma semaphore(%arg12 : memref<!tpu.dma_semaphore, #tpu.memory_space<semaphore_mem>>) src(%dma_wait3A_530 : memref<500000x64xf32, #tpu.memory_space<hbm>>) dst(%dma_wait3A_524 : memref<98x64xf32, #tpu.memory_space<vmem>>)
      %dma_wait3A_531 = arith.constant 0 : i32
      %dma_wait3A_532 = arith.constant 1 : i32
      %dma_wait3A_533 = arith.constant 0 : i32
      %dma_wait3A_534 = arith.constant 1 : i32
      %dma_wait3A_535 = arith.constant 0 : i32
      %dma_wait3A_536 = arith.constant 0 : i32
      %dma_wait3A_537 = tpu.memref_slice %arg7[%dma_wait3A_533, %dma_wait3A_534, %dma_wait3A_535, %dma_wait3A_536] : memref<2x5x98x64xf32, #tpu.memory_space<vmem>> -> memref<1x1x98x64xf32, #tpu.memory_space<vmem>>
      %dma_wait3A_538 = tpu.memref_squeeze %dma_wait3A_537 : memref<1x1x98x64xf32, #tpu.memory_space<vmem>> -> memref<98x64xf32, #tpu.memory_space<vmem>>
      %dma_wait3A_539 = arith.constant 0 : i32
      %dma_wait3A_540 = tpu.memref_slice %arg6[%dma_wait3A_531, %dma_wait3A_532, %dma_wait3A_539] : memref<2x6x98xi32, #tpu.memory_space<vmem>> -> memref<1x1x98xi32, #tpu.memory_space<vmem>>
      %dma_wait3A_541 = tpu.memref_squeeze %dma_wait3A_540 : memref<1x1x98xi32, #tpu.memory_space<vmem>> -> memref<98xi32, #tpu.memory_space<vmem>>
      %dma_wait3A_542 = arith.constant 0 : i32
      %dma_wait3A_543 = arith.constant 0 : i32
      %dma_wait3A_544 = tpu.memref_slice %arg2[%dma_wait3A_542, %dma_wait3A_543] : memref<500000x64xf32, #tpu.memory_space<hbm>> -> memref<500000x64xf32, #tpu.memory_space<hbm>>
      tpu.wait_indirect_dma semaphore(%arg12 : memref<!tpu.dma_semaphore, #tpu.memory_space<semaphore_mem>>) src(%dma_wait3A_544 : memref<500000x64xf32, #tpu.memory_space<hbm>>) dst(%dma_wait3A_538 : memref<98x64xf32, #tpu.memory_space<vmem>>)
      %dma_wait3A_545 = arith.constant 0 : i32
      %dma_wait3A_546 = arith.constant 2 : i32
      %dma_wait3A_547 = arith.constant 0 : i32
      %dma_wait3A_548 = arith.constant 2 : i32
      %dma_wait3A_549 = arith.constant 0 : i32
      %dma_wait3A_550 = arith.constant 0 : i32
      %dma_wait3A_551 = tpu.memref_slice %arg7[%dma_wait3A_547, %dma_wait3A_548, %dma_wait3A_549, %dma_wait3A_550] : memref<2x5x98x64xf32, #tpu.memory_space<vmem>> -> memref<1x1x98x64xf32, #tpu.memory_space<vmem>>
      %dma_wait3A_552 = tpu.memref_squeeze %dma_wait3A_551 : memref<1x1x98x64xf32, #tpu.memory_space<vmem>> -> memref<98x64xf32, #tpu.memory_space<vmem>>
      %dma_wait3A_553 = arith.constant 0 : i32
      %dma_wait3A_554 = tpu.memref_slice %arg6[%dma_wait3A_545, %dma_wait3A_546, %dma_wait3A_553] : memref<2x6x98xi32, #tpu.memory_space<vmem>> -> memref<1x1x98xi32, #tpu.memory_space<vmem>>
      %dma_wait3A_555 = tpu.memref_squeeze %dma_wait3A_554 : memref<1x1x98xi32, #tpu.memory_space<vmem>> -> memref<98xi32, #tpu.memory_space<vmem>>
      %dma_wait3A_556 = arith.constant 0 : i32
      %dma_wait3A_557 = arith.constant 0 : i32
      %dma_wait3A_558 = tpu.memref_slice %arg2[%dma_wait3A_556, %dma_wait3A_557] : memref<500000x64xf32, #tpu.memory_space<hbm>> -> memref<500000x64xf32, #tpu.memory_space<hbm>>
      tpu.wait_indirect_dma semaphore(%arg12 : memref<!tpu.dma_semaphore, #tpu.memory_space<semaphore_mem>>) src(%dma_wait3A_558 : memref<500000x64xf32, #tpu.memory_space<hbm>>) dst(%dma_wait3A_552 : memref<98x64xf32, #tpu.memory_space<vmem>>)
      %dma_wait3A_559 = arith.constant 0 : i32
      %dma_wait3A_560 = arith.constant 3 : i32
      %dma_wait3A_561 = arith.constant 0 : i32
      %dma_wait3A_562 = arith.constant 3 : i32
      %dma_wait3A_563 = arith.constant 0 : i32
      %dma_wait3A_564 = arith.constant 0 : i32
      %dma_wait3A_565 = tpu.memref_slice %arg7[%dma_wait3A_561, %dma_wait3A_562, %dma_wait3A_563, %dma_wait3A_564] : memref<2x5x98x64xf32, #tpu.memory_space<vmem>> -> memref<1x1x98x64xf32, #tpu.memory_space<vmem>>
      %dma_wait3A_566 = tpu.memref_squeeze %dma_wait3A_565 : memref<1x1x98x64xf32, #tpu.memory_space<vmem>> -> memref<98x64xf32, #tpu.memory_space<vmem>>
      %dma_wait3A_567 = arith.constant 0 : i32
      %dma_wait3A_568 = tpu.memref_slice %arg6[%dma_wait3A_559, %dma_wait3A_560, %dma_wait3A_567] : memref<2x6x98xi32, #tpu.memory_space<vmem>> -> memref<1x1x98xi32, #tpu.memory_space<vmem>>
      %dma_wait3A_569 = tpu.memref_squeeze %dma_wait3A_568 : memref<1x1x98xi32, #tpu.memory_space<vmem>> -> memref<98xi32, #tpu.memory_space<vmem>>
      %dma_wait3A_570 = arith.constant 0 : i32
      %dma_wait3A_571 = arith.constant 0 : i32
      %dma_wait3A_572 = tpu.memref_slice %arg2[%dma_wait3A_570, %dma_wait3A_571] : memref<500000x64xf32, #tpu.memory_space<hbm>> -> memref<500000x64xf32, #tpu.memory_space<hbm>>
      tpu.wait_indirect_dma semaphore(%arg12 : memref<!tpu.dma_semaphore, #tpu.memory_space<semaphore_mem>>) src(%dma_wait3A_572 : memref<500000x64xf32, #tpu.memory_space<hbm>>) dst(%dma_wait3A_566 : memref<98x64xf32, #tpu.memory_space<vmem>>)
      %dma_wait3A_573 = arith.constant 0 : i32
      %dma_wait3A_574 = arith.constant 4 : i32
      %dma_wait3A_575 = arith.constant 0 : i32
      %dma_wait3A_576 = arith.constant 4 : i32
      %dma_wait3A_577 = arith.constant 0 : i32
      %dma_wait3A_578 = arith.constant 0 : i32
      %dma_wait3A_579 = tpu.memref_slice %arg7[%dma_wait3A_575, %dma_wait3A_576, %dma_wait3A_577, %dma_wait3A_578] : memref<2x5x98x64xf32, #tpu.memory_space<vmem>> -> memref<1x1x98x64xf32, #tpu.memory_space<vmem>>
      %dma_wait3A_580 = tpu.memref_squeeze %dma_wait3A_579 : memref<1x1x98x64xf32, #tpu.memory_space<vmem>> -> memref<98x64xf32, #tpu.memory_space<vmem>>
      %dma_wait3A_581 = arith.constant 0 : i32
      %dma_wait3A_582 = tpu.memref_slice %arg6[%dma_wait3A_573, %dma_wait3A_574, %dma_wait3A_581] : memref<2x6x98xi32, #tpu.memory_space<vmem>> -> memref<1x1x98xi32, #tpu.memory_space<vmem>>
      %dma_wait3A_583 = tpu.memref_squeeze %dma_wait3A_582 : memref<1x1x98xi32, #tpu.memory_space<vmem>> -> memref<98xi32, #tpu.memory_space<vmem>>
      %dma_wait3A_584 = arith.constant 0 : i32
      %dma_wait3A_585 = arith.constant 0 : i32
      %dma_wait3A_586 = tpu.memref_slice %arg2[%dma_wait3A_584, %dma_wait3A_585] : memref<500000x64xf32, #tpu.memory_space<hbm>> -> memref<500000x64xf32, #tpu.memory_space<hbm>>
      tpu.wait_indirect_dma semaphore(%arg12 : memref<!tpu.dma_semaphore, #tpu.memory_space<semaphore_mem>>) src(%dma_wait3A_586 : memref<500000x64xf32, #tpu.memory_space<hbm>>) dst(%dma_wait3A_580 : memref<98x64xf32, #tpu.memory_space<vmem>>)
      %dma_wait3A_587 = arith.constant 0 : i32
      %dma_wait3A_588 = arith.constant 5 : i32
      %dma_wait3A_589 = arith.constant 0 : i32
      %dma_wait3A_590 = arith.constant 0 : i32
      %dma_wait3A_591 = arith.constant 0 : i32
      %dma_wait3A_592 = tpu.memref_slice %arg8[%dma_wait3A_589, %dma_wait3A_590, %dma_wait3A_591] : memref<2x98x64xf32, #tpu.memory_space<vmem>> -> memref<1x98x64xf32, #tpu.memory_space<vmem>>
      %dma_wait3A_593 = tpu.memref_squeeze %dma_wait3A_592 : memref<1x98x64xf32, #tpu.memory_space<vmem>> -> memref<98x64xf32, #tpu.memory_space<vmem>>
      %dma_wait3A_594 = arith.constant 0 : i32
      %dma_wait3A_595 = tpu.memref_slice %arg6[%dma_wait3A_587, %dma_wait3A_588, %dma_wait3A_594] : memref<2x6x98xi32, #tpu.memory_space<vmem>> -> memref<1x1x98xi32, #tpu.memory_space<vmem>>
      %dma_wait3A_596 = tpu.memref_squeeze %dma_wait3A_595 : memref<1x1x98xi32, #tpu.memory_space<vmem>> -> memref<98xi32, #tpu.memory_space<vmem>>
      %dma_wait3A_597 = arith.constant 0 : i32
      %dma_wait3A_598 = arith.constant 0 : i32
      %dma_wait3A_599 = tpu.memref_slice %arg3[%dma_wait3A_597, %dma_wait3A_598] : memref<100000x64xf32, #tpu.memory_space<hbm>> -> memref<100000x64xf32, #tpu.memory_space<hbm>>
      tpu.wait_indirect_dma semaphore(%arg12 : memref<!tpu.dma_semaphore, #tpu.memory_space<semaphore_mem>>) src(%dma_wait3A_599 : memref<100000x64xf32, #tpu.memory_space<hbm>>) dst(%dma_wait3A_593 : memref<98x64xf32, #tpu.memory_space<vmem>>)
      %add3A_600 = arith.constant 1 : i32
      %add3A_601 = arith.addi %add3A_510, %add3A_600 : i32
      %lt3A_602 = arith.constant 32 : i32
      %lt3A_603 = arith.cmpi slt, %add3A_601, %lt3A_602 : i32
      %convert_element_type3A_604 = arith.extui %lt3A_603 : i1 to i32
      %cond3A_605 = arith.constant 0 : i32
      %cond3A_606 = arith.cmpi ne, %convert_element_type3A_604, %cond3A_605 : i32
      scf.if %cond3A_606 {
        %add3A_738 = arith.constant 1 : i32
        %add3A_739 = arith.addi %add3A_511, %add3A_738 : i32
        %dma_start3A_740 = arith.constant 0 : i32
        %dma_start3A_741 = arith.constant 0 : i32
        %dma_start3A_742 = arith.constant 0 : i32
        %dma_start3A_743 = arith.constant 0 : i32
        %dma_start3A_744 = tpu.memref_slice %arg6[%dma_start3A_741, %dma_start3A_742, %dma_start3A_743] : memref<2x6x98xi32, #tpu.memory_space<vmem>> -> memref<1x6x98xi32, #tpu.memory_space<vmem>>
        %dma_start3A_745 = tpu.memref_squeeze %dma_start3A_744 : memref<1x6x98xi32, #tpu.memory_space<vmem>> -> memref<6x98xi32, #tpu.memory_space<vmem>>
        %dma_start3A_746 = arith.constant 0 : i32
        %dma_start3A_747 = arith.constant 0 : i32
        %dma_start3A_748 = tpu.memref_slice %arg4[%add3A_739, %dma_start3A_740, %dma_start3A_746, %dma_start3A_747] : memref<1024x2x6x98xi32, #tpu.memory_space<hbm>> -> memref<1x1x6x98xi32, #tpu.memory_space<hbm>>
        %dma_start3A_749 = tpu.memref_squeeze %dma_start3A_748 : memref<1x1x6x98xi32, #tpu.memory_space<hbm>> -> memref<6x98xi32, #tpu.memory_space<hbm>>
        %dma_start3A_750 = arith.constant 0 : i32
        %dma_start3A_751 = arith.constant 0 : i32
        %dma_start3A_752 = tpu.memref_slice %arg6[%dma_start3A_741, %dma_start3A_750, %dma_start3A_751] : memref<2x6x98xi32, #tpu.memory_space<vmem>> -> memref<1x6x98xi32, #tpu.memory_space<vmem>>
        %dma_start3A_753 = tpu.memref_squeeze %dma_start3A_752 : memref<1x6x98xi32, #tpu.memory_space<vmem>> -> memref<6x98xi32, #tpu.memory_space<vmem>>
        %dma_start3A_754 = arith.constant 0 : i32
        %dma_start3A_755 = arith.constant 0 : i32
        %dma_start3A_756 = tpu.memref_slice %arg4[%add3A_739, %dma_start3A_740, %dma_start3A_754, %dma_start3A_755] : memref<1024x2x6x98xi32, #tpu.memory_space<hbm>> -> memref<1x1x6x98xi32, #tpu.memory_space<hbm>>
        %dma_start3A_757 = tpu.memref_squeeze %dma_start3A_756 : memref<1x1x6x98xi32, #tpu.memory_space<hbm>> -> memref<6x98xi32, #tpu.memory_space<hbm>>
        tpu.enqueue_dma source(%dma_start3A_757 : memref<6x98xi32, #tpu.memory_space<hbm>>) target(%dma_start3A_753 : memref<6x98xi32, #tpu.memory_space<vmem>>) target_semaphore(%arg10 : memref<!tpu.dma_semaphore, #tpu.memory_space<semaphore_mem>>)
      } else {
      }
      %scan3A_607 = arith.constant 0 : i32
      %scan3A_608 = arith.constant 98 : i32
      %scan3A_609 = arith.addi %scan3A_607, %scan3A_608 : i32
      %scan3A_610 = arith.constant 1 : i32
      scf.for %scan3A_738 = %scan3A_607 to %scan3A_609 step %scan3A_610  : i32 {
        %mul3A_739 = arith.constant 1 : i32
        %mul3A_740 = arith.muli %scan3A_738, %mul3A_739 : i32
        %add3A_741 = arith.constant 0 : i32
        %add3A_742 = arith.addi %add3A_741, %mul3A_740 : i32
        %get3A = arith.constant 0 : i32
        %get3A_743 = arith.index_cast %get3A : i32 to index
        %get3A_744 = arith.index_cast %add3A_742 : i32 to index
        %get3A_745 = arith.constant 0 : index
        %get3A_746 = tpu.vector_load %arg8[%get3A_743, %get3A_744, %get3A_745] {strides = array<i32>} : memref<2x98x64xf32, #tpu.memory_space<vmem>>, vector<1x1x16xf32>,
        %get3A_747 = vector.shape_cast %get3A_746 : vector<1x1x16xf32> to vector<16xf32>
        %get3A_748 = arith.constant 0 : i32
        %get3A_749 = arith.constant 0 : i32
        %get3A_750 = arith.index_cast %get3A_748 : i32 to index
        %get3A_751 = arith.index_cast %get3A_749 : i32 to index
        %get3A_752 = arith.index_cast %add3A_742 : i32 to index
        %get3A_753 = arith.constant 0 : index
        %get3A_754 = tpu.vector_load %arg7[%get3A_750, %get3A_751, %get3A_752, %get3A_753] {strides = array<i32>} : memref<2x5x98x64xf32, #tpu.memory_space<vmem>>, vector<1x1x1x16xf32>,
        %get3A_755 = vector.shape_cast %get3A_754 : vector<1x1x1x16xf32> to vector<16xf32>
        %mul3A_756 = arith.mulf %get3A_755, %get3A_747 : vector<16xf32>
        %get3A_757 = arith.constant 0 : i32
        %get3A_758 = arith.constant 1 : i32
        %get3A_759 = arith.index_cast %get3A_757 : i32 to index
        %get3A_760 = arith.index_cast %get3A_758 : i32 to index
        %get3A_761 = arith.index_cast %add3A_742 : i32 to index
        %get3A_762 = arith.constant 0 : index
        %get3A_763 = tpu.vector_load %arg7[%get3A_759, %get3A_760, %get3A_761, %get3A_762] {strides = array<i32>} : memref<2x5x98x64xf32, #tpu.memory_space<vmem>>, vector<1x1x1x16xf32>,
        %get3A_764 = vector.shape_cast %get3A_763 : vector<1x1x1x16xf32> to vector<16xf32>
        %mul3A_765 = arith.mulf %get3A_764, %get3A_747 : vector<16xf32>
        %max3A = arith.maximumf %mul3A_756, %mul3A_765 : vector<16xf32>
        %get3A_766 = arith.constant 0 : i32
        %get3A_767 = arith.constant 2 : i32
        %get3A_768 = arith.index_cast %get3A_766 : i32 to index
        %get3A_769 = arith.index_cast %get3A_767 : i32 to index
        %get3A_770 = arith.index_cast %add3A_742 : i32 to index
        %get3A_771 = arith.constant 0 : index
        %get3A_772 = tpu.vector_load %arg7[%get3A_768, %get3A_769, %get3A_770, %get3A_771] {strides = array<i32>} : memref<2x5x98x64xf32, #tpu.memory_space<vmem>>, vector<1x1x1x16xf32>,
        %get3A_773 = vector.shape_cast %get3A_772 : vector<1x1x1x16xf32> to vector<16xf32>
        %mul3A_774 = arith.mulf %get3A_773, %get3A_747 : vector<16xf32>
        %max3A_775 = arith.maximumf %max3A, %mul3A_774 : vector<16xf32>
        %get3A_776 = arith.constant 0 : i32
        %get3A_777 = arith.constant 3 : i32
        %get3A_778 = arith.index_cast %get3A_776 : i32 to index
        %get3A_779 = arith.index_cast %get3A_777 : i32 to index
        %get3A_780 = arith.index_cast %add3A_742 : i32 to index
        %get3A_781 = arith.constant 0 : index
        %get3A_782 = tpu.vector_load %arg7[%get3A_778, %get3A_779, %get3A_780, %get3A_781] {strides = array<i32>} : memref<2x5x98x64xf32, #tpu.memory_space<vmem>>, vector<1x1x1x16xf32>,
        %get3A_783 = vector.shape_cast %get3A_782 : vector<1x1x1x16xf32> to vector<16xf32>
        %mul3A_784 = arith.mulf %get3A_783, %get3A_747 : vector<16xf32>
        %max3A_785 = arith.maximumf %max3A_775, %mul3A_784 : vector<16xf32>
        %get3A_786 = arith.constant 0 : i32
        %get3A_787 = arith.constant 4 : i32
        %get3A_788 = arith.index_cast %get3A_786 : i32 to index
        %get3A_789 = arith.index_cast %get3A_787 : i32 to index
        %get3A_790 = arith.index_cast %add3A_742 : i32 to index
        %get3A_791 = arith.constant 0 : index
        %get3A_792 = tpu.vector_load %arg7[%get3A_788, %get3A_789, %get3A_790, %get3A_791] {strides = array<i32>} : memref<2x5x98x64xf32, #tpu.memory_space<vmem>>, vector<1x1x1x16xf32>,
        %get3A_793 = vector.shape_cast %get3A_792 : vector<1x1x1x16xf32> to vector<16xf32>
        %mul3A_794 = arith.mulf %get3A_793, %get3A_747 : vector<16xf32>
        %max3A_795 = arith.maximumf %max3A_785, %mul3A_794 : vector<16xf32>
        %add3A_796 = arith.constant 0 : i32
        %add3A_797 = arith.addi %add3A_796, %add3A_742 : i32
        %swap3A = arith.constant 1 : i32
        %swap3A_798 = arith.index_cast %swap3A : i32 to index
        %swap3A_799 = arith.index_cast %add3A_797 : i32 to index
        %swap3A_800 = arith.constant 0 : index
        %swap3A_801 = tpu.vector_load %arg9[%swap3A_798, %swap3A_799, %swap3A_800] {strides = array<i32>} : memref<2x196x64xf32, #tpu.memory_space<vmem>>, vector<1x1x16xf32>,
        %swap3A_802 = vector.shape_cast %swap3A_801 : vector<1x1x16xf32> to vector<16xf32>
        %swap3A_803 = vector.shape_cast %max3A_795 : vector<16xf32> to vector<1x1x16xf32>
        tpu.vector_store %arg9[%swap3A_798, %swap3A_799, %swap3A_800], %swap3A_803 {strides = array<i32>} : memref<2x196x64xf32, #tpu.memory_space<vmem>>, vector<1x1x16xf32>,
        %get3A_804 = arith.constant 0 : i32
        %get3A_805 = arith.index_cast %get3A_804 : i32 to index
        %get3A_806 = arith.index_cast %add3A_742 : i32 to index
        %get3A_807 = arith.constant 16 : index
        %get3A_808 = tpu.vector_load %arg8[%get3A_805, %get3A_806, %get3A_807] {strides = array<i32>} : memref<2x98x64xf32, #tpu.memory_space<vmem>>, vector<1x1x16xf32>,
        %get3A_809 = vector.shape_cast %get3A_808 : vector<1x1x16xf32> to vector<16xf32>
        %get3A_810 = arith.constant 0 : i32
        %get3A_811 = arith.constant 0 : i32
        %get3A_812 = arith.index_cast %get3A_810 : i32 to index
        %get3A_813 = arith.index_cast %get3A_811 : i32 to index
        %get3A_814 = arith.index_cast %add3A_742 : i32 to index
        %get3A_815 = arith.constant 16 : index
        %get3A_816 = tpu.vector_load %arg7[%get3A_812, %get3A_813, %get3A_814, %get3A_815] {strides = array<i32>} : memref<2x5x98x64xf32, #tpu.memory_space<vmem>>, vector<1x1x1x16xf32>,
        %get3A_817 = vector.shape_cast %get3A_816 : vector<1x1x1x16xf32> to vector<16xf32>
        %mul3A_818 = arith.mulf %get3A_817, %get3A_809 : vector<16xf32>
        %get3A_819 = arith.constant 0 : i32
        %get3A_820 = arith.constant 1 : i32
        %get3A_821 = arith.index_cast %get3A_819 : i32 to index
        %get3A_822 = arith.index_cast %get3A_820 : i32 to index
        %get3A_823 = arith.index_cast %add3A_742 : i32 to index
        %get3A_824 = arith.constant 16 : index
        %get3A_825 = tpu.vector_load %arg7[%get3A_821, %get3A_822, %get3A_823, %get3A_824] {strides = array<i32>} : memref<2x5x98x64xf32, #tpu.memory_space<vmem>>, vector<1x1x1x16xf32>,
        %get3A_826 = vector.shape_cast %get3A_825 : vector<1x1x1x16xf32> to vector<16xf32>
        %mul3A_827 = arith.mulf %get3A_826, %get3A_809 : vector<16xf32>
        %max3A_828 = arith.maximumf %mul3A_818, %mul3A_827 : vector<16xf32>
        %get3A_829 = arith.constant 0 : i32
        %get3A_830 = arith.constant 2 : i32
        %get3A_831 = arith.index_cast %get3A_829 : i32 to index
        %get3A_832 = arith.index_cast %get3A_830 : i32 to index
        %get3A_833 = arith.index_cast %add3A_742 : i32 to index
        %get3A_834 = arith.constant 16 : index
        %get3A_835 = tpu.vector_load %arg7[%get3A_831, %get3A_832, %get3A_833, %get3A_834] {strides = array<i32>} : memref<2x5x98x64xf32, #tpu.memory_space<vmem>>, vector<1x1x1x16xf32>,
        %get3A_836 = vector.shape_cast %get3A_835 : vector<1x1x1x16xf32> to vector<16xf32>
        %mul3A_837 = arith.mulf %get3A_836, %get3A_809 : vector<16xf32>
        %max3A_838 = arith.maximumf %max3A_828, %mul3A_837 : vector<16xf32>
        %get3A_839 = arith.constant 0 : i32
        %get3A_840 = arith.constant 3 : i32
        %get3A_841 = arith.index_cast %get3A_839 : i32 to index
        %get3A_842 = arith.index_cast %get3A_840 : i32 to index
        %get3A_843 = arith.index_cast %add3A_742 : i32 to index
        %get3A_844 = arith.constant 16 : index
        %get3A_845 = tpu.vector_load %arg7[%get3A_841, %get3A_842, %get3A_843, %get3A_844] {strides = array<i32>} : memref<2x5x98x64xf32, #tpu.memory_space<vmem>>, vector<1x1x1x16xf32>,
        %get3A_846 = vector.shape_cast %get3A_845 : vector<1x1x1x16xf32> to vector<16xf32>
        %mul3A_847 = arith.mulf %get3A_846, %get3A_809 : vector<16xf32>
        %max3A_848 = arith.maximumf %max3A_838, %mul3A_847 : vector<16xf32>
        %get3A_849 = arith.constant 0 : i32
        %get3A_850 = arith.constant 4 : i32
        %get3A_851 = arith.index_cast %get3A_849 : i32 to index
        %get3A_852 = arith.index_cast %get3A_850 : i32 to index
        %get3A_853 = arith.index_cast %add3A_742 : i32 to index
        %get3A_854 = arith.constant 16 : index
        %get3A_855 = tpu.vector_load %arg7[%get3A_851, %get3A_852, %get3A_853, %get3A_854] {strides = array<i32>} : memref<2x5x98x64xf32, #tpu.memory_space<vmem>>, vector<1x1x1x16xf32>,
        %get3A_856 = vector.shape_cast %get3A_855 : vector<1x1x1x16xf32> to vector<16xf32>
        %mul3A_857 = arith.mulf %get3A_856, %get3A_809 : vector<16xf32>
        %max3A_858 = arith.maximumf %max3A_848, %mul3A_857 : vector<16xf32>
        %add3A_859 = arith.constant 0 : i32
        %add3A_860 = arith.addi %add3A_859, %add3A_742 : i32
        %swap3A_861 = arith.constant 1 : i32
        %swap3A_862 = arith.index_cast %swap3A_861 : i32 to index
        %swap3A_863 = arith.index_cast %add3A_860 : i32 to index
        %swap3A_864 = arith.constant 16 : index
        %swap3A_865 = tpu.vector_load %arg9[%swap3A_862, %swap3A_863, %swap3A_864] {strides = array<i32>} : memref<2x196x64xf32, #tpu.memory_space<vmem>>, vector<1x1x16xf32>,
        %swap3A_866 = vector.shape_cast %swap3A_865 : vector<1x1x16xf32> to vector<16xf32>
        %swap3A_867 = vector.shape_cast %max3A_858 : vector<16xf32> to vector<1x1x16xf32>
        tpu.vector_store %arg9[%swap3A_862, %swap3A_863, %swap3A_864], %swap3A_867 {strides = array<i32>} : memref<2x196x64xf32, #tpu.memory_space<vmem>>, vector<1x1x16xf32>,
        %get3A_868 = arith.constant 0 : i32
        %get3A_869 = arith.index_cast %get3A_868 : i32 to index
        %get3A_870 = arith.index_cast %add3A_742 : i32 to index
        %get3A_871 = arith.constant 32 : index
        %get3A_872 = tpu.vector_load %arg8[%get3A_869, %get3A_870, %get3A_871] {strides = array<i32>} : memref<2x98x64xf32, #tpu.memory_space<vmem>>, vector<1x1x16xf32>,
        %get3A_873 = vector.shape_cast %get3A_872 : vector<1x1x16xf32> to vector<16xf32>
        %get3A_874 = arith.constant 0 : i32
        %get3A_875 = arith.constant 0 : i32
        %get3A_876 = arith.index_cast %get3A_874 : i32 to index
        %get3A_877 = arith.index_cast %get3A_875 : i32 to index
        %get3A_878 = arith.index_cast %add3A_742 : i32 to index
        %get3A_879 = arith.constant 32 : index
        %get3A_880 = tpu.vector_load %arg7[%get3A_876, %get3A_877, %get3A_878, %get3A_879] {strides = array<i32>} : memref<2x5x98x64xf32, #tpu.memory_space<vmem>>, vector<1x1x1x16xf32>,
        %get3A_881 = vector.shape_cast %get3A_880 : vector<1x1x1x16xf32> to vector<16xf32>
        %mul3A_882 = arith.mulf %get3A_881, %get3A_873 : vector<16xf32>
        %get3A_883 = arith.constant 0 : i32
        %get3A_884 = arith.constant 1 : i32
        %get3A_885 = arith.index_cast %get3A_883 : i32 to index
        %get3A_886 = arith.index_cast %get3A_884 : i32 to index
        %get3A_887 = arith.index_cast %add3A_742 : i32 to index
        %get3A_888 = arith.constant 32 : index
        %get3A_889 = tpu.vector_load %arg7[%get3A_885, %get3A_886, %get3A_887, %get3A_888] {strides = array<i32>} : memref<2x5x98x64xf32, #tpu.memory_space<vmem>>, vector<1x1x1x16xf32>,
        %get3A_890 = vector.shape_cast %get3A_889 : vector<1x1x1x16xf32> to vector<16xf32>
        %mul3A_891 = arith.mulf %get3A_890, %get3A_873 : vector<16xf32>
        %max3A_892 = arith.maximumf %mul3A_882, %mul3A_891 : vector<16xf32>
        %get3A_893 = arith.constant 0 : i32
        %get3A_894 = arith.constant 2 : i32
        %get3A_895 = arith.index_cast %get3A_893 : i32 to index
        %get3A_896 = arith.index_cast %get3A_894 : i32 to index
        %get3A_897 = arith.index_cast %add3A_742 : i32 to index
        %get3A_898 = arith.constant 32 : index
        %get3A_899 = tpu.vector_load %arg7[%get3A_895, %get3A_896, %get3A_897, %get3A_898] {strides = array<i32>} : memref<2x5x98x64xf32, #tpu.memory_space<vmem>>, vector<1x1x1x16xf32>,
        %get3A_900 = vector.shape_cast %get3A_899 : vector<1x1x1x16xf32> to vector<16xf32>
        %mul3A_901 = arith.mulf %get3A_900, %get3A_873 : vector<16xf32>
        %max3A_902 = arith.maximumf %max3A_892, %mul3A_901 : vector<16xf32>
        %get3A_903 = arith.constant 0 : i32
        %get3A_904 = arith.constant 3 : i32
        %get3A_905 = arith.index_cast %get3A_903 : i32 to index
        %get3A_906 = arith.index_cast %get3A_904 : i32 to index
        %get3A_907 = arith.index_cast %add3A_742 : i32 to index
        %get3A_908 = arith.constant 32 : index
        %get3A_909 = tpu.vector_load %arg7[%get3A_905, %get3A_906, %get3A_907, %get3A_908] {strides = array<i32>} : memref<2x5x98x64xf32, #tpu.memory_space<vmem>>, vector<1x1x1x16xf32>,
        %get3A_910 = vector.shape_cast %get3A_909 : vector<1x1x1x16xf32> to vector<16xf32>
        %mul3A_911 = arith.mulf %get3A_910, %get3A_873 : vector<16xf32>
        %max3A_912 = arith.maximumf %max3A_902, %mul3A_911 : vector<16xf32>
        %get3A_913 = arith.constant 0 : i32
        %get3A_914 = arith.constant 4 : i32
        %get3A_915 = arith.index_cast %get3A_913 : i32 to index
        %get3A_916 = arith.index_cast %get3A_914 : i32 to index
        %get3A_917 = arith.index_cast %add3A_742 : i32 to index
        %get3A_918 = arith.constant 32 : index
        %get3A_919 = tpu.vector_load %arg7[%get3A_915, %get3A_916, %get3A_917, %get3A_918] {strides = array<i32>} : memref<2x5x98x64xf32, #tpu.memory_space<vmem>>, vector<1x1x1x16xf32>,
        %get3A_920 = vector.shape_cast %get3A_919 : vector<1x1x1x16xf32> to vector<16xf32>
        %mul3A_921 = arith.mulf %get3A_920, %get3A_873 : vector<16xf32>
        %max3A_922 = arith.maximumf %max3A_912, %mul3A_921 : vector<16xf32>
        %add3A_923 = arith.constant 0 : i32
        %add3A_924 = arith.addi %add3A_923, %add3A_742 : i32
        %swap3A_925 = arith.constant 1 : i32
        %swap3A_926 = arith.index_cast %swap3A_925 : i32 to index
        %swap3A_927 = arith.index_cast %add3A_924 : i32 to index
        %swap3A_928 = arith.constant 32 : index
        %swap3A_929 = tpu.vector_load %arg9[%swap3A_926, %swap3A_927, %swap3A_928] {strides = array<i32>} : memref<2x196x64xf32, #tpu.memory_space<vmem>>, vector<1x1x16xf32>,
        %swap3A_930 = vector.shape_cast %swap3A_929 : vector<1x1x16xf32> to vector<16xf32>
        %swap3A_931 = vector.shape_cast %max3A_922 : vector<16xf32> to vector<1x1x16xf32>
        tpu.vector_store %arg9[%swap3A_926, %swap3A_927, %swap3A_928], %swap3A_931 {strides = array<i32>} : memref<2x196x64xf32, #tpu.memory_space<vmem>>, vector<1x1x16xf32>,
        %get3A_932 = arith.constant 0 : i32
        %get3A_933 = arith.index_cast %get3A_932 : i32 to index
        %get3A_934 = arith.index_cast %add3A_742 : i32 to index
        %get3A_935 = arith.constant 48 : index
        %get3A_936 = tpu.vector_load %arg8[%get3A_933, %get3A_934, %get3A_935] {strides = array<i32>} : memref<2x98x64xf32, #tpu.memory_space<vmem>>, vector<1x1x16xf32>,
        %get3A_937 = vector.shape_cast %get3A_936 : vector<1x1x16xf32> to vector<16xf32>
        %get3A_938 = arith.constant 0 : i32
        %get3A_939 = arith.constant 0 : i32
        %get3A_940 = arith.index_cast %get3A_938 : i32 to index
        %get3A_941 = arith.index_cast %get3A_939 : i32 to index
        %get3A_942 = arith.index_cast %add3A_742 : i32 to index
        %get3A_943 = arith.constant 48 : index
        %get3A_944 = tpu.vector_load %arg7[%get3A_940, %get3A_941, %get3A_942, %get3A_943] {strides = array<i32>} : memref<2x5x98x64xf32, #tpu.memory_space<vmem>>, vector<1x1x1x16xf32>,
        %get3A_945 = vector.shape_cast %get3A_944 : vector<1x1x1x16xf32> to vector<16xf32>
        %mul3A_946 = arith.mulf %get3A_945, %get3A_937 : vector<16xf32>
        %get3A_947 = arith.constant 0 : i32
        %get3A_948 = arith.constant 1 : i32
        %get3A_949 = arith.index_cast %get3A_947 : i32 to index
        %get3A_950 = arith.index_cast %get3A_948 : i32 to index
        %get3A_951 = arith.index_cast %add3A_742 : i32 to index
        %get3A_952 = arith.constant 48 : index
        %get3A_953 = tpu.vector_load %arg7[%get3A_949, %get3A_950, %get3A_951, %get3A_952] {strides = array<i32>} : memref<2x5x98x64xf32, #tpu.memory_space<vmem>>, vector<1x1x1x16xf32>,
        %get3A_954 = vector.shape_cast %get3A_953 : vector<1x1x1x16xf32> to vector<16xf32>
        %mul3A_955 = arith.mulf %get3A_954, %get3A_937 : vector<16xf32>
        %max3A_956 = arith.maximumf %mul3A_946, %mul3A_955 : vector<16xf32>
        %get3A_957 = arith.constant 0 : i32
        %get3A_958 = arith.constant 2 : i32
        %get3A_959 = arith.index_cast %get3A_957 : i32 to index
        %get3A_960 = arith.index_cast %get3A_958 : i32 to index
        %get3A_961 = arith.index_cast %add3A_742 : i32 to index
        %get3A_962 = arith.constant 48 : index
        %get3A_963 = tpu.vector_load %arg7[%get3A_959, %get3A_960, %get3A_961, %get3A_962] {strides = array<i32>} : memref<2x5x98x64xf32, #tpu.memory_space<vmem>>, vector<1x1x1x16xf32>,
        %get3A_964 = vector.shape_cast %get3A_963 : vector<1x1x1x16xf32> to vector<16xf32>
        %mul3A_965 = arith.mulf %get3A_964, %get3A_937 : vector<16xf32>
        %max3A_966 = arith.maximumf %max3A_956, %mul3A_965 : vector<16xf32>
        %get3A_967 = arith.constant 0 : i32
        %get3A_968 = arith.constant 3 : i32
        %get3A_969 = arith.index_cast %get3A_967 : i32 to index
        %get3A_970 = arith.index_cast %get3A_968 : i32 to index
        %get3A_971 = arith.index_cast %add3A_742 : i32 to index
        %get3A_972 = arith.constant 48 : index
        %get3A_973 = tpu.vector_load %arg7[%get3A_969, %get3A_970, %get3A_971, %get3A_972] {strides = array<i32>} : memref<2x5x98x64xf32, #tpu.memory_space<vmem>>, vector<1x1x1x16xf32>,
        %get3A_974 = vector.shape_cast %get3A_973 : vector<1x1x1x16xf32> to vector<16xf32>
        %mul3A_975 = arith.mulf %get3A_974, %get3A_937 : vector<16xf32>
        %max3A_976 = arith.maximumf %max3A_966, %mul3A_975 : vector<16xf32>
        %get3A_977 = arith.constant 0 : i32
        %get3A_978 = arith.constant 4 : i32
        %get3A_979 = arith.index_cast %get3A_977 : i32 to index
        %get3A_980 = arith.index_cast %get3A_978 : i32 to index
        %get3A_981 = arith.index_cast %add3A_742 : i32 to index
        %get3A_982 = arith.constant 48 : index
        %get3A_983 = tpu.vector_load %arg7[%get3A_979, %get3A_980, %get3A_981, %get3A_982] {strides = array<i32>} : memref<2x5x98x64xf32, #tpu.memory_space<vmem>>, vector<1x1x1x16xf32>,
        %get3A_984 = vector.shape_cast %get3A_983 : vector<1x1x1x16xf32> to vector<16xf32>
        %mul3A_985 = arith.mulf %get3A_984, %get3A_937 : vector<16xf32>
        %max3A_986 = arith.maximumf %max3A_976, %mul3A_985 : vector<16xf32>
        %add3A_987 = arith.constant 0 : i32
        %add3A_988 = arith.addi %add3A_987, %add3A_742 : i32
        %swap3A_989 = arith.constant 1 : i32
        %swap3A_990 = arith.index_cast %swap3A_989 : i32 to index
        %swap3A_991 = arith.index_cast %add3A_988 : i32 to index
        %swap3A_992 = arith.constant 48 : index
        %swap3A_993 = tpu.vector_load %arg9[%swap3A_990, %swap3A_991, %swap3A_992] {strides = array<i32>} : memref<2x196x64xf32, #tpu.memory_space<vmem>>, vector<1x1x16xf32>,
        %swap3A_994 = vector.shape_cast %swap3A_993 : vector<1x1x16xf32> to vector<16xf32>
        %swap3A_995 = vector.shape_cast %max3A_986 : vector<16xf32> to vector<1x1x16xf32>
        tpu.vector_store %arg9[%swap3A_990, %swap3A_991, %swap3A_992], %swap3A_995 {strides = array<i32>} : memref<2x196x64xf32, #tpu.memory_space<vmem>>, vector<1x1x16xf32>,
      }
      %scan3A_611 = arith.constant 98 : i32
      %add3A_612 = arith.constant 1 : i32
      %add3A_613 = arith.addi %add3A_510, %add3A_612 : i32
      %lt3A_614 = arith.constant 32 : i32
      %lt3A_615 = arith.cmpi slt, %add3A_613, %lt3A_614 : i32
      %convert_element_type3A_616 = arith.extui %lt3A_615 : i1 to i32
      %cond3A_617 = arith.constant 0 : i32
      %cond3A_618 = arith.cmpi ne, %convert_element_type3A_616, %cond3A_617 : i32
      scf.if %cond3A_618 {
        %dma_wait3A_738 = arith.constant 0 : i32
        %dma_wait3A_739 = arith.constant 0 : i32
        %dma_wait3A_740 = arith.constant 0 : i32
        %dma_wait3A_741 = arith.constant 0 : i32
        %dma_wait3A_742 = arith.constant 0 : i32
        %dma_wait3A_743 = tpu.memref_slice %arg6[%dma_wait3A_740, %dma_wait3A_741, %dma_wait3A_742] : memref<2x6x98xi32, #tpu.memory_space<vmem>> -> memref<1x6x98xi32, #tpu.memory_space<vmem>>
        %dma_wait3A_744 = tpu.memref_squeeze %dma_wait3A_743 : memref<1x6x98xi32, #tpu.memory_space<vmem>> -> memref<6x98xi32, #tpu.memory_space<vmem>>
        %dma_wait3A_745 = arith.constant 0 : i32
        %dma_wait3A_746 = arith.constant 0 : i32
        %dma_wait3A_747 = tpu.memref_slice %arg4[%dma_wait3A_738, %dma_wait3A_739, %dma_wait3A_745, %dma_wait3A_746] : memref<1024x2x6x98xi32, #tpu.memory_space<hbm>> -> memref<1x1x6x98xi32, #tpu.memory_space<hbm>>
        %dma_wait3A_748 = tpu.memref_squeeze %dma_wait3A_747 : memref<1x1x6x98xi32, #tpu.memory_space<hbm>> -> memref<6x98xi32, #tpu.memory_space<hbm>>
        %dma_wait3A_749 = arith.constant 0 : i32
        %dma_wait3A_750 = arith.constant 0 : i32
        %dma_wait3A_751 = tpu.memref_slice %arg6[%dma_wait3A_740, %dma_wait3A_749, %dma_wait3A_750] : memref<2x6x98xi32, #tpu.memory_space<vmem>> -> memref<1x6x98xi32, #tpu.memory_space<vmem>>
        %dma_wait3A_752 = tpu.memref_squeeze %dma_wait3A_751 : memref<1x6x98xi32, #tpu.memory_space<vmem>> -> memref<6x98xi32, #tpu.memory_space<vmem>>
        %dma_wait3A_753 = arith.constant 0 : i32
        %dma_wait3A_754 = arith.constant 0 : i32
        %dma_wait3A_755 = tpu.memref_slice %arg4[%dma_wait3A_738, %dma_wait3A_739, %dma_wait3A_753, %dma_wait3A_754] : memref<1024x2x6x98xi32, #tpu.memory_space<hbm>> -> memref<1x1x6x98xi32, #tpu.memory_space<hbm>>
        %dma_wait3A_756 = tpu.memref_squeeze %dma_wait3A_755 : memref<1x1x6x98xi32, #tpu.memory_space<hbm>> -> memref<6x98xi32, #tpu.memory_space<hbm>>
        tpu.wait_dma2 semaphore(%arg10 : memref<!tpu.dma_semaphore, #tpu.memory_space<semaphore_mem>>) src(%dma_wait3A_756 : memref<6x98xi32, #tpu.memory_space<hbm>>) dst(%dma_wait3A_752 : memref<6x98xi32, #tpu.memory_space<vmem>>)
        %dma_start3A_757 = arith.constant 0 : i32
        %dma_start3A_758 = arith.constant 0 : i32
        %dma_start3A_759 = arith.constant 0 : i32
        %dma_start3A_760 = arith.constant 0 : i32
        %dma_start3A_761 = arith.constant 0 : i32
        %dma_start3A_762 = arith.constant 0 : i32
        %dma_start3A_763 = tpu.memref_slice %arg7[%dma_start3A_759, %dma_start3A_760, %dma_start3A_761, %dma_start3A_762] : memref<2x5x98x64xf32, #tpu.memory_space<vmem>> -> memref<1x1x98x64xf32, #tpu.memory_space<vmem>>
        %dma_start3A_764 = tpu.memref_squeeze %dma_start3A_763 : memref<1x1x98x64xf32, #tpu.memory_space<vmem>> -> memref<98x64xf32, #tpu.memory_space<vmem>>
        %dma_start3A_765 = arith.constant 0 : i32
        %dma_start3A_766 = tpu.memref_slice %arg6[%dma_start3A_757, %dma_start3A_758, %dma_start3A_765] : memref<2x6x98xi32, #tpu.memory_space<vmem>> -> memref<1x1x98xi32, #tpu.memory_space<vmem>>
        %dma_start3A_767 = tpu.memref_squeeze %dma_start3A_766 : memref<1x1x98xi32, #tpu.memory_space<vmem>> -> memref<98xi32, #tpu.memory_space<vmem>>
        %dma_start3A_768 = arith.constant 0 : i32
        %dma_start3A_769 = arith.constant 0 : i32
        %dma_start3A_770 = tpu.memref_slice %arg2[%dma_start3A_768, %dma_start3A_769] : memref<500000x64xf32, #tpu.memory_space<hbm>> -> memref<500000x64xf32, #tpu.memory_space<hbm>>
        tpu.enqueue_indirect_dma source(%dma_start3A_770 : memref<500000x64xf32, #tpu.memory_space<hbm>>) target(%dma_start3A_764 : memref<98x64xf32, #tpu.memory_space<vmem>>) offsets(%dma_start3A_767 : memref<98xi32, #tpu.memory_space<vmem>>) semaphore(%arg12 : memref<!tpu.dma_semaphore, #tpu.memory_space<semaphore_mem>>)
        %dma_start3A_771 = arith.constant 0 : i32
        %dma_start3A_772 = arith.constant 1 : i32
        %dma_start3A_773 = arith.constant 0 : i32
        %dma_start3A_774 = arith.constant 1 : i32
        %dma_start3A_775 = arith.constant 0 : i32
        %dma_start3A_776 = arith.constant 0 : i32
        %dma_start3A_777 = tpu.memref_slice %arg7[%dma_start3A_773, %dma_start3A_774, %dma_start3A_775, %dma_start3A_776] : memref<2x5x98x64xf32, #tpu.memory_space<vmem>> -> memref<1x1x98x64xf32, #tpu.memory_space<vmem>>
        %dma_start3A_778 = tpu.memref_squeeze %dma_start3A_777 : memref<1x1x98x64xf32, #tpu.memory_space<vmem>> -> memref<98x64xf32, #tpu.memory_space<vmem>>
        %dma_start3A_779 = arith.constant 0 : i32
        %dma_start3A_780 = tpu.memref_slice %arg6[%dma_start3A_771, %dma_start3A_772, %dma_start3A_779] : memref<2x6x98xi32, #tpu.memory_space<vmem>> -> memref<1x1x98xi32, #tpu.memory_space<vmem>>
        %dma_start3A_781 = tpu.memref_squeeze %dma_start3A_780 : memref<1x1x98xi32, #tpu.memory_space<vmem>> -> memref<98xi32, #tpu.memory_space<vmem>>
        %dma_start3A_782 = arith.constant 0 : i32
        %dma_start3A_783 = arith.constant 0 : i32
        %dma_start3A_784 = tpu.memref_slice %arg2[%dma_start3A_782, %dma_start3A_783] : memref<500000x64xf32, #tpu.memory_space<hbm>> -> memref<500000x64xf32, #tpu.memory_space<hbm>>
        tpu.enqueue_indirect_dma source(%dma_start3A_784 : memref<500000x64xf32, #tpu.memory_space<hbm>>) target(%dma_start3A_778 : memref<98x64xf32, #tpu.memory_space<vmem>>) offsets(%dma_start3A_781 : memref<98xi32, #tpu.memory_space<vmem>>) semaphore(%arg12 : memref<!tpu.dma_semaphore, #tpu.memory_space<semaphore_mem>>)
        %dma_start3A_785 = arith.constant 0 : i32
        %dma_start3A_786 = arith.constant 2 : i32
        %dma_start3A_787 = arith.constant 0 : i32
        %dma_start3A_788 = arith.constant 2 : i32
        %dma_start3A_789 = arith.constant 0 : i32
        %dma_start3A_790 = arith.constant 0 : i32
        %dma_start3A_791 = tpu.memref_slice %arg7[%dma_start3A_787, %dma_start3A_788, %dma_start3A_789, %dma_start3A_790] : memref<2x5x98x64xf32, #tpu.memory_space<vmem>> -> memref<1x1x98x64xf32, #tpu.memory_space<vmem>>
        %dma_start3A_792 = tpu.memref_squeeze %dma_start3A_791 : memref<1x1x98x64xf32, #tpu.memory_space<vmem>> -> memref<98x64xf32, #tpu.memory_space<vmem>>
        %dma_start3A_793 = arith.constant 0 : i32
        %dma_start3A_794 = tpu.memref_slice %arg6[%dma_start3A_785, %dma_start3A_786, %dma_start3A_793] : memref<2x6x98xi32, #tpu.memory_space<vmem>> -> memref<1x1x98xi32, #tpu.memory_space<vmem>>
        %dma_start3A_795 = tpu.memref_squeeze %dma_start3A_794 : memref<1x1x98xi32, #tpu.memory_space<vmem>> -> memref<98xi32, #tpu.memory_space<vmem>>
        %dma_start3A_796 = arith.constant 0 : i32
        %dma_start3A_797 = arith.constant 0 : i32
        %dma_start3A_798 = tpu.memref_slice %arg2[%dma_start3A_796, %dma_start3A_797] : memref<500000x64xf32, #tpu.memory_space<hbm>> -> memref<500000x64xf32, #tpu.memory_space<hbm>>
        tpu.enqueue_indirect_dma source(%dma_start3A_798 : memref<500000x64xf32, #tpu.memory_space<hbm>>) target(%dma_start3A_792 : memref<98x64xf32, #tpu.memory_space<vmem>>) offsets(%dma_start3A_795 : memref<98xi32, #tpu.memory_space<vmem>>) semaphore(%arg12 : memref<!tpu.dma_semaphore, #tpu.memory_space<semaphore_mem>>)
        %dma_start3A_799 = arith.constant 0 : i32
        %dma_start3A_800 = arith.constant 3 : i32
        %dma_start3A_801 = arith.constant 0 : i32
        %dma_start3A_802 = arith.constant 3 : i32
        %dma_start3A_803 = arith.constant 0 : i32
        %dma_start3A_804 = arith.constant 0 : i32
        %dma_start3A_805 = tpu.memref_slice %arg7[%dma_start3A_801, %dma_start3A_802, %dma_start3A_803, %dma_start3A_804] : memref<2x5x98x64xf32, #tpu.memory_space<vmem>> -> memref<1x1x98x64xf32, #tpu.memory_space<vmem>>
        %dma_start3A_806 = tpu.memref_squeeze %dma_start3A_805 : memref<1x1x98x64xf32, #tpu.memory_space<vmem>> -> memref<98x64xf32, #tpu.memory_space<vmem>>
        %dma_start3A_807 = arith.constant 0 : i32
        %dma_start3A_808 = tpu.memref_slice %arg6[%dma_start3A_799, %dma_start3A_800, %dma_start3A_807] : memref<2x6x98xi32, #tpu.memory_space<vmem>> -> memref<1x1x98xi32, #tpu.memory_space<vmem>>
        %dma_start3A_809 = tpu.memref_squeeze %dma_start3A_808 : memref<1x1x98xi32, #tpu.memory_space<vmem>> -> memref<98xi32, #tpu.memory_space<vmem>>
        %dma_start3A_810 = arith.constant 0 : i32
        %dma_start3A_811 = arith.constant 0 : i32
        %dma_start3A_812 = tpu.memref_slice %arg2[%dma_start3A_810, %dma_start3A_811] : memref<500000x64xf32, #tpu.memory_space<hbm>> -> memref<500000x64xf32, #tpu.memory_space<hbm>>
        tpu.enqueue_indirect_dma source(%dma_start3A_812 : memref<500000x64xf32, #tpu.memory_space<hbm>>) target(%dma_start3A_806 : memref<98x64xf32, #tpu.memory_space<vmem>>) offsets(%dma_start3A_809 : memref<98xi32, #tpu.memory_space<vmem>>) semaphore(%arg12 : memref<!tpu.dma_semaphore, #tpu.memory_space<semaphore_mem>>)
        %dma_start3A_813 = arith.constant 0 : i32
        %dma_start3A_814 = arith.constant 4 : i32
        %dma_start3A_815 = arith.constant 0 : i32
        %dma_start3A_816 = arith.constant 4 : i32
        %dma_start3A_817 = arith.constant 0 : i32
        %dma_start3A_818 = arith.constant 0 : i32
        %dma_start3A_819 = tpu.memref_slice %arg7[%dma_start3A_815, %dma_start3A_816, %dma_start3A_817, %dma_start3A_818] : memref<2x5x98x64xf32, #tpu.memory_space<vmem>> -> memref<1x1x98x64xf32, #tpu.memory_space<vmem>>
        %dma_start3A_820 = tpu.memref_squeeze %dma_start3A_819 : memref<1x1x98x64xf32, #tpu.memory_space<vmem>> -> memref<98x64xf32, #tpu.memory_space<vmem>>
        %dma_start3A_821 = arith.constant 0 : i32
        %dma_start3A_822 = tpu.memref_slice %arg6[%dma_start3A_813, %dma_start3A_814, %dma_start3A_821] : memref<2x6x98xi32, #tpu.memory_space<vmem>> -> memref<1x1x98xi32, #tpu.memory_space<vmem>>
        %dma_start3A_823 = tpu.memref_squeeze %dma_start3A_822 : memref<1x1x98xi32, #tpu.memory_space<vmem>> -> memref<98xi32, #tpu.memory_space<vmem>>
        %dma_start3A_824 = arith.constant 0 : i32
        %dma_start3A_825 = arith.constant 0 : i32
        %dma_start3A_826 = tpu.memref_slice %arg2[%dma_start3A_824, %dma_start3A_825] : memref<500000x64xf32, #tpu.memory_space<hbm>> -> memref<500000x64xf32, #tpu.memory_space<hbm>>
        tpu.enqueue_indirect_dma source(%dma_start3A_826 : memref<500000x64xf32, #tpu.memory_space<hbm>>) target(%dma_start3A_820 : memref<98x64xf32, #tpu.memory_space<vmem>>) offsets(%dma_start3A_823 : memref<98xi32, #tpu.memory_space<vmem>>) semaphore(%arg12 : memref<!tpu.dma_semaphore, #tpu.memory_space<semaphore_mem>>)
        %dma_start3A_827 = arith.constant 0 : i32
        %dma_start3A_828 = arith.constant 5 : i32
        %dma_start3A_829 = arith.constant 0 : i32
        %dma_start3A_830 = arith.constant 0 : i32
        %dma_start3A_831 = arith.constant 0 : i32
        %dma_start3A_832 = tpu.memref_slice %arg8[%dma_start3A_829, %dma_start3A_830, %dma_start3A_831] : memref<2x98x64xf32, #tpu.memory_space<vmem>> -> memref<1x98x64xf32, #tpu.memory_space<vmem>>
        %dma_start3A_833 = tpu.memref_squeeze %dma_start3A_832 : memref<1x98x64xf32, #tpu.memory_space<vmem>> -> memref<98x64xf32, #tpu.memory_space<vmem>>
        %dma_start3A_834 = arith.constant 0 : i32
        %dma_start3A_835 = tpu.memref_slice %arg6[%dma_start3A_827, %dma_start3A_828, %dma_start3A_834] : memref<2x6x98xi32, #tpu.memory_space<vmem>> -> memref<1x1x98xi32, #tpu.memory_space<vmem>>
        %dma_start3A_836 = tpu.memref_squeeze %dma_start3A_835 : memref<1x1x98xi32, #tpu.memory_space<vmem>> -> memref<98xi32, #tpu.memory_space<vmem>>
        %dma_start3A_837 = arith.constant 0 : i32
        %dma_start3A_838 = arith.constant 0 : i32
        %dma_start3A_839 = tpu.memref_slice %arg3[%dma_start3A_837, %dma_start3A_838] : memref<100000x64xf32, #tpu.memory_space<hbm>> -> memref<100000x64xf32, #tpu.memory_space<hbm>>
        tpu.enqueue_indirect_dma source(%dma_start3A_839 : memref<100000x64xf32, #tpu.memory_space<hbm>>) target(%dma_start3A_833 : memref<98x64xf32, #tpu.memory_space<vmem>>) offsets(%dma_start3A_836 : memref<98xi32, #tpu.memory_space<vmem>>) semaphore(%arg12 : memref<!tpu.dma_semaphore, #tpu.memory_space<semaphore_mem>>)
      } else {
      }
      %dma_wait3A_619 = arith.constant 1 : i32
      %dma_wait3A_620 = arith.constant 0 : i32
      %dma_wait3A_621 = arith.constant 1 : i32
      %dma_wait3A_622 = arith.constant 0 : i32
      %dma_wait3A_623 = arith.constant 0 : i32
      %dma_wait3A_624 = arith.constant 0 : i32
      %dma_wait3A_625 = tpu.memref_slice %arg7[%dma_wait3A_621, %dma_wait3A_622, %dma_wait3A_623, %dma_wait3A_624] : memref<2x5x98x64xf32, #tpu.memory_space<vmem>> -> memref<1x1x98x64xf32, #tpu.memory_space<vmem>>
      %dma_wait3A_626 = tpu.memref_squeeze %dma_wait3A_625 : memref<1x1x98x64xf32, #tpu.memory_space<vmem>> -> memref<98x64xf32, #tpu.memory_space<vmem>>
      %dma_wait3A_627 = arith.constant 0 : i32
      %dma_wait3A_628 = tpu.memref_slice %arg6[%dma_wait3A_619, %dma_wait3A_620, %dma_wait3A_627] : memref<2x6x98xi32, #tpu.memory_space<vmem>> -> memref<1x1x98xi32, #tpu.memory_space<vmem>>
      %dma_wait3A_629 = tpu.memref_squeeze %dma_wait3A_628 : memref<1x1x98xi32, #tpu.memory_space<vmem>> -> memref<98xi32, #tpu.memory_space<vmem>>
      %dma_wait3A_630 = arith.constant 0 : i32
      %dma_wait3A_631 = arith.constant 0 : i32
      %dma_wait3A_632 = tpu.memref_slice %arg2[%dma_wait3A_630, %dma_wait3A_631] : memref<500000x64xf32, #tpu.memory_space<hbm>> -> memref<500000x64xf32, #tpu.memory_space<hbm>>
      tpu.wait_indirect_dma semaphore(%arg13 : memref<!tpu.dma_semaphore, #tpu.memory_space<semaphore_mem>>) src(%dma_wait3A_632 : memref<500000x64xf32, #tpu.memory_space<hbm>>) dst(%dma_wait3A_626 : memref<98x64xf32, #tpu.memory_space<vmem>>)
      %dma_wait3A_633 = arith.constant 1 : i32
      %dma_wait3A_634 = arith.constant 1 : i32
      %dma_wait3A_635 = arith.constant 1 : i32
      %dma_wait3A_636 = arith.constant 1 : i32
      %dma_wait3A_637 = arith.constant 0 : i32
      %dma_wait3A_638 = arith.constant 0 : i32
      %dma_wait3A_639 = tpu.memref_slice %arg7[%dma_wait3A_635, %dma_wait3A_636, %dma_wait3A_637, %dma_wait3A_638] : memref<2x5x98x64xf32, #tpu.memory_space<vmem>> -> memref<1x1x98x64xf32, #tpu.memory_space<vmem>>
      %dma_wait3A_640 = tpu.memref_squeeze %dma_wait3A_639 : memref<1x1x98x64xf32, #tpu.memory_space<vmem>> -> memref<98x64xf32, #tpu.memory_space<vmem>>
      %dma_wait3A_641 = arith.constant 0 : i32
      %dma_wait3A_642 = tpu.memref_slice %arg6[%dma_wait3A_633, %dma_wait3A_634, %dma_wait3A_641] : memref<2x6x98xi32, #tpu.memory_space<vmem>> -> memref<1x1x98xi32, #tpu.memory_space<vmem>>
      %dma_wait3A_643 = tpu.memref_squeeze %dma_wait3A_642 : memref<1x1x98xi32, #tpu.memory_space<vmem>> -> memref<98xi32, #tpu.memory_space<vmem>>
      %dma_wait3A_644 = arith.constant 0 : i32
      %dma_wait3A_645 = arith.constant 0 : i32
      %dma_wait3A_646 = tpu.memref_slice %arg2[%dma_wait3A_644, %dma_wait3A_645] : memref<500000x64xf32, #tpu.memory_space<hbm>> -> memref<500000x64xf32, #tpu.memory_space<hbm>>
      tpu.wait_indirect_dma semaphore(%arg13 : memref<!tpu.dma_semaphore, #tpu.memory_space<semaphore_mem>>) src(%dma_wait3A_646 : memref<500000x64xf32, #tpu.memory_space<hbm>>) dst(%dma_wait3A_640 : memref<98x64xf32, #tpu.memory_space<vmem>>)
      %dma_wait3A_647 = arith.constant 1 : i32
      %dma_wait3A_648 = arith.constant 2 : i32
      %dma_wait3A_649 = arith.constant 1 : i32
      %dma_wait3A_650 = arith.constant 2 : i32
      %dma_wait3A_651 = arith.constant 0 : i32
      %dma_wait3A_652 = arith.constant 0 : i32
      %dma_wait3A_653 = tpu.memref_slice %arg7[%dma_wait3A_649, %dma_wait3A_650, %dma_wait3A_651, %dma_wait3A_652] : memref<2x5x98x64xf32, #tpu.memory_space<vmem>> -> memref<1x1x98x64xf32, #tpu.memory_space<vmem>>
      %dma_wait3A_654 = tpu.memref_squeeze %dma_wait3A_653 : memref<1x1x98x64xf32, #tpu.memory_space<vmem>> -> memref<98x64xf32, #tpu.memory_space<vmem>>
      %dma_wait3A_655 = arith.constant 0 : i32
      %dma_wait3A_656 = tpu.memref_slice %arg6[%dma_wait3A_647, %dma_wait3A_648, %dma_wait3A_655] : memref<2x6x98xi32, #tpu.memory_space<vmem>> -> memref<1x1x98xi32, #tpu.memory_space<vmem>>
      %dma_wait3A_657 = tpu.memref_squeeze %dma_wait3A_656 : memref<1x1x98xi32, #tpu.memory_space<vmem>> -> memref<98xi32, #tpu.memory_space<vmem>>
      %dma_wait3A_658 = arith.constant 0 : i32
      %dma_wait3A_659 = arith.constant 0 : i32
      %dma_wait3A_660 = tpu.memref_slice %arg2[%dma_wait3A_658, %dma_wait3A_659] : memref<500000x64xf32, #tpu.memory_space<hbm>> -> memref<500000x64xf32, #tpu.memory_space<hbm>>
      tpu.wait_indirect_dma semaphore(%arg13 : memref<!tpu.dma_semaphore, #tpu.memory_space<semaphore_mem>>) src(%dma_wait3A_660 : memref<500000x64xf32, #tpu.memory_space<hbm>>) dst(%dma_wait3A_654 : memref<98x64xf32, #tpu.memory_space<vmem>>)
      %dma_wait3A_661 = arith.constant 1 : i32
      %dma_wait3A_662 = arith.constant 3 : i32
      %dma_wait3A_663 = arith.constant 1 : i32
      %dma_wait3A_664 = arith.constant 3 : i32
      %dma_wait3A_665 = arith.constant 0 : i32
      %dma_wait3A_666 = arith.constant 0 : i32
      %dma_wait3A_667 = tpu.memref_slice %arg7[%dma_wait3A_663, %dma_wait3A_664, %dma_wait3A_665, %dma_wait3A_666] : memref<2x5x98x64xf32, #tpu.memory_space<vmem>> -> memref<1x1x98x64xf32, #tpu.memory_space<vmem>>
      %dma_wait3A_668 = tpu.memref_squeeze %dma_wait3A_667 : memref<1x1x98x64xf32, #tpu.memory_space<vmem>> -> memref<98x64xf32, #tpu.memory_space<vmem>>
      %dma_wait3A_669 = arith.constant 0 : i32
      %dma_wait3A_670 = tpu.memref_slice %arg6[%dma_wait3A_661, %dma_wait3A_662, %dma_wait3A_669] : memref<2x6x98xi32, #tpu.memory_space<vmem>> -> memref<1x1x98xi32, #tpu.memory_space<vmem>>
      %dma_wait3A_671 = tpu.memref_squeeze %dma_wait3A_670 : memref<1x1x98xi32, #tpu.memory_space<vmem>> -> memref<98xi32, #tpu.memory_space<vmem>>
      %dma_wait3A_672 = arith.constant 0 : i32
      %dma_wait3A_673 = arith.constant 0 : i32
      %dma_wait3A_674 = tpu.memref_slice %arg2[%dma_wait3A_672, %dma_wait3A_673] : memref<500000x64xf32, #tpu.memory_space<hbm>> -> memref<500000x64xf32, #tpu.memory_space<hbm>>
      tpu.wait_indirect_dma semaphore(%arg13 : memref<!tpu.dma_semaphore, #tpu.memory_space<semaphore_mem>>) src(%dma_wait3A_674 : memref<500000x64xf32, #tpu.memory_space<hbm>>) dst(%dma_wait3A_668 : memref<98x64xf32, #tpu.memory_space<vmem>>)
      %dma_wait3A_675 = arith.constant 1 : i32
      %dma_wait3A_676 = arith.constant 4 : i32
      %dma_wait3A_677 = arith.constant 1 : i32
      %dma_wait3A_678 = arith.constant 4 : i32
      %dma_wait3A_679 = arith.constant 0 : i32
      %dma_wait3A_680 = arith.constant 0 : i32
      %dma_wait3A_681 = tpu.memref_slice %arg7[%dma_wait3A_677, %dma_wait3A_678, %dma_wait3A_679, %dma_wait3A_680] : memref<2x5x98x64xf32, #tpu.memory_space<vmem>> -> memref<1x1x98x64xf32, #tpu.memory_space<vmem>>
      %dma_wait3A_682 = tpu.memref_squeeze %dma_wait3A_681 : memref<1x1x98x64xf32, #tpu.memory_space<vmem>> -> memref<98x64xf32, #tpu.memory_space<vmem>>
      %dma_wait3A_683 = arith.constant 0 : i32
      %dma_wait3A_684 = tpu.memref_slice %arg6[%dma_wait3A_675, %dma_wait3A_676, %dma_wait3A_683] : memref<2x6x98xi32, #tpu.memory_space<vmem>> -> memref<1x1x98xi32, #tpu.memory_space<vmem>>
      %dma_wait3A_685 = tpu.memref_squeeze %dma_wait3A_684 : memref<1x1x98xi32, #tpu.memory_space<vmem>> -> memref<98xi32, #tpu.memory_space<vmem>>
      %dma_wait3A_686 = arith.constant 0 : i32
      %dma_wait3A_687 = arith.constant 0 : i32
      %dma_wait3A_688 = tpu.memref_slice %arg2[%dma_wait3A_686, %dma_wait3A_687] : memref<500000x64xf32, #tpu.memory_space<hbm>> -> memref<500000x64xf32, #tpu.memory_space<hbm>>
      tpu.wait_indirect_dma semaphore(%arg13 : memref<!tpu.dma_semaphore, #tpu.memory_space<semaphore_mem>>) src(%dma_wait3A_688 : memref<500000x64xf32, #tpu.memory_space<hbm>>) dst(%dma_wait3A_682 : memref<98x64xf32, #tpu.memory_space<vmem>>)
      %dma_wait3A_689 = arith.constant 1 : i32
      %dma_wait3A_690 = arith.constant 5 : i32
      %dma_wait3A_691 = arith.constant 1 : i32
      %dma_wait3A_692 = arith.constant 0 : i32
      %dma_wait3A_693 = arith.constant 0 : i32
      %dma_wait3A_694 = tpu.memref_slice %arg8[%dma_wait3A_691, %dma_wait3A_692, %dma_wait3A_693] : memref<2x98x64xf32, #tpu.memory_space<vmem>> -> memref<1x98x64xf32, #tpu.memory_space<vmem>>
      %dma_wait3A_695 = tpu.memref_squeeze %dma_wait3A_694 : memref<1x98x64xf32, #tpu.memory_space<vmem>> -> memref<98x64xf32, #tpu.memory_space<vmem>>
      %dma_wait3A_696 = arith.constant 0 : i32
      %dma_wait3A_697 = tpu.memref_slice %arg6[%dma_wait3A_689, %dma_wait3A_690, %dma_wait3A_696] : memref<2x6x98xi32, #tpu.memory_space<vmem>> -> memref<1x1x98xi32, #tpu.memory_space<vmem>>
      %dma_wait3A_698 = tpu.memref_squeeze %dma_wait3A_697 : memref<1x1x98xi32, #tpu.memory_space<vmem>> -> memref<98xi32, #tpu.memory_space<vmem>>
      %dma_wait3A_699 = arith.constant 0 : i32
      %dma_wait3A_700 = arith.constant 0 : i32
      %dma_wait3A_701 = tpu.memref_slice %arg3[%dma_wait3A_699, %dma_wait3A_700] : memref<100000x64xf32, #tpu.memory_space<hbm>> -> memref<100000x64xf32, #tpu.memory_space<hbm>>
      tpu.wait_indirect_dma semaphore(%arg13 : memref<!tpu.dma_semaphore, #tpu.memory_space<semaphore_mem>>) src(%dma_wait3A_701 : memref<100000x64xf32, #tpu.memory_space<hbm>>) dst(%dma_wait3A_695 : memref<98x64xf32, #tpu.memory_space<vmem>>)
      %add3A_702 = arith.constant 1 : i32
      %add3A_703 = arith.addi %add3A_510, %add3A_702 : i32
      %lt3A_704 = arith.constant 32 : i32
      %lt3A_705 = arith.cmpi slt, %add3A_703, %lt3A_704 : i32
      %convert_element_type3A_706 = arith.extui %lt3A_705 : i1 to i32
      %cond3A_707 = arith.constant 0 : i32
      %cond3A_708 = arith.cmpi ne, %convert_element_type3A_706, %cond3A_707 : i32
      scf.if %cond3A_708 {
        %add3A_738 = arith.constant 1 : i32
        %add3A_739 = arith.addi %add3A_511, %add3A_738 : i32
        %dma_start3A_740 = arith.constant 1 : i32
        %dma_start3A_741 = arith.constant 1 : i32
        %dma_start3A_742 = arith.constant 0 : i32
        %dma_start3A_743 = arith.constant 0 : i32
        %dma_start3A_744 = tpu.memref_slice %arg6[%dma_start3A_741, %dma_start3A_742, %dma_start3A_743] : memref<2x6x98xi32, #tpu.memory_space<vmem>> -> memref<1x6x98xi32, #tpu.memory_space<vmem>>
        %dma_start3A_745 = tpu.memref_squeeze %dma_start3A_744 : memref<1x6x98xi32, #tpu.memory_space<vmem>> -> memref<6x98xi32, #tpu.memory_space<vmem>>
        %dma_start3A_746 = arith.constant 0 : i32
        %dma_start3A_747 = arith.constant 0 : i32
        %dma_start3A_748 = tpu.memref_slice %arg4[%add3A_739, %dma_start3A_740, %dma_start3A_746, %dma_start3A_747] : memref<1024x2x6x98xi32, #tpu.memory_space<hbm>> -> memref<1x1x6x98xi32, #tpu.memory_space<hbm>>
        %dma_start3A_749 = tpu.memref_squeeze %dma_start3A_748 : memref<1x1x6x98xi32, #tpu.memory_space<hbm>> -> memref<6x98xi32, #tpu.memory_space<hbm>>
        %dma_start3A_750 = arith.constant 0 : i32
        %dma_start3A_751 = arith.constant 0 : i32
        %dma_start3A_752 = tpu.memref_slice %arg6[%dma_start3A_741, %dma_start3A_750, %dma_start3A_751] : memref<2x6x98xi32, #tpu.memory_space<vmem>> -> memref<1x6x98xi32, #tpu.memory_space<vmem>>
        %dma_start3A_753 = tpu.memref_squeeze %dma_start3A_752 : memref<1x6x98xi32, #tpu.memory_space<vmem>> -> memref<6x98xi32, #tpu.memory_space<vmem>>
        %dma_start3A_754 = arith.constant 0 : i32
        %dma_start3A_755 = arith.constant 0 : i32
        %dma_start3A_756 = tpu.memref_slice %arg4[%add3A_739, %dma_start3A_740, %dma_start3A_754, %dma_start3A_755] : memref<1024x2x6x98xi32, #tpu.memory_space<hbm>> -> memref<1x1x6x98xi32, #tpu.memory_space<hbm>>
        %dma_start3A_757 = tpu.memref_squeeze %dma_start3A_756 : memref<1x1x6x98xi32, #tpu.memory_space<hbm>> -> memref<6x98xi32, #tpu.memory_space<hbm>>
        tpu.enqueue_dma source(%dma_start3A_757 : memref<6x98xi32, #tpu.memory_space<hbm>>) target(%dma_start3A_753 : memref<6x98xi32, #tpu.memory_space<vmem>>) target_semaphore(%arg11 : memref<!tpu.dma_semaphore, #tpu.memory_space<semaphore_mem>>)
      } else {
      }
      %scan3A_709 = arith.constant 0 : i32
      %scan3A_710 = arith.constant 98 : i32
      %scan3A_711 = arith.addi %scan3A_709, %scan3A_710 : i32
      %scan3A_712 = arith.constant 1 : i32
      scf.for %scan3A_738 = %scan3A_709 to %scan3A_711 step %scan3A_712  : i32 {
        %mul3A_739 = arith.constant 1 : i32
        %mul3A_740 = arith.muli %scan3A_738, %mul3A_739 : i32
        %add3A_741 = arith.constant 0 : i32
        %add3A_742 = arith.addi %add3A_741, %mul3A_740 : i32
        %get3A = arith.constant 1 : i32
        %get3A_743 = arith.index_cast %get3A : i32 to index
        %get3A_744 = arith.index_cast %add3A_742 : i32 to index
        %get3A_745 = arith.constant 0 : index
        %get3A_746 = tpu.vector_load %arg8[%get3A_743, %get3A_744, %get3A_745] {strides = array<i32>} : memref<2x98x64xf32, #tpu.memory_space<vmem>>, vector<1x1x16xf32>,
        %get3A_747 = vector.shape_cast %get3A_746 : vector<1x1x16xf32> to vector<16xf32>
        %get3A_748 = arith.constant 1 : i32
        %get3A_749 = arith.constant 0 : i32
        %get3A_750 = arith.index_cast %get3A_748 : i32 to index
        %get3A_751 = arith.index_cast %get3A_749 : i32 to index
        %get3A_752 = arith.index_cast %add3A_742 : i32 to index
        %get3A_753 = arith.constant 0 : index
        %get3A_754 = tpu.vector_load %arg7[%get3A_750, %get3A_751, %get3A_752, %get3A_753] {strides = array<i32>} : memref<2x5x98x64xf32, #tpu.memory_space<vmem>>, vector<1x1x1x16xf32>,
        %get3A_755 = vector.shape_cast %get3A_754 : vector<1x1x1x16xf32> to vector<16xf32>
        %mul3A_756 = arith.mulf %get3A_755, %get3A_747 : vector<16xf32>
        %get3A_757 = arith.constant 1 : i32
        %get3A_758 = arith.constant 1 : i32
        %get3A_759 = arith.index_cast %get3A_757 : i32 to index
        %get3A_760 = arith.index_cast %get3A_758 : i32 to index
        %get3A_761 = arith.index_cast %add3A_742 : i32 to index
        %get3A_762 = arith.constant 0 : index
        %get3A_763 = tpu.vector_load %arg7[%get3A_759, %get3A_760, %get3A_761, %get3A_762] {strides = array<i32>} : memref<2x5x98x64xf32, #tpu.memory_space<vmem>>, vector<1x1x1x16xf32>,
        %get3A_764 = vector.shape_cast %get3A_763 : vector<1x1x1x16xf32> to vector<16xf32>
        %mul3A_765 = arith.mulf %get3A_764, %get3A_747 : vector<16xf32>
        %max3A = arith.maximumf %mul3A_756, %mul3A_765 : vector<16xf32>
        %get3A_766 = arith.constant 1 : i32
        %get3A_767 = arith.constant 2 : i32
        %get3A_768 = arith.index_cast %get3A_766 : i32 to index
        %get3A_769 = arith.index_cast %get3A_767 : i32 to index
        %get3A_770 = arith.index_cast %add3A_742 : i32 to index
        %get3A_771 = arith.constant 0 : index
        %get3A_772 = tpu.vector_load %arg7[%get3A_768, %get3A_769, %get3A_770, %get3A_771] {strides = array<i32>} : memref<2x5x98x64xf32, #tpu.memory_space<vmem>>, vector<1x1x1x16xf32>,
        %get3A_773 = vector.shape_cast %get3A_772 : vector<1x1x1x16xf32> to vector<16xf32>
        %mul3A_774 = arith.mulf %get3A_773, %get3A_747 : vector<16xf32>
        %max3A_775 = arith.maximumf %max3A, %mul3A_774 : vector<16xf32>
        %get3A_776 = arith.constant 1 : i32
        %get3A_777 = arith.constant 3 : i32
        %get3A_778 = arith.index_cast %get3A_776 : i32 to index
        %get3A_779 = arith.index_cast %get3A_777 : i32 to index
        %get3A_780 = arith.index_cast %add3A_742 : i32 to index
        %get3A_781 = arith.constant 0 : index
        %get3A_782 = tpu.vector_load %arg7[%get3A_778, %get3A_779, %get3A_780, %get3A_781] {strides = array<i32>} : memref<2x5x98x64xf32, #tpu.memory_space<vmem>>, vector<1x1x1x16xf32>,
        %get3A_783 = vector.shape_cast %get3A_782 : vector<1x1x1x16xf32> to vector<16xf32>
        %mul3A_784 = arith.mulf %get3A_783, %get3A_747 : vector<16xf32>
        %max3A_785 = arith.maximumf %max3A_775, %mul3A_784 : vector<16xf32>
        %get3A_786 = arith.constant 1 : i32
        %get3A_787 = arith.constant 4 : i32
        %get3A_788 = arith.index_cast %get3A_786 : i32 to index
        %get3A_789 = arith.index_cast %get3A_787 : i32 to index
        %get3A_790 = arith.index_cast %add3A_742 : i32 to index
        %get3A_791 = arith.constant 0 : index
        %get3A_792 = tpu.vector_load %arg7[%get3A_788, %get3A_789, %get3A_790, %get3A_791] {strides = array<i32>} : memref<2x5x98x64xf32, #tpu.memory_space<vmem>>, vector<1x1x1x16xf32>,
        %get3A_793 = vector.shape_cast %get3A_792 : vector<1x1x1x16xf32> to vector<16xf32>
        %mul3A_794 = arith.mulf %get3A_793, %get3A_747 : vector<16xf32>
        %max3A_795 = arith.maximumf %max3A_785, %mul3A_794 : vector<16xf32>
        %add3A_796 = arith.constant 98 : i32
        %add3A_797 = arith.addi %add3A_796, %add3A_742 : i32
        %swap3A = arith.constant 1 : i32
        %swap3A_798 = arith.index_cast %swap3A : i32 to index
        %swap3A_799 = arith.index_cast %add3A_797 : i32 to index
        %swap3A_800 = arith.constant 0 : index
        %swap3A_801 = tpu.vector_load %arg9[%swap3A_798, %swap3A_799, %swap3A_800] {strides = array<i32>} : memref<2x196x64xf32, #tpu.memory_space<vmem>>, vector<1x1x16xf32>,
        %swap3A_802 = vector.shape_cast %swap3A_801 : vector<1x1x16xf32> to vector<16xf32>
        %swap3A_803 = vector.shape_cast %max3A_795 : vector<16xf32> to vector<1x1x16xf32>
        tpu.vector_store %arg9[%swap3A_798, %swap3A_799, %swap3A_800], %swap3A_803 {strides = array<i32>} : memref<2x196x64xf32, #tpu.memory_space<vmem>>, vector<1x1x16xf32>,
        %get3A_804 = arith.constant 1 : i32
        %get3A_805 = arith.index_cast %get3A_804 : i32 to index
        %get3A_806 = arith.index_cast %add3A_742 : i32 to index
        %get3A_807 = arith.constant 16 : index
        %get3A_808 = tpu.vector_load %arg8[%get3A_805, %get3A_806, %get3A_807] {strides = array<i32>} : memref<2x98x64xf32, #tpu.memory_space<vmem>>, vector<1x1x16xf32>,
        %get3A_809 = vector.shape_cast %get3A_808 : vector<1x1x16xf32> to vector<16xf32>
        %get3A_810 = arith.constant 1 : i32
        %get3A_811 = arith.constant 0 : i32
        %get3A_812 = arith.index_cast %get3A_810 : i32 to index
        %get3A_813 = arith.index_cast %get3A_811 : i32 to index
        %get3A_814 = arith.index_cast %add3A_742 : i32 to index
        %get3A_815 = arith.constant 16 : index
        %get3A_816 = tpu.vector_load %arg7[%get3A_812, %get3A_813, %get3A_814, %get3A_815] {strides = array<i32>} : memref<2x5x98x64xf32, #tpu.memory_space<vmem>>, vector<1x1x1x16xf32>,
        %get3A_817 = vector.shape_cast %get3A_816 : vector<1x1x1x16xf32> to vector<16xf32>
        %mul3A_818 = arith.mulf %get3A_817, %get3A_809 : vector<16xf32>
        %get3A_819 = arith.constant 1 : i32
        %get3A_820 = arith.constant 1 : i32
        %get3A_821 = arith.index_cast %get3A_819 : i32 to index
        %get3A_822 = arith.index_cast %get3A_820 : i32 to index
        %get3A_823 = arith.index_cast %add3A_742 : i32 to index
        %get3A_824 = arith.constant 16 : index
        %get3A_825 = tpu.vector_load %arg7[%get3A_821, %get3A_822, %get3A_823, %get3A_824] {strides = array<i32>} : memref<2x5x98x64xf32, #tpu.memory_space<vmem>>, vector<1x1x1x16xf32>,
        %get3A_826 = vector.shape_cast %get3A_825 : vector<1x1x1x16xf32> to vector<16xf32>
        %mul3A_827 = arith.mulf %get3A_826, %get3A_809 : vector<16xf32>
        %max3A_828 = arith.maximumf %mul3A_818, %mul3A_827 : vector<16xf32>
        %get3A_829 = arith.constant 1 : i32
        %get3A_830 = arith.constant 2 : i32
        %get3A_831 = arith.index_cast %get3A_829 : i32 to index
        %get3A_832 = arith.index_cast %get3A_830 : i32 to index
        %get3A_833 = arith.index_cast %add3A_742 : i32 to index
        %get3A_834 = arith.constant 16 : index
        %get3A_835 = tpu.vector_load %arg7[%get3A_831, %get3A_832, %get3A_833, %get3A_834] {strides = array<i32>} : memref<2x5x98x64xf32, #tpu.memory_space<vmem>>, vector<1x1x1x16xf32>,
        %get3A_836 = vector.shape_cast %get3A_835 : vector<1x1x1x16xf32> to vector<16xf32>
        %mul3A_837 = arith.mulf %get3A_836, %get3A_809 : vector<16xf32>
        %max3A_838 = arith.maximumf %max3A_828, %mul3A_837 : vector<16xf32>
        %get3A_839 = arith.constant 1 : i32
        %get3A_840 = arith.constant 3 : i32
        %get3A_841 = arith.index_cast %get3A_839 : i32 to index
        %get3A_842 = arith.index_cast %get3A_840 : i32 to index
        %get3A_843 = arith.index_cast %add3A_742 : i32 to index
        %get3A_844 = arith.constant 16 : index
        %get3A_845 = tpu.vector_load %arg7[%get3A_841, %get3A_842, %get3A_843, %get3A_844] {strides = array<i32>} : memref<2x5x98x64xf32, #tpu.memory_space<vmem>>, vector<1x1x1x16xf32>,
        %get3A_846 = vector.shape_cast %get3A_845 : vector<1x1x1x16xf32> to vector<16xf32>
        %mul3A_847 = arith.mulf %get3A_846, %get3A_809 : vector<16xf32>
        %max3A_848 = arith.maximumf %max3A_838, %mul3A_847 : vector<16xf32>
        %get3A_849 = arith.constant 1 : i32
        %get3A_850 = arith.constant 4 : i32
        %get3A_851 = arith.index_cast %get3A_849 : i32 to index
        %get3A_852 = arith.index_cast %get3A_850 : i32 to index
        %get3A_853 = arith.index_cast %add3A_742 : i32 to index
        %get3A_854 = arith.constant 16 : index
        %get3A_855 = tpu.vector_load %arg7[%get3A_851, %get3A_852, %get3A_853, %get3A_854] {strides = array<i32>} : memref<2x5x98x64xf32, #tpu.memory_space<vmem>>, vector<1x1x1x16xf32>,
        %get3A_856 = vector.shape_cast %get3A_855 : vector<1x1x1x16xf32> to vector<16xf32>
        %mul3A_857 = arith.mulf %get3A_856, %get3A_809 : vector<16xf32>
        %max3A_858 = arith.maximumf %max3A_848, %mul3A_857 : vector<16xf32>
        %add3A_859 = arith.constant 98 : i32
        %add3A_860 = arith.addi %add3A_859, %add3A_742 : i32
        %swap3A_861 = arith.constant 1 : i32
        %swap3A_862 = arith.index_cast %swap3A_861 : i32 to index
        %swap3A_863 = arith.index_cast %add3A_860 : i32 to index
        %swap3A_864 = arith.constant 16 : index
        %swap3A_865 = tpu.vector_load %arg9[%swap3A_862, %swap3A_863, %swap3A_864] {strides = array<i32>} : memref<2x196x64xf32, #tpu.memory_space<vmem>>, vector<1x1x16xf32>,
        %swap3A_866 = vector.shape_cast %swap3A_865 : vector<1x1x16xf32> to vector<16xf32>
        %swap3A_867 = vector.shape_cast %max3A_858 : vector<16xf32> to vector<1x1x16xf32>
        tpu.vector_store %arg9[%swap3A_862, %swap3A_863, %swap3A_864], %swap3A_867 {strides = array<i32>} : memref<2x196x64xf32, #tpu.memory_space<vmem>>, vector<1x1x16xf32>,
        %get3A_868 = arith.constant 1 : i32
        %get3A_869 = arith.index_cast %get3A_868 : i32 to index
        %get3A_870 = arith.index_cast %add3A_742 : i32 to index
        %get3A_871 = arith.constant 32 : index
        %get3A_872 = tpu.vector_load %arg8[%get3A_869, %get3A_870, %get3A_871] {strides = array<i32>} : memref<2x98x64xf32, #tpu.memory_space<vmem>>, vector<1x1x16xf32>,
        %get3A_873 = vector.shape_cast %get3A_872 : vector<1x1x16xf32> to vector<16xf32>
        %get3A_874 = arith.constant 1 : i32
        %get3A_875 = arith.constant 0 : i32
        %get3A_876 = arith.index_cast %get3A_874 : i32 to index
        %get3A_877 = arith.index_cast %get3A_875 : i32 to index
        %get3A_878 = arith.index_cast %add3A_742 : i32 to index
        %get3A_879 = arith.constant 32 : index
        %get3A_880 = tpu.vector_load %arg7[%get3A_876, %get3A_877, %get3A_878, %get3A_879] {strides = array<i32>} : memref<2x5x98x64xf32, #tpu.memory_space<vmem>>, vector<1x1x1x16xf32>,
        %get3A_881 = vector.shape_cast %get3A_880 : vector<1x1x1x16xf32> to vector<16xf32>
        %mul3A_882 = arith.mulf %get3A_881, %get3A_873 : vector<16xf32>
        %get3A_883 = arith.constant 1 : i32
        %get3A_884 = arith.constant 1 : i32
        %get3A_885 = arith.index_cast %get3A_883 : i32 to index
        %get3A_886 = arith.index_cast %get3A_884 : i32 to index
        %get3A_887 = arith.index_cast %add3A_742 : i32 to index
        %get3A_888 = arith.constant 32 : index
        %get3A_889 = tpu.vector_load %arg7[%get3A_885, %get3A_886, %get3A_887, %get3A_888] {strides = array<i32>} : memref<2x5x98x64xf32, #tpu.memory_space<vmem>>, vector<1x1x1x16xf32>,
        %get3A_890 = vector.shape_cast %get3A_889 : vector<1x1x1x16xf32> to vector<16xf32>
        %mul3A_891 = arith.mulf %get3A_890, %get3A_873 : vector<16xf32>
        %max3A_892 = arith.maximumf %mul3A_882, %mul3A_891 : vector<16xf32>
        %get3A_893 = arith.constant 1 : i32
        %get3A_894 = arith.constant 2 : i32
        %get3A_895 = arith.index_cast %get3A_893 : i32 to index
        %get3A_896 = arith.index_cast %get3A_894 : i32 to index
        %get3A_897 = arith.index_cast %add3A_742 : i32 to index
        %get3A_898 = arith.constant 32 : index
        %get3A_899 = tpu.vector_load %arg7[%get3A_895, %get3A_896, %get3A_897, %get3A_898] {strides = array<i32>} : memref<2x5x98x64xf32, #tpu.memory_space<vmem>>, vector<1x1x1x16xf32>,
        %get3A_900 = vector.shape_cast %get3A_899 : vector<1x1x1x16xf32> to vector<16xf32>
        %mul3A_901 = arith.mulf %get3A_900, %get3A_873 : vector<16xf32>
        %max3A_902 = arith.maximumf %max3A_892, %mul3A_901 : vector<16xf32>
        %get3A_903 = arith.constant 1 : i32
        %get3A_904 = arith.constant 3 : i32
        %get3A_905 = arith.index_cast %get3A_903 : i32 to index
        %get3A_906 = arith.index_cast %get3A_904 : i32 to index
        %get3A_907 = arith.index_cast %add3A_742 : i32 to index
        %get3A_908 = arith.constant 32 : index
        %get3A_909 = tpu.vector_load %arg7[%get3A_905, %get3A_906, %get3A_907, %get3A_908] {strides = array<i32>} : memref<2x5x98x64xf32, #tpu.memory_space<vmem>>, vector<1x1x1x16xf32>,
        %get3A_910 = vector.shape_cast %get3A_909 : vector<1x1x1x16xf32> to vector<16xf32>
        %mul3A_911 = arith.mulf %get3A_910, %get3A_873 : vector<16xf32>
        %max3A_912 = arith.maximumf %max3A_902, %mul3A_911 : vector<16xf32>
        %get3A_913 = arith.constant 1 : i32
        %get3A_914 = arith.constant 4 : i32
        %get3A_915 = arith.index_cast %get3A_913 : i32 to index
        %get3A_916 = arith.index_cast %get3A_914 : i32 to index
        %get3A_917 = arith.index_cast %add3A_742 : i32 to index
        %get3A_918 = arith.constant 32 : index
        %get3A_919 = tpu.vector_load %arg7[%get3A_915, %get3A_916, %get3A_917, %get3A_918] {strides = array<i32>} : memref<2x5x98x64xf32, #tpu.memory_space<vmem>>, vector<1x1x1x16xf32>,
        %get3A_920 = vector.shape_cast %get3A_919 : vector<1x1x1x16xf32> to vector<16xf32>
        %mul3A_921 = arith.mulf %get3A_920, %get3A_873 : vector<16xf32>
        %max3A_922 = arith.maximumf %max3A_912, %mul3A_921 : vector<16xf32>
        %add3A_923 = arith.constant 98 : i32
        %add3A_924 = arith.addi %add3A_923, %add3A_742 : i32
        %swap3A_925 = arith.constant 1 : i32
        %swap3A_926 = arith.index_cast %swap3A_925 : i32 to index
        %swap3A_927 = arith.index_cast %add3A_924 : i32 to index
        %swap3A_928 = arith.constant 32 : index
        %swap3A_929 = tpu.vector_load %arg9[%swap3A_926, %swap3A_927, %swap3A_928] {strides = array<i32>} : memref<2x196x64xf32, #tpu.memory_space<vmem>>, vector<1x1x16xf32>,
        %swap3A_930 = vector.shape_cast %swap3A_929 : vector<1x1x16xf32> to vector<16xf32>
        %swap3A_931 = vector.shape_cast %max3A_922 : vector<16xf32> to vector<1x1x16xf32>
        tpu.vector_store %arg9[%swap3A_926, %swap3A_927, %swap3A_928], %swap3A_931 {strides = array<i32>} : memref<2x196x64xf32, #tpu.memory_space<vmem>>, vector<1x1x16xf32>,
        %get3A_932 = arith.constant 1 : i32
        %get3A_933 = arith.index_cast %get3A_932 : i32 to index
        %get3A_934 = arith.index_cast %add3A_742 : i32 to index
        %get3A_935 = arith.constant 48 : index
        %get3A_936 = tpu.vector_load %arg8[%get3A_933, %get3A_934, %get3A_935] {strides = array<i32>} : memref<2x98x64xf32, #tpu.memory_space<vmem>>, vector<1x1x16xf32>,
        %get3A_937 = vector.shape_cast %get3A_936 : vector<1x1x16xf32> to vector<16xf32>
        %get3A_938 = arith.constant 1 : i32
        %get3A_939 = arith.constant 0 : i32
        %get3A_940 = arith.index_cast %get3A_938 : i32 to index
        %get3A_941 = arith.index_cast %get3A_939 : i32 to index
        %get3A_942 = arith.index_cast %add3A_742 : i32 to index
        %get3A_943 = arith.constant 48 : index
        %get3A_944 = tpu.vector_load %arg7[%get3A_940, %get3A_941, %get3A_942, %get3A_943] {strides = array<i32>} : memref<2x5x98x64xf32, #tpu.memory_space<vmem>>, vector<1x1x1x16xf32>,
        %get3A_945 = vector.shape_cast %get3A_944 : vector<1x1x1x16xf32> to vector<16xf32>
        %mul3A_946 = arith.mulf %get3A_945, %get3A_937 : vector<16xf32>
        %get3A_947 = arith.constant 1 : i32
        %get3A_948 = arith.constant 1 : i32
        %get3A_949 = arith.index_cast %get3A_947 : i32 to index
        %get3A_950 = arith.index_cast %get3A_948 : i32 to index
        %get3A_951 = arith.index_cast %add3A_742 : i32 to index
        %get3A_952 = arith.constant 48 : index
        %get3A_953 = tpu.vector_load %arg7[%get3A_949, %get3A_950, %get3A_951, %get3A_952] {strides = array<i32>} : memref<2x5x98x64xf32, #tpu.memory_space<vmem>>, vector<1x1x1x16xf32>,
        %get3A_954 = vector.shape_cast %get3A_953 : vector<1x1x1x16xf32> to vector<16xf32>
        %mul3A_955 = arith.mulf %get3A_954, %get3A_937 : vector<16xf32>
        %max3A_956 = arith.maximumf %mul3A_946, %mul3A_955 : vector<16xf32>
        %get3A_957 = arith.constant 1 : i32
        %get3A_958 = arith.constant 2 : i32
        %get3A_959 = arith.index_cast %get3A_957 : i32 to index
        %get3A_960 = arith.index_cast %get3A_958 : i32 to index
        %get3A_961 = arith.index_cast %add3A_742 : i32 to index
        %get3A_962 = arith.constant 48 : index
        %get3A_963 = tpu.vector_load %arg7[%get3A_959, %get3A_960, %get3A_961, %get3A_962] {strides = array<i32>} : memref<2x5x98x64xf32, #tpu.memory_space<vmem>>, vector<1x1x1x16xf32>,
        %get3A_964 = vector.shape_cast %get3A_963 : vector<1x1x1x16xf32> to vector<16xf32>
        %mul3A_965 = arith.mulf %get3A_964, %get3A_937 : vector<16xf32>
        %max3A_966 = arith.maximumf %max3A_956, %mul3A_965 : vector<16xf32>
        %get3A_967 = arith.constant 1 : i32
        %get3A_968 = arith.constant 3 : i32
        %get3A_969 = arith.index_cast %get3A_967 : i32 to index
        %get3A_970 = arith.index_cast %get3A_968 : i32 to index
        %get3A_971 = arith.index_cast %add3A_742 : i32 to index
        %get3A_972 = arith.constant 48 : index
        %get3A_973 = tpu.vector_load %arg7[%get3A_969, %get3A_970, %get3A_971, %get3A_972] {strides = array<i32>} : memref<2x5x98x64xf32, #tpu.memory_space<vmem>>, vector<1x1x1x16xf32>,
        %get3A_974 = vector.shape_cast %get3A_973 : vector<1x1x1x16xf32> to vector<16xf32>
        %mul3A_975 = arith.mulf %get3A_974, %get3A_937 : vector<16xf32>
        %max3A_976 = arith.maximumf %max3A_966, %mul3A_975 : vector<16xf32>
        %get3A_977 = arith.constant 1 : i32
        %get3A_978 = arith.constant 4 : i32
        %get3A_979 = arith.index_cast %get3A_977 : i32 to index
        %get3A_980 = arith.index_cast %get3A_978 : i32 to index
        %get3A_981 = arith.index_cast %add3A_742 : i32 to index
        %get3A_982 = arith.constant 48 : index
        %get3A_983 = tpu.vector_load %arg7[%get3A_979, %get3A_980, %get3A_981, %get3A_982] {strides = array<i32>} : memref<2x5x98x64xf32, #tpu.memory_space<vmem>>, vector<1x1x1x16xf32>,
        %get3A_984 = vector.shape_cast %get3A_983 : vector<1x1x1x16xf32> to vector<16xf32>
        %mul3A_985 = arith.mulf %get3A_984, %get3A_937 : vector<16xf32>
        %max3A_986 = arith.maximumf %max3A_976, %mul3A_985 : vector<16xf32>
        %add3A_987 = arith.constant 98 : i32
        %add3A_988 = arith.addi %add3A_987, %add3A_742 : i32
        %swap3A_989 = arith.constant 1 : i32
        %swap3A_990 = arith.index_cast %swap3A_989 : i32 to index
        %swap3A_991 = arith.index_cast %add3A_988 : i32 to index
        %swap3A_992 = arith.constant 48 : index
        %swap3A_993 = tpu.vector_load %arg9[%swap3A_990, %swap3A_991, %swap3A_992] {strides = array<i32>} : memref<2x196x64xf32, #tpu.memory_space<vmem>>, vector<1x1x16xf32>,
        %swap3A_994 = vector.shape_cast %swap3A_993 : vector<1x1x16xf32> to vector<16xf32>
        %swap3A_995 = vector.shape_cast %max3A_986 : vector<16xf32> to vector<1x1x16xf32>
        tpu.vector_store %arg9[%swap3A_990, %swap3A_991, %swap3A_992], %swap3A_995 {strides = array<i32>} : memref<2x196x64xf32, #tpu.memory_space<vmem>>, vector<1x1x16xf32>,
      }
      %scan3A_713 = arith.constant 98 : i32
      %add3A_714 = arith.constant 1 : i32
      %add3A_715 = arith.addi %add3A_510, %add3A_714 : i32
      %lt3A_716 = arith.constant 32 : i32
      %lt3A_717 = arith.cmpi slt, %add3A_715, %lt3A_716 : i32
      %convert_element_type3A_718 = arith.extui %lt3A_717 : i1 to i32
      %cond3A_719 = arith.constant 0 : i32
      %cond3A_720 = arith.cmpi ne, %convert_element_type3A_718, %cond3A_719 : i32
      scf.if %cond3A_720 {
        %dma_wait3A_738 = arith.constant 0 : i32
        %dma_wait3A_739 = arith.constant 0 : i32
        %dma_wait3A_740 = arith.constant 1 : i32
        %dma_wait3A_741 = arith.constant 0 : i32
        %dma_wait3A_742 = arith.constant 0 : i32
        %dma_wait3A_743 = tpu.memref_slice %arg6[%dma_wait3A_740, %dma_wait3A_741, %dma_wait3A_742] : memref<2x6x98xi32, #tpu.memory_space<vmem>> -> memref<1x6x98xi32, #tpu.memory_space<vmem>>
        %dma_wait3A_744 = tpu.memref_squeeze %dma_wait3A_743 : memref<1x6x98xi32, #tpu.memory_space<vmem>> -> memref<6x98xi32, #tpu.memory_space<vmem>>
        %dma_wait3A_745 = arith.constant 0 : i32
        %dma_wait3A_746 = arith.constant 0 : i32
        %dma_wait3A_747 = tpu.memref_slice %arg4[%dma_wait3A_738, %dma_wait3A_739, %dma_wait3A_745, %dma_wait3A_746] : memref<1024x2x6x98xi32, #tpu.memory_space<hbm>> -> memref<1x1x6x98xi32, #tpu.memory_space<hbm>>
        %dma_wait3A_748 = tpu.memref_squeeze %dma_wait3A_747 : memref<1x1x6x98xi32, #tpu.memory_space<hbm>> -> memref<6x98xi32, #tpu.memory_space<hbm>>
        %dma_wait3A_749 = arith.constant 0 : i32
        %dma_wait3A_750 = arith.constant 0 : i32
        %dma_wait3A_751 = tpu.memref_slice %arg6[%dma_wait3A_740, %dma_wait3A_749, %dma_wait3A_750] : memref<2x6x98xi32, #tpu.memory_space<vmem>> -> memref<1x6x98xi32, #tpu.memory_space<vmem>>
        %dma_wait3A_752 = tpu.memref_squeeze %dma_wait3A_751 : memref<1x6x98xi32, #tpu.memory_space<vmem>> -> memref<6x98xi32, #tpu.memory_space<vmem>>
        %dma_wait3A_753 = arith.constant 0 : i32
        %dma_wait3A_754 = arith.constant 0 : i32
        %dma_wait3A_755 = tpu.memref_slice %arg4[%dma_wait3A_738, %dma_wait3A_739, %dma_wait3A_753, %dma_wait3A_754] : memref<1024x2x6x98xi32, #tpu.memory_space<hbm>> -> memref<1x1x6x98xi32, #tpu.memory_space<hbm>>
        %dma_wait3A_756 = tpu.memref_squeeze %dma_wait3A_755 : memref<1x1x6x98xi32, #tpu.memory_space<hbm>> -> memref<6x98xi32, #tpu.memory_space<hbm>>
        tpu.wait_dma2 semaphore(%arg11 : memref<!tpu.dma_semaphore, #tpu.memory_space<semaphore_mem>>) src(%dma_wait3A_756 : memref<6x98xi32, #tpu.memory_space<hbm>>) dst(%dma_wait3A_752 : memref<6x98xi32, #tpu.memory_space<vmem>>)
        %dma_start3A_757 = arith.constant 1 : i32
        %dma_start3A_758 = arith.constant 0 : i32
        %dma_start3A_759 = arith.constant 1 : i32
        %dma_start3A_760 = arith.constant 0 : i32
        %dma_start3A_761 = arith.constant 0 : i32
        %dma_start3A_762 = arith.constant 0 : i32
        %dma_start3A_763 = tpu.memref_slice %arg7[%dma_start3A_759, %dma_start3A_760, %dma_start3A_761, %dma_start3A_762] : memref<2x5x98x64xf32, #tpu.memory_space<vmem>> -> memref<1x1x98x64xf32, #tpu.memory_space<vmem>>
        %dma_start3A_764 = tpu.memref_squeeze %dma_start3A_763 : memref<1x1x98x64xf32, #tpu.memory_space<vmem>> -> memref<98x64xf32, #tpu.memory_space<vmem>>
        %dma_start3A_765 = arith.constant 0 : i32
        %dma_start3A_766 = tpu.memref_slice %arg6[%dma_start3A_757, %dma_start3A_758, %dma_start3A_765] : memref<2x6x98xi32, #tpu.memory_space<vmem>> -> memref<1x1x98xi32, #tpu.memory_space<vmem>>
        %dma_start3A_767 = tpu.memref_squeeze %dma_start3A_766 : memref<1x1x98xi32, #tpu.memory_space<vmem>> -> memref<98xi32, #tpu.memory_space<vmem>>
        %dma_start3A_768 = arith.constant 0 : i32
        %dma_start3A_769 = arith.constant 0 : i32
        %dma_start3A_770 = tpu.memref_slice %arg2[%dma_start3A_768, %dma_start3A_769] : memref<500000x64xf32, #tpu.memory_space<hbm>> -> memref<500000x64xf32, #tpu.memory_space<hbm>>
        tpu.enqueue_indirect_dma source(%dma_start3A_770 : memref<500000x64xf32, #tpu.memory_space<hbm>>) target(%dma_start3A_764 : memref<98x64xf32, #tpu.memory_space<vmem>>) offsets(%dma_start3A_767 : memref<98xi32, #tpu.memory_space<vmem>>) semaphore(%arg13 : memref<!tpu.dma_semaphore, #tpu.memory_space<semaphore_mem>>)
        %dma_start3A_771 = arith.constant 1 : i32
        %dma_start3A_772 = arith.constant 1 : i32
        %dma_start3A_773 = arith.constant 1 : i32
        %dma_start3A_774 = arith.constant 1 : i32
        %dma_start3A_775 = arith.constant 0 : i32
        %dma_start3A_776 = arith.constant 0 : i32
        %dma_start3A_777 = tpu.memref_slice %arg7[%dma_start3A_773, %dma_start3A_774, %dma_start3A_775, %dma_start3A_776] : memref<2x5x98x64xf32, #tpu.memory_space<vmem>> -> memref<1x1x98x64xf32, #tpu.memory_space<vmem>>
        %dma_start3A_778 = tpu.memref_squeeze %dma_start3A_777 : memref<1x1x98x64xf32, #tpu.memory_space<vmem>> -> memref<98x64xf32, #tpu.memory_space<vmem>>
        %dma_start3A_779 = arith.constant 0 : i32
        %dma_start3A_780 = tpu.memref_slice %arg6[%dma_start3A_771, %dma_start3A_772, %dma_start3A_779] : memref<2x6x98xi32, #tpu.memory_space<vmem>> -> memref<1x1x98xi32, #tpu.memory_space<vmem>>
        %dma_start3A_781 = tpu.memref_squeeze %dma_start3A_780 : memref<1x1x98xi32, #tpu.memory_space<vmem>> -> memref<98xi32, #tpu.memory_space<vmem>>
        %dma_start3A_782 = arith.constant 0 : i32
        %dma_start3A_783 = arith.constant 0 : i32
        %dma_start3A_784 = tpu.memref_slice %arg2[%dma_start3A_782, %dma_start3A_783] : memref<500000x64xf32, #tpu.memory_space<hbm>> -> memref<500000x64xf32, #tpu.memory_space<hbm>>
        tpu.enqueue_indirect_dma source(%dma_start3A_784 : memref<500000x64xf32, #tpu.memory_space<hbm>>) target(%dma_start3A_778 : memref<98x64xf32, #tpu.memory_space<vmem>>) offsets(%dma_start3A_781 : memref<98xi32, #tpu.memory_space<vmem>>) semaphore(%arg13 : memref<!tpu.dma_semaphore, #tpu.memory_space<semaphore_mem>>)
        %dma_start3A_785 = arith.constant 1 : i32
        %dma_start3A_786 = arith.constant 2 : i32
        %dma_start3A_787 = arith.constant 1 : i32
        %dma_start3A_788 = arith.constant 2 : i32
        %dma_start3A_789 = arith.constant 0 : i32
        %dma_start3A_790 = arith.constant 0 : i32
        %dma_start3A_791 = tpu.memref_slice %arg7[%dma_start3A_787, %dma_start3A_788, %dma_start3A_789, %dma_start3A_790] : memref<2x5x98x64xf32, #tpu.memory_space<vmem>> -> memref<1x1x98x64xf32, #tpu.memory_space<vmem>>
        %dma_start3A_792 = tpu.memref_squeeze %dma_start3A_791 : memref<1x1x98x64xf32, #tpu.memory_space<vmem>> -> memref<98x64xf32, #tpu.memory_space<vmem>>
        %dma_start3A_793 = arith.constant 0 : i32
        %dma_start3A_794 = tpu.memref_slice %arg6[%dma_start3A_785, %dma_start3A_786, %dma_start3A_793] : memref<2x6x98xi32, #tpu.memory_space<vmem>> -> memref<1x1x98xi32, #tpu.memory_space<vmem>>
        %dma_start3A_795 = tpu.memref_squeeze %dma_start3A_794 : memref<1x1x98xi32, #tpu.memory_space<vmem>> -> memref<98xi32, #tpu.memory_space<vmem>>
        %dma_start3A_796 = arith.constant 0 : i32
        %dma_start3A_797 = arith.constant 0 : i32
        %dma_start3A_798 = tpu.memref_slice %arg2[%dma_start3A_796, %dma_start3A_797] : memref<500000x64xf32, #tpu.memory_space<hbm>> -> memref<500000x64xf32, #tpu.memory_space<hbm>>
        tpu.enqueue_indirect_dma source(%dma_start3A_798 : memref<500000x64xf32, #tpu.memory_space<hbm>>) target(%dma_start3A_792 : memref<98x64xf32, #tpu.memory_space<vmem>>) offsets(%dma_start3A_795 : memref<98xi32, #tpu.memory_space<vmem>>) semaphore(%arg13 : memref<!tpu.dma_semaphore, #tpu.memory_space<semaphore_mem>>)
        %dma_start3A_799 = arith.constant 1 : i32
        %dma_start3A_800 = arith.constant 3 : i32
        %dma_start3A_801 = arith.constant 1 : i32
        %dma_start3A_802 = arith.constant 3 : i32
        %dma_start3A_803 = arith.constant 0 : i32
        %dma_start3A_804 = arith.constant 0 : i32
        %dma_start3A_805 = tpu.memref_slice %arg7[%dma_start3A_801, %dma_start3A_802, %dma_start3A_803, %dma_start3A_804] : memref<2x5x98x64xf32, #tpu.memory_space<vmem>> -> memref<1x1x98x64xf32, #tpu.memory_space<vmem>>
        %dma_start3A_806 = tpu.memref_squeeze %dma_start3A_805 : memref<1x1x98x64xf32, #tpu.memory_space<vmem>> -> memref<98x64xf32, #tpu.memory_space<vmem>>
        %dma_start3A_807 = arith.constant 0 : i32
        %dma_start3A_808 = tpu.memref_slice %arg6[%dma_start3A_799, %dma_start3A_800, %dma_start3A_807] : memref<2x6x98xi32, #tpu.memory_space<vmem>> -> memref<1x1x98xi32, #tpu.memory_space<vmem>>
        %dma_start3A_809 = tpu.memref_squeeze %dma_start3A_808 : memref<1x1x98xi32, #tpu.memory_space<vmem>> -> memref<98xi32, #tpu.memory_space<vmem>>
        %dma_start3A_810 = arith.constant 0 : i32
        %dma_start3A_811 = arith.constant 0 : i32
        %dma_start3A_812 = tpu.memref_slice %arg2[%dma_start3A_810, %dma_start3A_811] : memref<500000x64xf32, #tpu.memory_space<hbm>> -> memref<500000x64xf32, #tpu.memory_space<hbm>>
        tpu.enqueue_indirect_dma source(%dma_start3A_812 : memref<500000x64xf32, #tpu.memory_space<hbm>>) target(%dma_start3A_806 : memref<98x64xf32, #tpu.memory_space<vmem>>) offsets(%dma_start3A_809 : memref<98xi32, #tpu.memory_space<vmem>>) semaphore(%arg13 : memref<!tpu.dma_semaphore, #tpu.memory_space<semaphore_mem>>)
        %dma_start3A_813 = arith.constant 1 : i32
        %dma_start3A_814 = arith.constant 4 : i32
        %dma_start3A_815 = arith.constant 1 : i32
        %dma_start3A_816 = arith.constant 4 : i32
        %dma_start3A_817 = arith.constant 0 : i32
        %dma_start3A_818 = arith.constant 0 : i32
        %dma_start3A_819 = tpu.memref_slice %arg7[%dma_start3A_815, %dma_start3A_816, %dma_start3A_817, %dma_start3A_818] : memref<2x5x98x64xf32, #tpu.memory_space<vmem>> -> memref<1x1x98x64xf32, #tpu.memory_space<vmem>>
        %dma_start3A_820 = tpu.memref_squeeze %dma_start3A_819 : memref<1x1x98x64xf32, #tpu.memory_space<vmem>> -> memref<98x64xf32, #tpu.memory_space<vmem>>
        %dma_start3A_821 = arith.constant 0 : i32
        %dma_start3A_822 = tpu.memref_slice %arg6[%dma_start3A_813, %dma_start3A_814, %dma_start3A_821] : memref<2x6x98xi32, #tpu.memory_space<vmem>> -> memref<1x1x98xi32, #tpu.memory_space<vmem>>
        %dma_start3A_823 = tpu.memref_squeeze %dma_start3A_822 : memref<1x1x98xi32, #tpu.memory_space<vmem>> -> memref<98xi32, #tpu.memory_space<vmem>>
        %dma_start3A_824 = arith.constant 0 : i32
        %dma_start3A_825 = arith.constant 0 : i32
        %dma_start3A_826 = tpu.memref_slice %arg2[%dma_start3A_824, %dma_start3A_825] : memref<500000x64xf32, #tpu.memory_space<hbm>> -> memref<500000x64xf32, #tpu.memory_space<hbm>>
        tpu.enqueue_indirect_dma source(%dma_start3A_826 : memref<500000x64xf32, #tpu.memory_space<hbm>>) target(%dma_start3A_820 : memref<98x64xf32, #tpu.memory_space<vmem>>) offsets(%dma_start3A_823 : memref<98xi32, #tpu.memory_space<vmem>>) semaphore(%arg13 : memref<!tpu.dma_semaphore, #tpu.memory_space<semaphore_mem>>)
        %dma_start3A_827 = arith.constant 1 : i32
        %dma_start3A_828 = arith.constant 5 : i32
        %dma_start3A_829 = arith.constant 1 : i32
        %dma_start3A_830 = arith.constant 0 : i32
        %dma_start3A_831 = arith.constant 0 : i32
        %dma_start3A_832 = tpu.memref_slice %arg8[%dma_start3A_829, %dma_start3A_830, %dma_start3A_831] : memref<2x98x64xf32, #tpu.memory_space<vmem>> -> memref<1x98x64xf32, #tpu.memory_space<vmem>>
        %dma_start3A_833 = tpu.memref_squeeze %dma_start3A_832 : memref<1x98x64xf32, #tpu.memory_space<vmem>> -> memref<98x64xf32, #tpu.memory_space<vmem>>
        %dma_start3A_834 = arith.constant 0 : i32
        %dma_start3A_835 = tpu.memref_slice %arg6[%dma_start3A_827, %dma_start3A_828, %dma_start3A_834] : memref<2x6x98xi32, #tpu.memory_space<vmem>> -> memref<1x1x98xi32, #tpu.memory_space<vmem>>
        %dma_start3A_836 = tpu.memref_squeeze %dma_start3A_835 : memref<1x1x98xi32, #tpu.memory_space<vmem>> -> memref<98xi32, #tpu.memory_space<vmem>>
        %dma_start3A_837 = arith.constant 0 : i32
        %dma_start3A_838 = arith.constant 0 : i32
        %dma_start3A_839 = tpu.memref_slice %arg3[%dma_start3A_837, %dma_start3A_838] : memref<100000x64xf32, #tpu.memory_space<hbm>> -> memref<100000x64xf32, #tpu.memory_space<hbm>>
        tpu.enqueue_indirect_dma source(%dma_start3A_839 : memref<100000x64xf32, #tpu.memory_space<hbm>>) target(%dma_start3A_833 : memref<98x64xf32, #tpu.memory_space<vmem>>) offsets(%dma_start3A_836 : memref<98xi32, #tpu.memory_space<vmem>>) semaphore(%arg13 : memref<!tpu.dma_semaphore, #tpu.memory_space<semaphore_mem>>)
      } else {
      }
      %dma_start3A_721 = arith.constant 1 : i32
      %dma_start3A_722 = arith.constant 0 : i32
      %dma_start3A_723 = arith.constant 0 : i32
      %dma_start3A_724 = tpu.memref_slice %arg9[%dma_start3A_721, %dma_start3A_722, %dma_start3A_723] : memref<2x196x64xf32, #tpu.memory_space<vmem>> -> memref<1x196x64xf32, #tpu.memory_space<vmem>>
      %dma_start3A_725 = tpu.memref_squeeze %dma_start3A_724 : memref<1x196x64xf32, #tpu.memory_space<vmem>> -> memref<196x64xf32, #tpu.memory_space<vmem>>
      %dma_start3A_726 = arith.constant 0 : i32
      %dma_start3A_727 = arith.constant 0 : i32
      %dma_start3A_728 = tpu.memref_slice %arg5[%add3A_511, %dma_start3A_726, %dma_start3A_727] : memref<1024x196x64xf32, #tpu.memory_space<hbm>> -> memref<1x196x64xf32, #tpu.memory_space<hbm>>
      %dma_start3A_729 = tpu.memref_squeeze %dma_start3A_728 : memref<1x196x64xf32, #tpu.memory_space<hbm>> -> memref<196x64xf32, #tpu.memory_space<hbm>>
      %dma_start3A_730 = arith.constant 0 : i32
      %dma_start3A_731 = arith.constant 0 : i32
      %dma_start3A_732 = tpu.memref_slice %arg5[%add3A_511, %dma_start3A_730, %dma_start3A_731] : memref<1024x196x64xf32, #tpu.memory_space<hbm>> -> memref<1x196x64xf32, #tpu.memory_space<hbm>>
      %dma_start3A_733 = tpu.memref_squeeze %dma_start3A_732 : memref<1x196x64xf32, #tpu.memory_space<hbm>> -> memref<196x64xf32, #tpu.memory_space<hbm>>
      %dma_start3A_734 = arith.constant 0 : i32
      %dma_start3A_735 = arith.constant 0 : i32
      %dma_start3A_736 = tpu.memref_slice %arg9[%dma_start3A_721, %dma_start3A_734, %dma_start3A_735] : memref<2x196x64xf32, #tpu.memory_space<vmem>> -> memref<1x196x64xf32, #tpu.memory_space<vmem>>
      %dma_start3A_737 = tpu.memref_squeeze %dma_start3A_736 : memref<1x196x64xf32, #tpu.memory_space<vmem>> -> memref<196x64xf32, #tpu.memory_space<vmem>>
      tpu.enqueue_dma source(%dma_start3A_737 : memref<196x64xf32, #tpu.memory_space<vmem>>) target(%dma_start3A_733 : memref<196x64xf32, #tpu.memory_space<hbm>>) target_semaphore(%arg15 : memref<!tpu.dma_semaphore, #tpu.memory_space<semaphore_mem>>)
    }
    %scan3A_244 = arith.constant 16 : i32
    %dma_wait3A_245 = arith.constant 0 : i32
    %dma_wait3A_246 = arith.constant 0 : i32
    %dma_wait3A_247 = arith.constant 0 : i32
    %dma_wait3A_248 = tpu.memref_slice %arg9[%dma_wait3A_245, %dma_wait3A_246, %dma_wait3A_247] : memref<2x196x64xf32, #tpu.memory_space<vmem>> -> memref<1x196x64xf32, #tpu.memory_space<vmem>>
    %dma_wait3A_249 = tpu.memref_squeeze %dma_wait3A_248 : memref<1x196x64xf32, #tpu.memory_space<vmem>> -> memref<196x64xf32, #tpu.memory_space<vmem>>
    %dma_wait3A_250 = arith.constant 0 : i32
    %dma_wait3A_251 = arith.constant 0 : i32
    %dma_wait3A_252 = tpu.memref_slice %arg5[%mul3A_2, %dma_wait3A_250, %dma_wait3A_251] : memref<1024x196x64xf32, #tpu.memory_space<hbm>> -> memref<1x196x64xf32, #tpu.memory_space<hbm>>
    %dma_wait3A_253 = tpu.memref_squeeze %dma_wait3A_252 : memref<1x196x64xf32, #tpu.memory_space<hbm>> -> memref<196x64xf32, #tpu.memory_space<hbm>>
    %dma_wait3A_254 = arith.constant 0 : i32
    %dma_wait3A_255 = arith.constant 0 : i32
    %dma_wait3A_256 = tpu.memref_slice %arg5[%mul3A_2, %dma_wait3A_254, %dma_wait3A_255] : memref<1024x196x64xf32, #tpu.memory_space<hbm>> -> memref<1x196x64xf32, #tpu.memory_space<hbm>>
    %dma_wait3A_257 = tpu.memref_squeeze %dma_wait3A_256 : memref<1x196x64xf32, #tpu.memory_space<hbm>> -> memref<196x64xf32, #tpu.memory_space<hbm>>
    %dma_wait3A_258 = arith.constant 0 : i32
    %dma_wait3A_259 = arith.constant 0 : i32
    %dma_wait3A_260 = tpu.memref_slice %arg9[%dma_wait3A_245, %dma_wait3A_258, %dma_wait3A_259] : memref<2x196x64xf32, #tpu.memory_space<vmem>> -> memref<1x196x64xf32, #tpu.memory_space<vmem>>
    %dma_wait3A_261 = tpu.memref_squeeze %dma_wait3A_260 : memref<1x196x64xf32, #tpu.memory_space<vmem>> -> memref<196x64xf32, #tpu.memory_space<vmem>>
    tpu.wait_dma2 semaphore(%arg14 : memref<!tpu.dma_semaphore, #tpu.memory_space<semaphore_mem>>) src(%dma_wait3A_261 : memref<196x64xf32, #tpu.memory_space<vmem>>) dst(%dma_wait3A_257 : memref<196x64xf32, #tpu.memory_space<hbm>>)
    %dma_wait3A_262 = arith.constant 1 : i32
    %dma_wait3A_263 = arith.constant 0 : i32
    %dma_wait3A_264 = arith.constant 0 : i32
    %dma_wait3A_265 = tpu.memref_slice %arg9[%dma_wait3A_262, %dma_wait3A_263, %dma_wait3A_264] : memref<2x196x64xf32, #tpu.memory_space<vmem>> -> memref<1x196x64xf32, #tpu.memory_space<vmem>>
    %dma_wait3A_266 = tpu.memref_squeeze %dma_wait3A_265 : memref<1x196x64xf32, #tpu.memory_space<vmem>> -> memref<196x64xf32, #tpu.memory_space<vmem>>
    %dma_wait3A_267 = arith.constant 0 : i32
    %dma_wait3A_268 = arith.constant 0 : i32
    %dma_wait3A_269 = tpu.memref_slice %arg5[%mul3A_2, %dma_wait3A_267, %dma_wait3A_268] : memref<1024x196x64xf32, #tpu.memory_space<hbm>> -> memref<1x196x64xf32, #tpu.memory_space<hbm>>
    %dma_wait3A_270 = tpu.memref_squeeze %dma_wait3A_269 : memref<1x196x64xf32, #tpu.memory_space<hbm>> -> memref<196x64xf32, #tpu.memory_space<hbm>>
    %dma_wait3A_271 = arith.constant 0 : i32
    %dma_wait3A_272 = arith.constant 0 : i32
    %dma_wait3A_273 = tpu.memref_slice %arg5[%mul3A_2, %dma_wait3A_271, %dma_wait3A_272] : memref<1024x196x64xf32, #tpu.memory_space<hbm>> -> memref<1x196x64xf32, #tpu.memory_space<hbm>>
    %dma_wait3A_274 = tpu.memref_squeeze %dma_wait3A_273 : memref<1x196x64xf32, #tpu.memory_space<hbm>> -> memref<196x64xf32, #tpu.memory_space<hbm>>
    %dma_wait3A_275 = arith.constant 0 : i32
    %dma_wait3A_276 = arith.constant 0 : i32
    %dma_wait3A_277 = tpu.memref_slice %arg9[%dma_wait3A_262, %dma_wait3A_275, %dma_wait3A_276] : memref<2x196x64xf32, #tpu.memory_space<vmem>> -> memref<1x196x64xf32, #tpu.memory_space<vmem>>
    %dma_wait3A_278 = tpu.memref_squeeze %dma_wait3A_277 : memref<1x196x64xf32, #tpu.memory_space<vmem>> -> memref<196x64xf32, #tpu.memory_space<vmem>>
    tpu.wait_dma2 semaphore(%arg15 : memref<!tpu.dma_semaphore, #tpu.memory_space<semaphore_mem>>) src(%dma_wait3A_278 : memref<196x64xf32, #tpu.memory_space<vmem>>) dst(%dma_wait3A_274 : memref<196x64xf32, #tpu.memory_space<hbm>>)
    return
  }
}

</mosaic_0001>

<sc_bundles>
// kernel: kernel.3.cloned.1.call-start
scs
__scs_entry_jumppad:
0x0: {  	(pc) =	sbr.rel $0x88, $3  }
0x1: {  	(tag) =	ssettag $0x0;
	lr =	simm.s32 $0x1  }
0x2: {  	[smem:$0x3F9E] =	sst lr;
	_ =	strace $0xD0000000  }
0x3: {  	_ = 	snop  }
0x4: {  	_ = 	snop  }
0x5: {  	_ = 	snop  }
0x6: {  	_ = 	snop  }
0x7: {  	_ = 	snop  }
__scs_overlays_trampoline_lowered:
0x8: {  	[smem:$0x3FAD] =	sst s0  }
0x9: {  	[smem:$0x3FAE] =	sst s1  }
0xa: {  	[smem:$0x3FAF] =	sst s2  }
0xb: {  	[smem:$0x3FB0] =	sst s3  }
0xc: {  	[smem:$0x3FB1] =	sst s4  }
0xd: {  	[smem:$0x3FB2] =	sst s5  }
0xe: {  	[smem:$0x3FB3] =	sst s6  }
0xf: {  	[smem:$0x3FB4] =	sst s7  }
0x10: {  	[smem:$0x3FB5] =	sst s8  }
0x11: {  	[smem:$0x3FB6] =	sst s9;
	s0 =	simm.s32 @!p0 $0x0  }
0x12: {  	s1 =	sld [smem:$0x3F9C];
	s0 =	simm.s32 @p0 $0x1  }
0x13: {  	[smem:$0x3FB7] =	sst s0;
	s0 =	simm.s32 @!p1 $0x0  }
0x14: {  	s2 =	sld [smem:$0x3F9B];
	s0 =	simm.s32 @p1 $0x1  }
0x15: {  	[smem:$0x3FB8] =	sst s0;
	s0 =	simm.s32 @!p2 $0x0  }
0x16: {  	s3 =	sld [smem:$0x3FDB];
	s0 =	simm.s32 @p2 $0x1  }
0x17: {  	s4 =	simm.s32 $0x1BF5;
	[smem:$0x3FBA] =	sst s0  }
0x18: {  	s0 =	sld [smem:$0x3F9D];
	_ =	swait.ge [sflag:s4], $0x0  }
0x19: {  	s7 =	sld [smem:$0x3F9E]  }
0x1a: {  	s8 =	sadd.s32 $0xFFFFE003, lr  }
0x1b: {  	s9 =	sadd.s32 $0xFFFFFEF7, lr;
	s5 =	simm.s32 $0xFFFFFFFF;
	p2 =	slt.u32 s8, $0xFFFFF086  }
0x1c: {  	p1 =	slt.u32 s9, $0xF7A;
	s5 =	simm.s32 @!p2 $0x0  }
0x1d: {  	s5 =	simm.s32 @p1 $0x1;
	p0 =	seq.s32 s7, s2  }
0x1e: {  	s7 =	smul.u32 @!p0 $0xF7A, s2;
	p2 =	seq.s32 @!p0 s5, $0x0  }
0x1f: {  	s9 =	smul.u32 $0xF7A, s1;
	s8 =	simm.s32 @!p0 $0x1BF5;
	p2 =	por !p2, p0  }
0x20: {  	[sflag:s8] =	ssyncset.s32 @!p0 $0xFFFFF086;
	s6 =	sadd.s32 @!p0 s3, s7;
	s7 =	simm.s32 @!p0 $0x108  }
0x21: {  	s3 =	sadd.s32 s3, s9;
	s6 =	sadd.s32 @!p0 $0x88, s6;
	s7 =	simm.s32 @p2 $0x1082  }
0x22: {  	[simem:s7], [sflag:s8] =	dma.local @!p0 [hbm:s6], $0xF7A  }
0x23: {  	s9 =	sor.u32 $0xD0000000, s2;
	s6 =	simm.s32 $0x108;
	_ =	swait.ge @!p0 [sflag:s8], $0x0  }
0x24: {  	s3 =	sadd.s32 $0x88, s3;
	s6 =	simm.s32 @!p1 $0x1082;
	[sflag:s4] =	ssyncset.s32 $0xFFFFF086  }
0x25: {  	[simem:s6], [sflag:s4] =	dma.local [hbm:s3], $0xF7A  }
0x26: {  	[smem:$0x3F9E] =	sst s1;
	(tag) =	ssettag s2;
	_ =	strace s9  }
0x27: {  	s1 =	sld [smem:$0x3FAE]  }
0x28: {  	s2 =	sld [smem:$0x3FAF]  }
0x29: {  	s4 =	sld [smem:$0x3FB1]  }
0x2a: {  	p0 =	seq.s32 s5, $0x0;
	s5 =	sld [smem:$0x3FB2]  }
0x2b: {  	s6 =	sld [smem:$0x3FB3]  }
0x2c: {  	s7 =	sld [smem:$0x3FB4]  }
0x2d: {  	s3 =	simm.s32 $0x108;
	s8 =	sld [smem:$0x3FB5]  }
0x2e: {  	s3 =	simm.s32 @!p0 $0x1082;
	s9 =	sld [smem:$0x3FB6]  }
0x2f: {  	lr =	sadd.s32 s0, s3;
	s0 =	sld [smem:$0x3FAD]  }
0x30: {  	s3 =	sld [smem:$0x3FB0]  }
0x31: {  	[smem:$0x3FB9] =	sst s10  }
0x32: {  	s10 =	sld [smem:$0x3FB7];
	_ =	sdelay $0x3  }
0x33: {  	p0 =	seq.s32 s10, $0x1;
	s10 =	sld [smem:$0x3FB9];
	_ =	sdelay $0x3  }
0x34: {  	[smem:$0x3FB9] =	sst s10  }
0x35: {  	s10 =	sld [smem:$0x3FB8];
	_ =	sdelay $0x3  }
0x36: {  	p1 =	seq.s32 s10, $0x1;
	s10 =	sld [smem:$0x3FB9];
	_ =	sdelay $0x3  }
0x37: {  	[smem:$0x3FB9] =	sst s10  }
0x38: {  	s10 =	sld [smem:$0x3FBA]  }
0x39: {  	_ = 	snop;
	(pc) =	sbr.ind lr, $3  }
0x3a: {  	_ = 	snop  }
0x3b: {  	_ = 	snop  }
0x3c: {  	p2 =	seq.s32 s10, $0x1;
	s10 =	sld [smem:$0x3FB9]  }
0x3d: {  	_ =	shalt  }
0x3e: {  	_ =	shalt  }
0x3f: {  	_ =	shalt  }
0x40: {  	_ =	shalt  }
0x41: {  	_ =	shalt  }
0x42: {  	_ =	shalt  }
0x43: {  	_ =	shalt  }
0x44: {  	_ =	shalt  }
0x45: {  	_ =	shalt  }
0x46: {  	_ =	shalt  }
0x47: {  	_ =	shalt  }
0x48: {  	_ =	shalt  }
0x49: {  	_ =	shalt  }
0x4a: {  	_ =	shalt  }
0x4b: {  	_ =	shalt  }
0x4c: {  	_ =	shalt  }
0x4d: {  	_ =	shalt  }
0x4e: {  	_ =	shalt  }
0x4f: {  	_ =	shalt  }
0x50: {  	_ =	shalt  }
0x51: {  	_ =	shalt  }
0x52: {  	_ =	shalt  }
0x53: {  	_ =	shalt  }
0x54: {  	_ =	shalt  }
0x55: {  	_ =	shalt  }
0x56: {  	_ =	shalt  }
0x57: {  	_ =	shalt  }
0x58: {  	_ =	shalt  }
0x59: {  	_ =	shalt  }
0x5a: {  	_ =	shalt  }
0x5b: {  	_ =	shalt  }
0x5c: {  	_ =	shalt  }
0x5d: {  	_ =	shalt  }
0x5e: {  	_ =	shalt  }
0x5f: {  	_ =	shalt  }
0x60: {  	_ =	shalt  }
0x61: {  	_ =	shalt  }
0x62: {  	_ =	shalt  }
0x63: {  	_ =	shalt  }
0x64: {  	_ =	shalt  }
0x65: {  	_ =	shalt  }
0x66: {  	_ =	shalt  }
0x67: {  	_ =	shalt  }
0x68: {  	_ =	shalt  }
0x69: {  	_ =	shalt  }
0x6a: {  	_ =	shalt  }
0x6b: {  	_ =	shalt  }
0x6c: {  	_ =	shalt  }
0x6d: {  	_ =	shalt  }
0x6e: {  	_ =	shalt  }
0x6f: {  	_ =	shalt  }
0x70: {  	_ =	shalt  }
0x71: {  	_ =	shalt  }
0x72: {  	_ =	shalt  }
0x73: {  	_ =	shalt  }
0x74: {  	_ =	shalt  }
0x75: {  	_ =	shalt  }
0x76: {  	_ =	shalt  }
0x77: {  	_ =	shalt  }
0x78: {  	_ =	shalt  }
0x79: {  	_ =	shalt  }
0x7a: {  	_ =	shalt  }
0x7b: {  	_ =	shalt  }
0x7c: {  	_ =	shalt  }
0x7d: {  	_ =	shalt  }
0x7e: {  	_ =	shalt  }
0x7f: {  	_ =	shalt  }
0x80: {  	_ =	shalt  }
0x81: {  	_ =	shalt  }
0x82: {  	_ =	shalt  }
0x83: {  	_ =	shalt  }
0x84: {  	_ =	shalt  }
0x85: {  	_ =	shalt  }
0x86: {  	_ =	shalt  }
0x87: {  	_ =	shalt  }
.Lfunc_end0:
.L_simem_size_0:
called_computation.1_lowered:
.L_overlay_start_0:
0x88: {  	s2 =	sld [smem:$0x3FD9]  }
0x89: {  	s3 =	sld [smem:$0x3FFE];
	_ =	sdelay $0x1  }
0x8a: {  	s1 =	srdreg.scid  }
0x8b: {  	s0 =	sand.u32 $0x1, s1  }
0x8c: {  	s17 =	sshll.u32 s0, $0xA;
	s2 =	sadd.s32 s3, s2  }
0x8d: {  	s2 =	sadd.s32 s2, s17  }
0x8e: {  	[smem:$0x3FC5] =	sst s2  }
0x8f: {  	_ = 	snop  }
0x90: {  	s2 =	sld [smem:$0x3FD0];
	(tm) =	ssettm $0x1  }
0x91: {  	s18 =	sld [smem:$0x3FFB];
	_ =	sdelay $0x3  }
0x92: {  	_ =	strace s18  }
0x93: {  	s3 =	sld [smem:$0x3FFC];
	_ =	sdelay $0x3  }
0x94: {  	_ =	strace s3  }
0x95: {  	s3 =	sld [smem:$0x3FFD];
	_ =	sdelay $0x3  }
0x96: {  	_ =	strace s3  }
0x97: {  	_ =	strace $0x8FFFFFFF  }
0x98: {  	s19 =	sld [smem:$0x3FDB];
	_ =	sdelay $0x1  }
0x99: {  	s4 =	simm.s32 $_scs_section_size  }
0x9a: {  	s5 =	simm.s32 $_size__tile_overlayer_lowered;
	s6 =	simm.s32 $_tile_overlayer_lowered  }
0x9b: {  	s22 =	simm.s32 $0x1BFF;
	s21 =	sshll.u32 s6, $0x1;
	s3 =	sadd.s32 s4, s19  }
0x9c: {  	s7 =	simm.s32 $0x0;
	s20 =	sshll.u32 s5, $0x1;
	s5 =	sadd.s32 s21, s3  }
0x9d: {  	[timem:s7], [sflag:s22] =	dma.local [hbm:s5], s20  }
0x9e: {  	_ =	swait.ge [sflag:s22], s20  }
0x9f: {  	s4 =	ssub.s32 $0x0, s20;
	[sflag:s22] =	ssyncset.done $0x0  }
0xa0: {  	[sflag:s22] =	ssyncadd.s32 s4;
	_ =	sdelay $0x1  }
0xa1: {  	s23 =	simm.s32 $0x1B8B  }
0xa2: {  	_ =	swait.ge [sflag:s23], $0x1  }
0xa3: {  	[sflag:s23] =	ssyncset.done $0x0  }
0xa4: {  	s25 =	simm.s32 $0x1B8E;
	s24 =	sld [smem:$0x3FFE];
	[sflag:s23] =	ssyncadd.s32 $0xFFFFFFFF  }
0xa5: {  	s26 =	simm.s32 $execute0_lowered;
	[smem:$0x3FD2] =	sst s25  }
0xa6: {  	s5 =	sshll.u32 s26, $0x1;
	_ =	strace $0x80000046;
	[dreg:$0x1] =	wrdreg $0xFFFFFFFF  }
0xa7: {  	s28 =	simm.s32 $_size_execute0_lowered;
	s3 =	sadd.s32 s3, s5;
	[dreg:$0x0] =	wrdreg $0x0  }
0xa8: {  	s5 =	sshll.u32 s28, $0x1;
	[dreg:$0x2] =	wrdreg s3  }
0xa9: {  	[dreg:$0x3] =	wrdreg s5  }
0xaa: {  	[dreg:$0x4] =	wrdreg $0xC0  }
0xab: {  	_ =	task [dreg:s7], $0x5FFFF  }
0xac: {  	[dreg:$0x1] =	wrdreg $0xFFFFFFFF  }
0xad: {  	[dreg:$0x0] =	wrdreg $0x60  }
0xae: {  	[dreg:$0x2] =	wrdreg s24  }
0xaf: {  	[dreg:$0x3] =	wrdreg s2  }
0xb0: {  	[dreg:$0x4] =	wrdreg $0x9  }
0xb1: {  	_ =	task.clear_ibuf [dreg:s7], $0x5FFFF;
	_ =	strace $0x90000046  }
0xb2: {  	s29 =	simm.s32 $0x9;
	_ =	strace $0x80000048  }
0xb3: {  	_ =	swait.ge [sflag:s29], $0x1  }
0xb4: {  	[sflag:s29] =	ssyncadd.s32 $0xFFFFFFFF  }
0xb5: {  	_ =	strace $0x90000048  }
0xb6: {  	_ =	sfence  }
0xb7: {  	s30 =	sld [smem:$0x0];
	_ =	sdelay $0x2  }
0xb8: {  	s31 =	sshll.u32 s1, $0xD;
	s1 =	sshrl.u32 s1, $0x2  }
0xb9: {  	s3 =	sand.u32 $0x4000, s31;
	s1 =	sadd.s32 s1, s30  }
0xba: {  	s0 =	sor.u32 s3, s0;
	s1 =	sshll.u32 s1, $0x11  }
0xbb: {  	s0 =	sor.u32 s1, s0  }
0xbc: {  	s0 =	sadd.s32 $0x8F2B, s0  }
0xbd: {  	[sflag:s0] =	ssyncadd.remote.s32 $0x1  }
0xbe: {  	_ =	sfence.sel $0xFFFF  }
0xbf: {  	[dreg:$0x0] =	wrdreg $0xFFFFFFFF;
	(pc) =	sbr.abs _section_cstart, $3  }
0xc0: {  	[dreg:$0x1] =	wrdreg $0xFFFFFFFF  }
0xc1: {  	_ =	task.clear_ibuf [dreg:s7], $0x2FFFF;
	_ =	strace $0x9FFFFFFF  }
0xc2: {  	(tm) =	ssettm $0x7FFFFFFF  }
0xc3: {  	_ =	shalt  }
tec
execute0_lowered:
.L_overlay_start_1:
0x0: {  	(tag) =	ssettag $0x1  }
0x1: {  	s0 =	srdreg.scid;
	s1 =	rddreg [dreg:$0x0]  }
0x2: {  	s3 =	stileid.u32;
	s2 =	rddreg [dreg:$0x1]  }
0x3: {  	s11 =	simm.s32 $0x270;
	s12 =	simm.s32 $0x1;
	s13 =	simm.s32 $0x62  }
0x4: {  	s24 =	simm.s32 $0xF9E0;
	s25 =	simm.s32 $0x2;
	s28 =	simm.s32 $0x2D8  }
0x5: {  	s29 =	simm.s32 $0x97E0;
	s30 =	simm.s32 $0x340;
	s31 =	simm.s32 $0xB060  }
0x6: {  	s9 =	simm.s32 $0x410;
	s10 =	simm.s32 $0xE160;
	s14 =	simm.s32 $0x11260  }
0x7: {  	s15 =	simm.s32 $0x3;
	s16 =	simm.s32 $0x4;
	s19 =	simm.s32 $0x0  }
0x8: {  	s0 =	sand.u32 $0x1, s0;
	s5 =	sshll.u32 s3, $0x5;
	s3 =	simm.s32 $0x0  }
0x9: {  	s6 =	sadd.s32 $0x7A2000, s1;
	s4 =	sshll.u32 s0, $0x9;
	s0 =	ssub.s32 $0x2, s0  }
0xa: {  	[smem:$0x7FF] =	sst s3;
	s4 =	sor.u32 s5, s4;
	s8 =	sshrl.u32 s0, $0x1  }
0xb: {  	_ =	strace $0x80000047;
	s7 =	smul.u32 $0x9C, s4;
	s0 =	ssub.s32 s0, s8  }
0xc: {  	s5 =	sadd.s32 $0xC4400, s1;
	s8 =	sadd.s32 $0xE00, s1;
	s0 =	smax.u32 s0, $0x1  }
0xd: {  	s1 =	simm.s32 $0x3A8;
	s7 =	sadd.s32 s5, s7;
	[dreg:$0x5] =	wrdreg s0  }
0xe: {  	s0 =	simm.s32 $0xC8E0;
	[dreg:$0x3] =	wrdreg s7;
	s26 =	sadd.s32 $0x4E, s7  }
0xf: {  	s7 =	simm.s32 $0x478;
	[dreg:$0x4] =	wrdreg s26;
	s26 =	simm.s32 $0x7F60  }
.LBB2_1:
0x10: {  	[dreg:$0x6] =	wrdreg s19  }
0x11: {  	s17 =	rddreg [dreg:$0x3]  }
0x12: {  	[tilespmem:s3], [sflag:$0x1] =	stream.linear.gather [hbm4b:s17+s3], $0x270, $0x38;
	[tilespmem:$0x18CE0] =	vst v63  }
0x13: {  	s19 =	rddreg [dreg:$0x4]  }
0x14: {  	[tilespmem:s11], [sflag:$0x2] =	stream.linear.gather [hbm4b:s19+s3], $0x270, $0x38;
	[tilespmem:$0x18CE0] =	vst v63  }
0x15: {  	_ =	swait.ge [sflag:s12], $0x270  }
0x16: {  	[sflag:s12] =	ssyncset.done $0x0  }
0x17: {  	s20 =	simm.s32 $0x4E0;
	[sflag:s12] =	ssyncadd.s32 $0xFFFFFD90  }
0x18: {  	[tilespmem:s20], [sflag:$0x3] =	stream.indirect.gather [hbm4b:s6+s13], $0x40, s3, s13, $0xb8;
	[tilespmem:$0x18CE0] =	vst v63  }
0x19: {  	s21 =	simm.s32 $0x68;
	s18 =	simm.s32 $0x1D60  }
0x1a: {  	[tilespmem:s18], [sflag:$0x3] =	stream.indirect.gather [hbm4b:s6+s13], $0x40, s21, s13, $0xb8;
	[tilespmem:$0x18CE0] =	vst v63  }
0x1b: {  	s22 =	simm.s32 $0xD0;
	s23 =	simm.s32 $0x35E0  }
0x1c: {  	[tilespmem:s23], [sflag:$0x3] =	stream.indirect.gather [hbm4b:s6+s13], $0x40, s22, s13, $0xb8;
	[tilespmem:$0x18CE0] =	vst v63  }
0x1d: {  	s19 =	simm.s32 $0x138;
	s20 =	simm.s32 $0x4E60  }
0x1e: {  	[tilespmem:s20], [sflag:$0x3] =	stream.indirect.gather [hbm4b:s6+s13], $0x40, s19, s13, $0xb8;
	[tilespmem:$0x18CE0] =	vst v63  }
0x1f: {  	s21 =	simm.s32 $0x1A0;
	s22 =	simm.s32 $0x66E0  }
0x20: {  	[tilespmem:s22], [sflag:$0x3] =	stream.indirect.gather [hbm4b:s6+s13], $0x40, s21, s13, $0xb8;
	[tilespmem:$0x18CE0] =	vst v63  }
0x21: {  	s23 =	simm.s32 $0x208  }
0x22: {  	[tilespmem:s24], [sflag:$0x3] =	stream.indirect.gather [hbm4b:s8+s13], $0x40, s23, s13, $0xb8;
	[tilespmem:$0x18CE0] =	vst v63  }
0x23: {  	_ =	swait.ge [sflag:s25], $0x270  }
0x24: {  	[sflag:s25] =	ssyncset.done $0x0  }
0x25: {  	[sflag:s25] =	ssyncadd.s32 $0xFFFFFD90  }
0x26: {  	[tilespmem:s26], [sflag:$0x4] =	stream.indirect.gather [hbm4b:s6+s13], $0x40, s11, s13, $0xb8;
	[tilespmem:$0x18CE0] =	vst v63  }
0x27: {  	_ = 	snop  }
0x28: {  	[tilespmem:s29], [sflag:$0x4] =	stream.indirect.gather [hbm4b:s6+s13], $0x40, s28, s13, $0xb8;
	[tilespmem:$0x18CE0] =	vst v63  }
0x29: {  	_ = 	snop  }
0x2a: {  	[tilespmem:s31], [sflag:$0x4] =	stream.indirect.gather [hbm4b:s6+s13], $0x40, s30, s13, $0xb8;
	[tilespmem:$0x18CE0] =	vst v63  }
0x2b: {  	_ = 	snop  }
0x2c: {  	[tilespmem:s0], [sflag:$0x4] =	stream.indirect.gather [hbm4b:s6+s13], $0x40, s1, s13, $0xb8;
	[tilespmem:$0x18CE0] =	vst v63  }
0x2d: {  	_ = 	snop  }
0x2e: {  	[tilespmem:s10], [sflag:$0x4] =	stream.indirect.gather [hbm4b:s6+s13], $0x40, s9, s13, $0xb8;
	[tilespmem:$0x18CE0] =	vst v63  }
0x2f: {  	s17 =	simm.s32 $0x0  }
0x30: {  	[tilespmem:s14], [sflag:$0x4] =	stream.indirect.gather [hbm4b:s8+s13], $0x40, s7, s13, $0xb8;
	[tilespmem:$0x18CE0] =	vst v63  }
.LBB2_2:
0x31: {  	p0 =	seq.s32 s17, $0x0  }
0x32: {  	s18 =	simm.s32 @!p0 $0x5  }
0x33: {  	_ =	swait.ge @!p0 [sflag:s18], $0x3100  }
0x34: {  	[sflag:s18] =	ssyncset.done @!p0 $0x0  }
0x35: {  	[sflag:s18] =	ssyncadd.s32 @!p0 $0xFFFFCF00  }
0x36: {  	_ =	swait.ge [sflag:s15], $0x1880  }
0x37: {  	[sflag:s15] =	ssyncset.done $0x0  }
0x38: {  	[sflag:s15] =	ssyncadd.s32 $0xFFFFE780  }
0x39: {  	_ =	swait.ge [sflag:s15], $0x1880  }
0x3a: {  	[sflag:s15] =	ssyncset.done $0x0  }
0x3b: {  	[sflag:s15] =	ssyncadd.s32 $0xFFFFE780  }
0x3c: {  	_ =	swait.ge [sflag:s15], $0x1880  }
0x3d: {  	[sflag:s15] =	ssyncset.done $0x0  }
0x3e: {  	[sflag:s15] =	ssyncadd.s32 $0xFFFFE780  }
0x3f: {  	_ =	swait.ge [sflag:s15], $0x1880  }
0x40: {  	[sflag:s15] =	ssyncset.done $0x0  }
0x41: {  	s23 =	sshll.u32 s17, $0x1;
	[sflag:s15] =	ssyncadd.s32 $0xFFFFE780  }
0x42: {  	s18 =	sor.u32 s4, s23;
	_ =	swait.ge [sflag:s15], $0x1880  }
0x43: {  	s19 =	smul.u32 $0x4E0, s18;
	[sflag:s15] =	ssyncset.done $0x0  }
0x44: {  	[sflag:s15] =	ssyncadd.s32 $0xFFFFE780  }
0x45: {  	s19 =	sshrl.u32 s19, $0x3;
	_ =	swait.ge [sflag:s15], $0x1880  }
0x46: {  	s19 =	sadd.s32 s5, s19;
	[sflag:s15] =	ssyncset.done $0x0  }
0x47: {  	s21 =	simm.s32 $0x0;
	s20 =	sadd.s32 $0x9C, s19;
	[sflag:s15] =	ssyncadd.s32 $0xFFFFE780  }
0x48: {  	[tilespmem:s21], [sflag:$0x1] =	stream.linear.gather [hbm4b:s20+s21], $0x270, $0x38;
	[tilespmem:$0x18CE0] =	vst v63  }
0x49: {  	s20 =	simm.s32 $0x0  }
0x4a: {  	v2 =	vld [tilespmem:s20+$0xFA10]  }
0x4b: {  	v1 =	vld [tilespmem:s20+$0x510]  }
0x4c: {  	v3 =	vld [tilespmem:s20+$0x1D90]  }
0x4d: {  	v4 =	vld [tilespmem:s20+$0x3610]  }
0x4e: {  	v5 =	vld [tilespmem:s20+$0x4E90]  }
0x4f: {  	v6 =	vld [tilespmem:s20+$0x6710]  }
0x50: {  	v0 =	vld [tilespmem:s20+$0xF9E0]  }
0x51: {  	v7 =	vld [tilespmem:s20+$0x4E0]  }
0x52: {  	v9 =	vld [tilespmem:s20+$0x1D60]  }
0x53: {  	v10 =	vld [tilespmem:s20+$0x35E0]  }
0x54: {  	v11 =	vld [tilespmem:s20+$0x35F0]  }
0x55: {  	v12 =	vld [tilespmem:s20+$0x3600];
	v8 =	vmul.f32 v1, v2;
	v3 =	vmul.f32 v3, v2  }
0x56: {  	v4 =	vmul.f32 v4, v2;
	v1 =	vld [tilespmem:s20+$0xF9F0]  }
0x57: {  	v5 =	vmul.f32 v5, v2;
	v3 =	vmax.f32 v8, v3;
	v8 =	vld [tilespmem:s20+$0x4F0]  }
0x58: {  	v3 =	vmax.f32 v3, v4;
	v4 =	vmul.f32 v6, v2;
	v6 =	vld [tilespmem:s20+$0x1D70]  }
0x59: {  	v2 =	vld [tilespmem:s20+$0xFA00];
	v3 =	vmax.f32 v3, v5  }
0x5a: {  	v3 =	vmax.f32 v3, v4;
	v4 =	vld [tilespmem:s20+$0x500]  }
0x5b: {  	[tilespmem:s20+$0x12B10] =	vst v3;
	v3 =	vld [tilespmem:s20+$0x1D80]  }
0x5c: {  	v13 =	vld [tilespmem:s20+$0x4E60]  }
0x5d: {  	v14 =	vld [tilespmem:s20+$0x4E70];
	v5 =	vmul.f32 v7, v0;
	v7 =	vmul.f32 v9, v0  }
0x5e: {  	v15 =	vld [tilespmem:s20+$0x4E80];
	v8 =	vmul.f32 v8, v1;
	v6 =	vmul.f32 v6, v1  }
0x5f: {  	v10 =	vmul.f32 v10, v0;
	v11 =	vmul.f32 v11, v1;
	v9 =	vmax.f32 v5, v7;
	v5 =	vld [tilespmem:s20+$0x66E0]  }
0x60: {  	v4 =	vmul.f32 v4, v2;
	v8 =	vmax.f32 v8, v6;
	v6 =	vld [tilespmem:s20+$0x66F0];
	v3 =	vmul.f32 v3, v2  }
0x61: {  	s21 =	simm.s32 $0x40;
	v13 =	vmul.f32 v13, v0;
	v7 =	vld [tilespmem:s20+$0x6700];
	v16 =	vmax.f32 v9, v10;
	v12 =	vmul.f32 v12, v2  }
0x62: {  	v10 =	vmul.f32 v14, v1;
	v9 =	vmax.f32 v8, v11;
	v4 =	vmax.f32 v4, v3;
	v3 =	vld [tilespmem:s21+$0xFA10]  }
0x63: {  	s22 =	simm.s32 $0x200;
	v11 =	vmul.f32 v15, v2;
	v8 =	vmax.f32 v4, v12;
	v4 =	vld [tilespmem:s21+$0x510];
	v12 =	vmax.f32 v16, v13  }
.LBB2_3:
0x64: {  	p1 =	sne.s32 s22, $0x6100;
	v13 =	vld [tilespmem:s21+$0x1D90];
	v0 =	vmul.f32 v5, v0;
	v5 =	vmax.f32 v9, v10  }
0x65: {  	v9 =	vld [tilespmem:s21+$0x3610];
	v1 =	vmul.f32 v6, v1;
	v6 =	vmax.f32 v8, v11  }
0x66: {  	v8 =	vld [tilespmem:s21+$0x4E90];
	v0 =	vmax.f32 v12, v0;
	v2 =	vmul.f32 v7, v2  }
0x67: {  	v7 =	vld [tilespmem:s21+$0x6710];
	[tilespmem:s20+$0x12AE0] =	vst v0;
	v1 =	vmax.f32 v5, v1  }
0x68: {  	v0 =	vld [tilespmem:s21+$0xF9E0];
	[tilespmem:s20+$0x12AF0] =	vst v1;
	v1 =	vmax.f32 v6, v2  }
0x69: {  	v4 =	vmul.f32 v4, v3;
	v2 =	vld [tilespmem:s21+$0x4E0];
	v5 =	vmul.f32 v13, v3;
	[tilespmem:s20+$0x12B00] =	vst v1;
	s20 =	smov.u32 s21  }
0x6a: {  	v6 =	vld [tilespmem:s20+$0x1D60];
	v9 =	vmul.f32 v9, v3  }
0x6b: {  	v1 =	vld [tilespmem:s20+$0xF9F0];
	v4 =	vmax.f32 v4, v5;
	v5 =	vmul.f32 v8, v3  }
0x6c: {  	v8 =	vld [tilespmem:s20+$0x4F0];
	v4 =	vmax.f32 v4, v9;
	v3 =	vmul.f32 v7, v3  }
0x6d: {  	v7 =	vld [tilespmem:s20+$0x1D70];
	v4 =	vmax.f32 v4, v5  }
0x6e: {  	v5 =	vmul.f32 v2, v0;
	v2 =	vld [tilespmem:s20+$0xFA00];
	v3 =	vmax.f32 v4, v3  }
0x6f: {  	v4 =	vmul.f32 v6, v0;
	v6 =	vld [tilespmem:s20+$0x500];
	[tilespmem:s20+$0x12B10] =	vst v3  }
0x70: {  	v3 =	vld [tilespmem:s20+$0x1D80]  }
0x71: {  	v4 =	vmax.f32 v5, v4;
	v5 =	vld [tilespmem:s20+$0x35E0];
	v8 =	vmul.f32 v8, v1  }
0x72: {  	v7 =	vmul.f32 v7, v1;
	v9 =	vld [tilespmem:s20+$0x35F0]  }
0x73: {  	v10 =	vld [tilespmem:s20+$0x3600]  }
0x74: {  	v11 =	vld [tilespmem:s20+$0x4E60];
	v7 =	vmax.f32 v8, v7;
	v6 =	vmul.f32 v6, v2  }
0x75: {  	v8 =	vld [tilespmem:s20+$0x4E70];
	v3 =	vmul.f32 v3, v2  }
0x76: {  	v12 =	vmul.f32 v5, v0;
	v13 =	vld [tilespmem:s20+$0x4E80]  }
.Ltmp0:
0x77: {  	v5 =	vld [tilespmem:s20+$0x66E0];
	v9 =	vmul.f32 v9, v1;
	v14 =	vmax.f32 v6, v3;
	(pc) =	sbr.rel @p1 .LBB2_3-.Ltmp0, $4  }
0x78: {  	v12 =	vmax.f32 v4, v12;
	v6 =	vld [tilespmem:s20+$0x66F0];
	v4 =	vmul.f32 v10, v2  }
0x79: {  	s21 =	sshra.s32 s22, $0x2;
	v11 =	vmul.f32 v11, v0;
	v9 =	vmax.f32 v7, v9;
	v7 =	vld [tilespmem:s20+$0x6700]  }
0x7a: {  	v3 =	vld [tilespmem:s21+$0xFA10];
	v10 =	vmul.f32 v8, v1;
	v8 =	vmax.f32 v14, v4  }
0x7b: {  	s22 =	sadd.s32 $0x100, s22;
	v4 =	vld [tilespmem:s21+$0x510];
	v12 =	vmax.f32 v12, v11;
	v11 =	vmul.f32 v13, v2  }
0x7c: {  	v13 =	vld [tilespmem:s21+$0x1D90];
	v0 =	vmul.f32 v5, v0  }
0x7d: {  	v5 =	vld [tilespmem:s21+$0x3610]  }
0x7e: {  	v14 =	vld [tilespmem:s21+$0x4E90];
	v1 =	vmul.f32 v6, v1;
	v0 =	vmax.f32 v12, v0  }
0x7f: {  	v9 =	vmax.f32 v9, v10;
	v6 =	vld [tilespmem:s21+$0x6710];
	[tilespmem:s20+$0x12AE0] =	vst v0;
	v0 =	vmul.f32 v7, v2  }
0x80: {  	v1 =	vmax.f32 v9, v1;
	v7 =	vmax.f32 v8, v11  }
0x81: {  	v2 =	vld [tilespmem:s21+$0xF9E0];
	[tilespmem:s20+$0x12AF0] =	vst v1;
	v0 =	vmax.f32 v7, v0  }
0x82: {  	v1 =	vld [tilespmem:s21+$0x4E0];
	[tilespmem:s20+$0x12B00] =	vst v0  }
0x83: {  	v7 =	vld [tilespmem:s21+$0x1D60]  }
0x84: {  	v8 =	vld [tilespmem:s21+$0xF9F0]  }
0x85: {  	v9 =	vld [tilespmem:s21+$0x4F0]  }
0x86: {  	v10 =	vld [tilespmem:s21+$0x35F0]  }
0x87: {  	v0 =	vmul.f32 v4, v3;
	v4 =	vmul.f32 v13, v3;
	v11 =	vld [tilespmem:s21+$0x3600]  }
0x88: {  	v5 =	vmul.f32 v5, v3;
	v12 =	vld [tilespmem:s21+$0x4E60]  }
0x89: {  	v0 =	vmax.f32 v0, v4;
	v4 =	vmul.f32 v14, v3;
	v3 =	vmul.f32 v6, v3;
	v6 =	vld [tilespmem:s21+$0x35E0]  }
0x8a: {  	v0 =	vmax.f32 v0, v5;
	v5 =	vld [tilespmem:s21+$0x1D70]  }
0x8b: {  	v0 =	vmax.f32 v0, v4;
	v4 =	vld [tilespmem:s21+$0xFA00]  }
0x8c: {  	v0 =	vmax.f32 v0, v3;
	v3 =	vld [tilespmem:s21+$0x500]  }
0x8d: {  	[tilespmem:s21+$0x12B10] =	vst v0;
	v0 =	vld [tilespmem:s21+$0x1D80]  }
0x8e: {  	v15 =	vld [tilespmem:s21+$0x66E0]  }
0x8f: {  	v13 =	vld [tilespmem:s21+$0x4E70];
	v1 =	vmul.f32 v1, v2;
	v7 =	vmul.f32 v7, v2  }
0x90: {  	v16 =	vld [tilespmem:s21+$0x66F0];
	v9 =	vmul.f32 v9, v8;
	v6 =	vmul.f32 v6, v2  }
0x91: {  	v14 =	vld [tilespmem:s21+$0x4E80];
	v5 =	vmul.f32 v5, v8;
	v1 =	vmax.f32 v1, v7;
	v7 =	vmul.f32 v10, v8  }
0x92: {  	v10 =	vld [tilespmem:s21+$0x6700];
	v3 =	vmul.f32 v3, v4;
	v0 =	vmul.f32 v0, v4  }
0x93: {  	v1 =	vmax.f32 v1, v6;
	v6 =	vmul.f32 v12, v2;
	v2 =	vmul.f32 v15, v2  }
0x94: {  	v5 =	vmax.f32 v9, v5;
	v0 =	vmax.f32 v3, v0;
	v3 =	vmul.f32 v11, v4  }
0x95: {  	v5 =	vmax.f32 v5, v7;
	v7 =	vmul.f32 v13, v8;
	v1 =	vmax.f32 v1, v6  }
0x96: {  	v6 =	vmul.f32 v16, v8;
	v0 =	vmax.f32 v0, v3;
	v3 =	vmul.f32 v14, v4  }
0x97: {  	v1 =	vmax.f32 v1, v2;
	v5 =	vmax.f32 v5, v7;
	v2 =	vmul.f32 v10, v4  }
0x98: {  	[tilespmem:s21+$0x12AE0] =	vst v1;
	v1 =	vmax.f32 v5, v6;
	v0 =	vmax.f32 v0, v3  }
0x99: {  	[tilespmem:s21+$0x12AF0] =	vst v1;
	v0 =	vmax.f32 v0, v2  }
0x9a: {  	[tilespmem:s21+$0x12B00] =	vst v0  }
0x9b: {  	_ =	swait.ge [sflag:s12], $0x270  }
0x9c: {  	[sflag:s12] =	ssyncset.done $0x0  }
0x9d: {  	s22 =	simm.s32 $0x4E0;
	s20 =	simm.s32 $0x0;
	[sflag:s12] =	ssyncadd.s32 $0xFFFFFD90  }
0x9e: {  	[tilespmem:s22], [sflag:$0x3] =	stream.indirect.gather [hbm4b:s6+s13], $0x40, s20, s13, $0xb8;
	[tilespmem:$0x18CE0] =	vst v63  }
0x9f: {  	s23 =	simm.s32 $0x68;
	s22 =	simm.s32 $0x1D60  }
0xa0: {  	[tilespmem:s22], [sflag:$0x3] =	stream.indirect.gather [hbm4b:s6+s13], $0x40, s23, s13, $0xb8;
	[tilespmem:$0x18CE0] =	vst v63  }
0xa1: {  	s22 =	simm.s32 $0xD0;
	s23 =	simm.s32 $0x35E0  }
0xa2: {  	[tilespmem:s23], [sflag:$0x3] =	stream.indirect.gather [hbm4b:s6+s13], $0x40, s22, s13, $0xb8;
	[tilespmem:$0x18CE0] =	vst v63  }
0xa3: {  	s22 =	simm.s32 $0x138;
	s23 =	simm.s32 $0x4E60  }
0xa4: {  	[tilespmem:s23], [sflag:$0x3] =	stream.indirect.gather [hbm4b:s6+s13], $0x40, s22, s13, $0xb8;
	[tilespmem:$0x18CE0] =	vst v63  }
0xa5: {  	s22 =	simm.s32 $0x1A0;
	s23 =	simm.s32 $0x66E0  }
0xa6: {  	[tilespmem:s23], [sflag:$0x3] =	stream.indirect.gather [hbm4b:s6+s13], $0x40, s22, s13, $0xb8;
	[tilespmem:$0x18CE0] =	vst v63  }
0xa7: {  	s23 =	simm.s32 $0x208  }
0xa8: {  	[tilespmem:s24], [sflag:$0x3] =	stream.indirect.gather [hbm4b:s8+s13], $0x40, s23, s13, $0xb8;
	[tilespmem:$0x18CE0] =	vst v63  }
0xa9: {  	_ =	swait.ge [sflag:s16], $0x1880  }
0xaa: {  	[sflag:s16] =	ssyncset.done $0x0  }
0xab: {  	[sflag:s16] =	ssyncadd.s32 $0xFFFFE780  }
0xac: {  	_ =	swait.ge [sflag:s16], $0x1880  }
0xad: {  	[sflag:s16] =	ssyncset.done $0x0  }
0xae: {  	[sflag:s16] =	ssyncadd.s32 $0xFFFFE780  }
0xaf: {  	_ =	swait.ge [sflag:s16], $0x1880  }
0xb0: {  	[sflag:s16] =	ssyncset.done $0x0  }
0xb1: {  	[sflag:s16] =	ssyncadd.s32 $0xFFFFE780  }
0xb2: {  	_ =	swait.ge [sflag:s16], $0x1880  }
0xb3: {  	[sflag:s16] =	ssyncset.done $0x0  }
0xb4: {  	[sflag:s16] =	ssyncadd.s32 $0xFFFFE780  }
0xb5: {  	_ =	swait.ge [sflag:s16], $0x1880  }
0xb6: {  	[sflag:s16] =	ssyncset.done $0x0  }
0xb7: {  	[sflag:s16] =	ssyncadd.s32 $0xFFFFE780  }
0xb8: {  	_ =	swait.ge [sflag:s16], $0x1880  }
0xb9: {  	[sflag:s16] =	ssyncset.done $0x0  }
0xba: {  	s19 =	sadd.s32 $0xEA, s19;
	[sflag:s16] =	ssyncadd.s32 $0xFFFFE780  }
0xbb: {  	[tilespmem:s11], [sflag:$0x2] =	stream.linear.gather [hbm4b:s19+s20], $0x270, $0x38;
	[tilespmem:$0x18CE0] =	vst v63  }
0xbc: {  	s19 =	simm.s32 $0x0  }
0xbd: {  	v2 =	vld [tilespmem:s19+$0x11290]  }
0xbe: {  	v1 =	vld [tilespmem:s19+$0x7F90]  }
0xbf: {  	v3 =	vld [tilespmem:s19+$0x9810]  }
0xc0: {  	v4 =	vld [tilespmem:s19+$0xB090]  }
0xc1: {  	v5 =	vld [tilespmem:s19+$0xC910]  }
0xc2: {  	v6 =	vld [tilespmem:s19+$0xE190]  }
0xc3: {  	v0 =	vld [tilespmem:s19+$0x11260]  }
0xc4: {  	v7 =	vld [tilespmem:s19+$0x7F60]  }
0xc5: {  	v9 =	vld [tilespmem:s19+$0x97E0]  }
0xc6: {  	v10 =	vld [tilespmem:s19+$0xB060]  }
0xc7: {  	v11 =	vld [tilespmem:s19+$0xB070]  }
0xc8: {  	v12 =	vld [tilespmem:s19+$0xB080];
	v8 =	vmul.f32 v1, v2;
	v3 =	vmul.f32 v3, v2  }
0xc9: {  	v4 =	vmul.f32 v4, v2;
	v1 =	vld [tilespmem:s19+$0x11270]  }
0xca: {  	v5 =	vmul.f32 v5, v2;
	v3 =	vmax.f32 v8, v3;
	v8 =	vld [tilespmem:s19+$0x7F70]  }
0xcb: {  	v3 =	vmax.f32 v3, v4;
	v4 =	vmul.f32 v6, v2;
	v6 =	vld [tilespmem:s19+$0x97F0]  }
0xcc: {  	v2 =	vld [tilespmem:s19+$0x11280];
	v3 =	vmax.f32 v3, v5  }
0xcd: {  	v3 =	vmax.f32 v3, v4;
	v4 =	vld [tilespmem:s19+$0x7F80]  }
0xce: {  	[tilespmem:s19+$0x14390] =	vst v3;
	v3 =	vld [tilespmem:s19+$0x9800]  }
0xcf: {  	v13 =	vld [tilespmem:s19+$0xC8E0]  }
0xd0: {  	v14 =	vld [tilespmem:s19+$0xC8F0];
	v5 =	vmul.f32 v7, v0;
	v7 =	vmul.f32 v9, v0  }
0xd1: {  	v15 =	vld [tilespmem:s19+$0xC900];
	v8 =	vmul.f32 v8, v1;
	v6 =	vmul.f32 v6, v1  }
0xd2: {  	v10 =	vmul.f32 v10, v0;
	v11 =	vmul.f32 v11, v1;
	v9 =	vmax.f32 v5, v7;
	v5 =	vld [tilespmem:s19+$0xE160]  }
0xd3: {  	v4 =	vmul.f32 v4, v2;
	v8 =	vmax.f32 v8, v6;
	v6 =	vld [tilespmem:s19+$0xE170];
	v3 =	vmul.f32 v3, v2  }
0xd4: {  	s20 =	simm.s32 $0x40;
	v13 =	vmul.f32 v13, v0;
	v7 =	vld [tilespmem:s19+$0xE180];
	v63 =	vmax.f32 v9, v10;
	v12 =	vmul.f32 v12, v2  }
0xd5: {  	v10 =	vmul.f32 v14, v1;
	v9 =	vmax.f32 v8, v11;
	v4 =	vmax.f32 v4, v3;
	v3 =	vld [tilespmem:s20+$0x11290]  }
0xd6: {  	s21 =	simm.s32 $0x200;
	v11 =	vmul.f32 v15, v2;
	v8 =	vmax.f32 v4, v12;
	v4 =	vld [tilespmem:s20+$0x7F90];
	v12 =	vmax.f32 v63, v13  }
.LBB2_5:
0xd7: {  	p1 =	sne.s32 s21, $0x6100;
	v13 =	vld [tilespmem:s20+$0x9810];
	v0 =	vmul.f32 v5, v0;
	v5 =	vmax.f32 v9, v10  }
0xd8: {  	v9 =	vld [tilespmem:s20+$0xB090];
	v1 =	vmul.f32 v6, v1;
	v6 =	vmax.f32 v8, v11  }
0xd9: {  	v8 =	vld [tilespmem:s20+$0xC910];
	v0 =	vmax.f32 v12, v0;
	v2 =	vmul.f32 v7, v2  }
0xda: {  	v7 =	vld [tilespmem:s20+$0xE190];
	[tilespmem:s19+$0x14360] =	vst v0;
	v1 =	vmax.f32 v5, v1  }
0xdb: {  	v0 =	vld [tilespmem:s20+$0x11260];
	[tilespmem:s19+$0x14370] =	vst v1;
	v1 =	vmax.f32 v6, v2  }
0xdc: {  	v4 =	vmul.f32 v4, v3;
	v2 =	vld [tilespmem:s20+$0x7F60];
	v5 =	vmul.f32 v13, v3;
	[tilespmem:s19+$0x14380] =	vst v1;
	s19 =	smov.u32 s20  }
0xdd: {  	v6 =	vld [tilespmem:s19+$0x97E0];
	v9 =	vmul.f32 v9, v3  }
0xde: {  	v1 =	vld [tilespmem:s19+$0x11270];
	v4 =	vmax.f32 v4, v5;
	v5 =	vmul.f32 v8, v3  }
0xdf: {  	v8 =	vld [tilespmem:s19+$0x7F70];
	v4 =	vmax.f32 v4, v9;
	v3 =	vmul.f32 v7, v3  }
0xe0: {  	v7 =	vld [tilespmem:s19+$0x97F0];
	v4 =	vmax.f32 v4, v5  }
0xe1: {  	v5 =	vmul.f32 v2, v0;
	v2 =	vld [tilespmem:s19+$0x11280];
	v3 =	vmax.f32 v4, v3  }
0xe2: {  	v4 =	vmul.f32 v6, v0;
	v6 =	vld [tilespmem:s19+$0x7F80];
	[tilespmem:s19+$0x14390] =	vst v3  }
0xe3: {  	v3 =	vld [tilespmem:s19+$0x9800]  }
0xe4: {  	v4 =	vmax.f32 v5, v4;
	v5 =	vld [tilespmem:s19+$0xB060];
	v8 =	vmul.f32 v8, v1  }
0xe5: {  	v7 =	vmul.f32 v7, v1;
	v9 =	vld [tilespmem:s19+$0xB070]  }
0xe6: {  	v10 =	vld [tilespmem:s19+$0xB080]  }
0xe7: {  	v11 =	vld [tilespmem:s19+$0xC8E0];
	v7 =	vmax.f32 v8, v7;
	v6 =	vmul.f32 v6, v2  }
0xe8: {  	v8 =	vld [tilespmem:s19+$0xC8F0];
	v3 =	vmul.f32 v3, v2  }
0xe9: {  	v12 =	vmul.f32 v5, v0;
	v13 =	vld [tilespmem:s19+$0xC900]  }
.Ltmp1:
0xea: {  	v5 =	vld [tilespmem:s19+$0xE160];
	v9 =	vmul.f32 v9, v1;
	v14 =	vmax.f32 v6, v3;
	(pc) =	sbr.rel @p1 .LBB2_5-.Ltmp1, $4  }
0xeb: {  	v12 =	vmax.f32 v4, v12;
	v6 =	vld [tilespmem:s19+$0xE170];
	v4 =	vmul.f32 v10, v2  }
0xec: {  	s20 =	sshra.s32 s21, $0x2;
	v11 =	vmul.f32 v11, v0;
	v9 =	vmax.f32 v7, v9;
	v7 =	vld [tilespmem:s19+$0xE180]  }
0xed: {  	v3 =	vld [tilespmem:s20+$0x11290];
	v10 =	vmul.f32 v8, v1;
	v8 =	vmax.f32 v14, v4  }
0xee: {  	s21 =	sadd.s32 $0x100, s21;
	v4 =	vld [tilespmem:s20+$0x7F90];
	v12 =	vmax.f32 v12, v11;
	v11 =	vmul.f32 v13, v2  }
0xef: {  	v13 =	vld [tilespmem:s20+$0x9810];
	v0 =	vmul.f32 v5, v0  }
0xf0: {  	v5 =	vld [tilespmem:s20+$0xB090]  }
0xf1: {  	v14 =	vld [tilespmem:s20+$0xC910];
	v1 =	vmul.f32 v6, v1;
	v0 =	vmax.f32 v12, v0  }
0xf2: {  	v9 =	vmax.f32 v9, v10;
	v6 =	vld [tilespmem:s20+$0xE190];
	[tilespmem:s19+$0x14360] =	vst v0;
	v0 =	vmul.f32 v7, v2  }
0xf3: {  	v1 =	vmax.f32 v9, v1;
	v7 =	vmax.f32 v8, v11  }
0xf4: {  	v2 =	vld [tilespmem:s20+$0x11260];
	[tilespmem:s19+$0x14370] =	vst v1;
	v0 =	vmax.f32 v7, v0  }
0xf5: {  	v1 =	vld [tilespmem:s20+$0x7F60];
	[tilespmem:s19+$0x14380] =	vst v0  }
0xf6: {  	v7 =	vld [tilespmem:s20+$0x97E0]  }
0xf7: {  	v8 =	vld [tilespmem:s20+$0x11270]  }
0xf8: {  	v9 =	vld [tilespmem:s20+$0x7F70]  }
0xf9: {  	v10 =	vld [tilespmem:s20+$0xB070]  }
0xfa: {  	v0 =	vmul.f32 v4, v3;
	v4 =	vmul.f32 v13, v3;
	v11 =	vld [tilespmem:s20+$0xB080]  }
0xfb: {  	v5 =	vmul.f32 v5, v3;
	v12 =	vld [tilespmem:s20+$0xC8E0]  }
0xfc: {  	v0 =	vmax.f32 v0, v4;
	v4 =	vmul.f32 v14, v3;
	v3 =	vmul.f32 v6, v3;
	v6 =	vld [tilespmem:s20+$0xB060]  }
0xfd: {  	v0 =	vmax.f32 v0, v5;
	v5 =	vld [tilespmem:s20+$0x97F0]  }
0xfe: {  	v0 =	vmax.f32 v0, v4;
	v4 =	vld [tilespmem:s20+$0x11280]  }
0xff: {  	v0 =	vmax.f32 v0, v3;
	v3 =	vld [tilespmem:s20+$0x7F80]  }
0x100: {  	[tilespmem:s20+$0x14390] =	vst v0;
	v0 =	vld [tilespmem:s20+$0x9800]  }
0x101: {  	v15 =	vld [tilespmem:s20+$0xE160]  }
0x102: {  	v13 =	vld [tilespmem:s20+$0xC8F0];
	v1 =	vmul.f32 v1, v2;
	v7 =	vmul.f32 v7, v2  }
0x103: {  	v16 =	vld [tilespmem:s20+$0xE170];
	v9 =	vmul.f32 v9, v8;
	v6 =	vmul.f32 v6, v2  }
0x104: {  	v14 =	vld [tilespmem:s20+$0xC900];
	v5 =	vmul.f32 v5, v8;
	v1 =	vmax.f32 v1, v7;
	v7 =	vmul.f32 v10, v8  }
0x105: {  	v10 =	vld [tilespmem:s20+$0xE180];
	v3 =	vmul.f32 v3, v4;
	v0 =	vmul.f32 v0, v4  }
0x106: {  	v1 =	vmax.f32 v1, v6;
	v6 =	vmul.f32 v12, v2;
	v2 =	vmul.f32 v15, v2  }
0x107: {  	v5 =	vmax.f32 v9, v5;
	v0 =	vmax.f32 v3, v0;
	v3 =	vmul.f32 v11, v4  }
0x108: {  	v5 =	vmax.f32 v5, v7;
	v7 =	vmul.f32 v13, v8;
	v1 =	vmax.f32 v1, v6  }
0x109: {  	v6 =	vmul.f32 v16, v8;
	v0 =	vmax.f32 v0, v3;
	v3 =	vmul.f32 v14, v4  }
0x10a: {  	v1 =	vmax.f32 v1, v2;
	v5 =	vmax.f32 v5, v7;
	v2 =	vmul.f32 v10, v4  }
0x10b: {  	[tilespmem:s20+$0x14360] =	vst v1;
	v1 =	vmax.f32 v5, v6;
	v0 =	vmax.f32 v0, v3  }
0x10c: {  	[tilespmem:s20+$0x14370] =	vst v1;
	v0 =	vmax.f32 v0, v2  }
0x10d: {  	[tilespmem:s20+$0x14380] =	vst v0  }
0x10e: {  	_ =	swait.ge [sflag:s25], $0x270  }
0x10f: {  	[sflag:s25] =	ssyncset.done $0x0  }
0x110: {  	[sflag:s25] =	ssyncadd.s32 $0xFFFFFD90  }
0x111: {  	[tilespmem:s26], [sflag:$0x4] =	stream.indirect.gather [hbm4b:s6+s13], $0x40, s11, s13, $0xb8;
	[tilespmem:$0x18CE0] =	vst v63  }
0x112: {  	_ = 	snop  }
0x113: {  	[tilespmem:s29], [sflag:$0x4] =	stream.indirect.gather [hbm4b:s6+s13], $0x40, s28, s13, $0xb8;
	[tilespmem:$0x18CE0] =	vst v63  }
0x114: {  	_ = 	snop  }
0x115: {  	[tilespmem:s31], [sflag:$0x4] =	stream.indirect.gather [hbm4b:s6+s13], $0x40, s30, s13, $0xb8;
	[tilespmem:$0x18CE0] =	vst v63  }
0x116: {  	_ = 	snop  }
0x117: {  	[tilespmem:s0], [sflag:$0x4] =	stream.indirect.gather [hbm4b:s6+s13], $0x40, s1, s13, $0xb8;
	[tilespmem:$0x18CE0] =	vst v63  }
0x118: {  	_ = 	snop  }
0x119: {  	[tilespmem:s10], [sflag:$0x4] =	stream.indirect.gather [hbm4b:s6+s13], $0x40, s9, s13, $0xb8;
	[tilespmem:$0x18CE0] =	vst v63  }
0x11a: {  	s22 =	smul.u32 $0x620, s18  }
0x11b: {  	[tilespmem:s14], [sflag:$0x4] =	stream.indirect.gather [hbm4b:s8+s13], $0x40, s7, s13, $0xb8;
	[tilespmem:$0x18CE0] =	vst v63  }
0x11c: {  	s23 =	simm.s32 $0x12AE0;
	s19 =	sadd.s32 s2, s22  }
0x11d: {  	[hbm4b:s19+s3] =	stream.linear.scatter [tilespmem:s23], [sflag:$0x5], $0x3100, $0x38;
	[tilespmem:$0x18CE0] =	vst v63  }
0x11e: {  	s19 =	simm.s32 @!p0 $0x6  }
0x11f: {  	_ =	swait.ge @!p0 [sflag:s19], $0x3100  }
0x120: {  	[sflag:s19] =	ssyncset.done @!p0 $0x0  }
0x121: {  	[sflag:s19] =	ssyncadd.s32 @!p0 $0xFFFFCF00  }
0x122: {  	_ =	swait.ge [sflag:s15], $0x1880  }
0x123: {  	[sflag:s15] =	ssyncset.done $0x0  }
0x124: {  	[sflag:s15] =	ssyncadd.s32 $0xFFFFE780  }
0x125: {  	_ =	swait.ge [sflag:s15], $0x1880  }
0x126: {  	[sflag:s15] =	ssyncset.done $0x0  }
0x127: {  	[sflag:s15] =	ssyncadd.s32 $0xFFFFE780  }
0x128: {  	_ =	swait.ge [sflag:s15], $0x1880  }
0x129: {  	[sflag:s15] =	ssyncset.done $0x0  }
0x12a: {  	[sflag:s15] =	ssyncadd.s32 $0xFFFFE780  }
0x12b: {  	_ =	swait.ge [sflag:s15], $0x1880  }
0x12c: {  	[sflag:s15] =	ssyncset.done $0x0  }
0x12d: {  	[sflag:s15] =	ssyncadd.s32 $0xFFFFE780  }
0x12e: {  	s18 =	sor.u32 $0x1, s18;
	p0 =	seq.s32 s17, $0xF;
	_ =	swait.ge [sflag:s15], $0x1880  }
0x12f: {  	s19 =	smul.u32 @!p0 $0x4E0, s18;
	[sflag:s15] =	ssyncset.done $0x0  }
0x130: {  	[sflag:s15] =	ssyncadd.s32 $0xFFFFE780  }
0x131: {  	s19 =	sshrl.u32 @!p0 s19, $0x3;
	_ =	swait.ge [sflag:s15], $0x1880  }
0x132: {  	s19 =	sadd.s32 @!p0 s5, s19;
	[sflag:s15] =	ssyncset.done $0x0  }
0x133: {  	s21 =	simm.s32 @!p0 $0x0;
	s20 =	sadd.s32 @!p0 $0x9C, s19;
	[sflag:s15] =	ssyncadd.s32 $0xFFFFE780  }
0x134: {  	[tilespmem:s21], [sflag:$0x1] =	stream.linear.gather @!p0 [hbm4b:s20+s21], $0x270, $0x38;
	[tilespmem:$0x18CE0] =	vst v63  }
0x135: {  	s20 =	simm.s32 $0x0  }
0x136: {  	v2 =	vld [tilespmem:s20+$0xFA10]  }
0x137: {  	v1 =	vld [tilespmem:s20+$0x510]  }
0x138: {  	v3 =	vld [tilespmem:s20+$0x1D90]  }
0x139: {  	v4 =	vld [tilespmem:s20+$0x3610]  }
0x13a: {  	v5 =	vld [tilespmem:s20+$0x4E90]  }
0x13b: {  	v6 =	vld [tilespmem:s20+$0x6710]  }
0x13c: {  	v0 =	vld [tilespmem:s20+$0xF9E0]  }
0x13d: {  	v7 =	vld [tilespmem:s20+$0x4E0]  }
0x13e: {  	v9 =	vld [tilespmem:s20+$0x1D60]  }
0x13f: {  	v10 =	vld [tilespmem:s20+$0x35E0]  }
0x140: {  	v11 =	vld [tilespmem:s20+$0x35F0]  }
0x141: {  	v12 =	vld [tilespmem:s20+$0x3600];
	v8 =	vmul.f32 v1, v2;
	v3 =	vmul.f32 v3, v2  }
0x142: {  	v4 =	vmul.f32 v4, v2;
	v1 =	vld [tilespmem:s20+$0xF9F0]  }
0x143: {  	v5 =	vmul.f32 v5, v2;
	v3 =	vmax.f32 v8, v3;
	v8 =	vld [tilespmem:s20+$0x4F0]  }
0x144: {  	v3 =	vmax.f32 v3, v4;
	v4 =	vmul.f32 v6, v2;
	v6 =	vld [tilespmem:s20+$0x1D70]  }
0x145: {  	v2 =	vld [tilespmem:s20+$0xFA00];
	v3 =	vmax.f32 v3, v5  }
0x146: {  	v3 =	vmax.f32 v3, v4;
	v4 =	vld [tilespmem:s20+$0x500]  }
0x147: {  	[tilespmem:s20+$0x15C10] =	vst v3;
	v3 =	vld [tilespmem:s20+$0x1D80]  }
0x148: {  	v13 =	vld [tilespmem:s20+$0x4E60]  }
0x149: {  	v14 =	vld [tilespmem:s20+$0x4E70];
	v5 =	vmul.f32 v7, v0;
	v7 =	vmul.f32 v9, v0  }
0x14a: {  	v15 =	vld [tilespmem:s20+$0x4E80];
	v8 =	vmul.f32 v8, v1;
	v6 =	vmul.f32 v6, v1  }
0x14b: {  	v10 =	vmul.f32 v10, v0;
	v11 =	vmul.f32 v11, v1;
	v9 =	vmax.f32 v5, v7;
	v5 =	vld [tilespmem:s20+$0x66E0]  }
0x14c: {  	v4 =	vmul.f32 v4, v2;
	v8 =	vmax.f32 v8, v6;
	v6 =	vld [tilespmem:s20+$0x66F0];
	v3 =	vmul.f32 v3, v2  }
0x14d: {  	s21 =	simm.s32 $0x40;
	v13 =	vmul.f32 v13, v0;
	v7 =	vld [tilespmem:s20+$0x6700];
	v63 =	vmax.f32 v9, v10;
	v12 =	vmul.f32 v12, v2  }
0x14e: {  	v10 =	vmul.f32 v14, v1;
	v9 =	vmax.f32 v8, v11;
	v4 =	vmax.f32 v4, v3;
	v3 =	vld [tilespmem:s21+$0xFA10]  }
0x14f: {  	s22 =	simm.s32 $0x200;
	v11 =	vmul.f32 v15, v2;
	v8 =	vmax.f32 v4, v12;
	v4 =	vld [tilespmem:s21+$0x510];
	v12 =	vmax.f32 v63, v13  }
.LBB2_7:
0x150: {  	p1 =	sne.s32 s22, $0x6100;
	v13 =	vld [tilespmem:s21+$0x1D90];
	v0 =	vmul.f32 v5, v0;
	v5 =	vmax.f32 v9, v10  }
0x151: {  	v9 =	vld [tilespmem:s21+$0x3610];
	v1 =	vmul.f32 v6, v1;
	v6 =	vmax.f32 v8, v11  }
0x152: {  	v8 =	vld [tilespmem:s21+$0x4E90];
	v0 =	vmax.f32 v12, v0;
	v2 =	vmul.f32 v7, v2  }
0x153: {  	v7 =	vld [tilespmem:s21+$0x6710];
	[tilespmem:s20+$0x15BE0] =	vst v0;
	v1 =	vmax.f32 v5, v1  }
0x154: {  	v0 =	vld [tilespmem:s21+$0xF9E0];
	[tilespmem:s20+$0x15BF0] =	vst v1;
	v1 =	vmax.f32 v6, v2  }
0x155: {  	v4 =	vmul.f32 v4, v3;
	v2 =	vld [tilespmem:s21+$0x4E0];
	v5 =	vmul.f32 v13, v3;
	[tilespmem:s20+$0x15C00] =	vst v1;
	s20 =	smov.u32 s21  }
0x156: {  	v6 =	vld [tilespmem:s20+$0x1D60];
	v9 =	vmul.f32 v9, v3  }
0x157: {  	v1 =	vld [tilespmem:s20+$0xF9F0];
	v4 =	vmax.f32 v4, v5;
	v5 =	vmul.f32 v8, v3  }
0x158: {  	v8 =	vld [tilespmem:s20+$0x4F0];
	v4 =	vmax.f32 v4, v9;
	v3 =	vmul.f32 v7, v3  }
0x159: {  	v7 =	vld [tilespmem:s20+$0x1D70];
	v4 =	vmax.f32 v4, v5  }
0x15a: {  	v5 =	vmul.f32 v2, v0;
	v2 =	vld [tilespmem:s20+$0xFA00];
	v3 =	vmax.f32 v4, v3  }
0x15b: {  	v4 =	vmul.f32 v6, v0;
	v6 =	vld [tilespmem:s20+$0x500];
	[tilespmem:s20+$0x15C10] =	vst v3  }
0x15c: {  	v3 =	vld [tilespmem:s20+$0x1D80]  }
0x15d: {  	v4 =	vmax.f32 v5, v4;
	v5 =	vld [tilespmem:s20+$0x35E0];
	v8 =	vmul.f32 v8, v1  }
0x15e: {  	v7 =	vmul.f32 v7, v1;
	v9 =	vld [tilespmem:s20+$0x35F0]  }
0x15f: {  	v10 =	vld [tilespmem:s20+$0x3600]  }
0x160: {  	v11 =	vld [tilespmem:s20+$0x4E60];
	v7 =	vmax.f32 v8, v7;
	v6 =	vmul.f32 v6, v2  }
0x161: {  	v8 =	vld [tilespmem:s20+$0x4E70];
	v3 =	vmul.f32 v3, v2  }
0x162: {  	v12 =	vmul.f32 v5, v0;
	v13 =	vld [tilespmem:s20+$0x4E80]  }
.Ltmp2:
0x163: {  	v5 =	vld [tilespmem:s20+$0x66E0];
	v9 =	vmul.f32 v9, v1;
	v14 =	vmax.f32 v6, v3;
	(pc) =	sbr.rel @p1 .LBB2_7-.Ltmp2, $4  }
0x164: {  	v12 =	vmax.f32 v4, v12;
	v6 =	vld [tilespmem:s20+$0x66F0];
	v4 =	vmul.f32 v10, v2  }
0x165: {  	s21 =	sshra.s32 s22, $0x2;
	v11 =	vmul.f32 v11, v0;
	v9 =	vmax.f32 v7, v9;
	v7 =	vld [tilespmem:s20+$0x6700]  }
0x166: {  	v3 =	vld [tilespmem:s21+$0xFA10];
	v10 =	vmul.f32 v8, v1;
	v8 =	vmax.f32 v14, v4  }
0x167: {  	s22 =	sadd.s32 $0x100, s22;
	v4 =	vld [tilespmem:s21+$0x510];
	v12 =	vmax.f32 v12, v11;
	v11 =	vmul.f32 v13, v2  }
0x168: {  	v13 =	vld [tilespmem:s21+$0x1D90];
	v0 =	vmul.f32 v5, v0  }
0x169: {  	v5 =	vld [tilespmem:s21+$0x3610]  }
0x16a: {  	v14 =	vld [tilespmem:s21+$0x4E90];
	v1 =	vmul.f32 v6, v1;
	v0 =	vmax.f32 v12, v0  }
0x16b: {  	v9 =	vmax.f32 v9, v10;
	v6 =	vld [tilespmem:s21+$0x6710];
	[tilespmem:s20+$0x15BE0] =	vst v0;
	v0 =	vmul.f32 v7, v2  }
0x16c: {  	v1 =	vmax.f32 v9, v1;
	v7 =	vmax.f32 v8, v11  }
0x16d: {  	v2 =	vld [tilespmem:s21+$0xF9E0];
	[tilespmem:s20+$0x15BF0] =	vst v1;
	v0 =	vmax.f32 v7, v0  }
0x16e: {  	v1 =	vld [tilespmem:s21+$0x4E0];
	[tilespmem:s20+$0x15C00] =	vst v0  }
0x16f: {  	v7 =	vld [tilespmem:s21+$0x1D60]  }
0x170: {  	v8 =	vld [tilespmem:s21+$0xF9F0]  }
0x171: {  	v9 =	vld [tilespmem:s21+$0x4F0]  }
0x172: {  	v10 =	vld [tilespmem:s21+$0x35F0]  }
0x173: {  	v0 =	vmul.f32 v4, v3;
	v4 =	vmul.f32 v13, v3;
	v11 =	vld [tilespmem:s21+$0x3600]  }
0x174: {  	v5 =	vmul.f32 v5, v3;
	v12 =	vld [tilespmem:s21+$0x4E60]  }
0x175: {  	v0 =	vmax.f32 v0, v4;
	v4 =	vmul.f32 v14, v3;
	v3 =	vmul.f32 v6, v3;
	v6 =	vld [tilespmem:s21+$0x35E0]  }
0x176: {  	v0 =	vmax.f32 v0, v5;
	v5 =	vld [tilespmem:s21+$0x1D70]  }
0x177: {  	v0 =	vmax.f32 v0, v4;
	v4 =	vld [tilespmem:s21+$0xFA00]  }
0x178: {  	v0 =	vmax.f32 v0, v3;
	v3 =	vld [tilespmem:s21+$0x500]  }
0x179: {  	[tilespmem:s21+$0x15C10] =	vst v0;
	v0 =	vld [tilespmem:s21+$0x1D80]  }
0x17a: {  	v15 =	vld [tilespmem:s21+$0x66E0]  }
0x17b: {  	v13 =	vld [tilespmem:s21+$0x4E70];
	v1 =	vmul.f32 v1, v2;
	v7 =	vmul.f32 v7, v2  }
0x17c: {  	v16 =	vld [tilespmem:s21+$0x66F0];
	v9 =	vmul.f32 v9, v8;
	v6 =	vmul.f32 v6, v2  }
0x17d: {  	v14 =	vld [tilespmem:s21+$0x4E80];
	v5 =	vmul.f32 v5, v8;
	v1 =	vmax.f32 v1, v7;
	v7 =	vmul.f32 v10, v8  }
0x17e: {  	v10 =	vld [tilespmem:s21+$0x6700];
	v3 =	vmul.f32 v3, v4;
	v0 =	vmul.f32 v0, v4  }
0x17f: {  	v1 =	vmax.f32 v1, v6;
	v6 =	vmul.f32 v12, v2;
	v2 =	vmul.f32 v15, v2  }
0x180: {  	v5 =	vmax.f32 v9, v5;
	v0 =	vmax.f32 v3, v0;
	v3 =	vmul.f32 v11, v4  }
0x181: {  	v5 =	vmax.f32 v5, v7;
	v7 =	vmul.f32 v13, v8;
	v1 =	vmax.f32 v1, v6  }
0x182: {  	v6 =	vmul.f32 v16, v8;
	v0 =	vmax.f32 v0, v3;
	v3 =	vmul.f32 v14, v4  }
0x183: {  	v1 =	vmax.f32 v1, v2;
	v5 =	vmax.f32 v5, v7;
	v2 =	vmul.f32 v10, v4  }
0x184: {  	[tilespmem:s21+$0x15BE0] =	vst v1;
	v1 =	vmax.f32 v5, v6;
	v0 =	vmax.f32 v0, v3  }
0x185: {  	[tilespmem:s21+$0x15BF0] =	vst v1;
	v0 =	vmax.f32 v0, v2  }
0x186: {  	s20 =	simm.s32 @!p0 $0x1;
	[tilespmem:s21+$0x15C00] =	vst v0  }
0x187: {  	_ =	swait.ge @!p0 [sflag:s20], $0x270  }
0x188: {  	s22 =	simm.s32 @!p0 $0x4E0;
	[sflag:s20] =	ssyncset.done @!p0 $0x0  }
0x189: {  	s21 =	simm.s32 @!p0 $0x0;
	[sflag:s20] =	ssyncadd.s32 @!p0 $0xFFFFFD90;
	s20 =	simm.s32 @!p0 $0x62  }
0x18a: {  	[tilespmem:s22], [sflag:$0x3] =	stream.indirect.gather @!p0 [hbm4b:s6+s20], $0x40, s21, s20, $0xb8;
	[tilespmem:$0x18CE0] =	vst v63  }
0x18b: {  	s23 =	simm.s32 @!p0 $0x1D60;
	s22 =	simm.s32 @!p0 $0x68  }
0x18c: {  	[tilespmem:s23], [sflag:$0x3] =	stream.indirect.gather @!p0 [hbm4b:s6+s20], $0x40, s22, s20, $0xb8;
	[tilespmem:$0x18CE0] =	vst v63  }
0x18d: {  	s22 =	simm.s32 @!p0 $0xD0;
	s23 =	simm.s32 @!p0 $0x35E0  }
0x18e: {  	[tilespmem:s23], [sflag:$0x3] =	stream.indirect.gather @!p0 [hbm4b:s6+s20], $0x40, s22, s20, $0xb8;
	[tilespmem:$0x18CE0] =	vst v63  }
0x18f: {  	s22 =	simm.s32 @!p0 $0x138;
	s23 =	simm.s32 @!p0 $0x4E60  }
0x190: {  	[tilespmem:s23], [sflag:$0x3] =	stream.indirect.gather @!p0 [hbm4b:s6+s20], $0x40, s22, s20, $0xb8;
	[tilespmem:$0x18CE0] =	vst v63  }
0x191: {  	s22 =	simm.s32 @!p0 $0x1A0;
	s23 =	simm.s32 @!p0 $0x66E0  }
0x192: {  	[tilespmem:s23], [sflag:$0x3] =	stream.indirect.gather @!p0 [hbm4b:s6+s20], $0x40, s22, s20, $0xb8;
	[tilespmem:$0x18CE0] =	vst v63  }
0x193: {  	s22 =	simm.s32 @!p0 $0x208;
	s23 =	simm.s32 @!p0 $0xF9E0  }
0x194: {  	[tilespmem:s23], [sflag:$0x3] =	stream.indirect.gather @!p0 [hbm4b:s8+s20], $0x40, s22, s20, $0xb8;
	[tilespmem:$0x18CE0] =	vst v63  }
0x195: {  	_ =	swait.ge [sflag:s16], $0x1880  }
0x196: {  	[sflag:s16] =	ssyncset.done $0x0  }
0x197: {  	[sflag:s16] =	ssyncadd.s32 $0xFFFFE780  }
0x198: {  	_ =	swait.ge [sflag:s16], $0x1880  }
0x199: {  	[sflag:s16] =	ssyncset.done $0x0  }
0x19a: {  	[sflag:s16] =	ssyncadd.s32 $0xFFFFE780  }
0x19b: {  	_ =	swait.ge [sflag:s16], $0x1880  }
0x19c: {  	[sflag:s16] =	ssyncset.done $0x0  }
0x19d: {  	[sflag:s16] =	ssyncadd.s32 $0xFFFFE780  }
0x19e: {  	_ =	swait.ge [sflag:s16], $0x1880  }
0x19f: {  	[sflag:s16] =	ssyncset.done $0x0  }
0x1a0: {  	[sflag:s16] =	ssyncadd.s32 $0xFFFFE780  }
0x1a1: {  	_ =	swait.ge [sflag:s16], $0x1880  }
0x1a2: {  	[sflag:s16] =	ssyncset.done $0x0  }
0x1a3: {  	[sflag:s16] =	ssyncadd.s32 $0xFFFFE780  }
0x1a4: {  	_ =	swait.ge [sflag:s16], $0x1880  }
0x1a5: {  	[sflag:s16] =	ssyncset.done $0x0  }
0x1a6: {  	s19 =	sadd.s32 @!p0 $0xEA, s19;
	s20 =	simm.s32 @!p0 $0x270;
	[sflag:s16] =	ssyncadd.s32 $0xFFFFE780  }
0x1a7: {  	[tilespmem:s20], [sflag:$0x2] =	stream.linear.gather @!p0 [hbm4b:s19+s21], $0x270, $0x38;
	[tilespmem:$0x18CE0] =	vst v63  }
0x1a8: {  	s19 =	simm.s32 $0x0  }
0x1a9: {  	v2 =	vld [tilespmem:s19+$0x11290]  }
0x1aa: {  	v1 =	vld [tilespmem:s19+$0x7F90]  }
0x1ab: {  	v3 =	vld [tilespmem:s19+$0x9810]  }
0x1ac: {  	v4 =	vld [tilespmem:s19+$0xB090]  }
0x1ad: {  	v5 =	vld [tilespmem:s19+$0xC910]  }
0x1ae: {  	v6 =	vld [tilespmem:s19+$0xE190]  }
0x1af: {  	v0 =	vld [tilespmem:s19+$0x11260]  }
0x1b0: {  	v7 =	vld [tilespmem:s19+$0x7F60]  }
0x1b1: {  	v9 =	vld [tilespmem:s19+$0x97E0]  }
0x1b2: {  	v10 =	vld [tilespmem:s19+$0xB060]  }
0x1b3: {  	v11 =	vld [tilespmem:s19+$0xB070]  }
0x1b4: {  	v12 =	vld [tilespmem:s19+$0xB080];
	v8 =	vmul.f32 v1, v2;
	v3 =	vmul.f32 v3, v2  }
0x1b5: {  	v4 =	vmul.f32 v4, v2;
	v1 =	vld [tilespmem:s19+$0x11270]  }
0x1b6: {  	v5 =	vmul.f32 v5, v2;
	v3 =	vmax.f32 v8, v3;
	v8 =	vld [tilespmem:s19+$0x7F70]  }
0x1b7: {  	v3 =	vmax.f32 v3, v4;
	v4 =	vmul.f32 v6, v2;
	v6 =	vld [tilespmem:s19+$0x97F0]  }
0x1b8: {  	v2 =	vld [tilespmem:s19+$0x11280];
	v3 =	vmax.f32 v3, v5  }
0x1b9: {  	v3 =	vmax.f32 v3, v4;
	v4 =	vld [tilespmem:s19+$0x7F80]  }
0x1ba: {  	[tilespmem:s19+$0x17490] =	vst v3;
	v3 =	vld [tilespmem:s19+$0x9800]  }
0x1bb: {  	v13 =	vld [tilespmem:s19+$0xC8E0]  }
0x1bc: {  	v14 =	vld [tilespmem:s19+$0xC8F0];
	v5 =	vmul.f32 v7, v0;
	v7 =	vmul.f32 v9, v0  }
0x1bd: {  	v15 =	vld [tilespmem:s19+$0xC900];
	v8 =	vmul.f32 v8, v1;
	v6 =	vmul.f32 v6, v1  }
0x1be: {  	v10 =	vmul.f32 v10, v0;
	v11 =	vmul.f32 v11, v1;
	v9 =	vmax.f32 v5, v7;
	v5 =	vld [tilespmem:s19+$0xE160]  }
0x1bf: {  	v4 =	vmul.f32 v4, v2;
	v8 =	vmax.f32 v8, v6;
	v6 =	vld [tilespmem:s19+$0xE170];
	v3 =	vmul.f32 v3, v2  }
0x1c0: {  	s20 =	simm.s32 $0x40;
	v13 =	vmul.f32 v13, v0;
	v7 =	vld [tilespmem:s19+$0xE180];
	v63 =	vmax.f32 v9, v10;
	v12 =	vmul.f32 v12, v2  }
0x1c1: {  	v10 =	vmul.f32 v14, v1;
	v9 =	vmax.f32 v8, v11;
	v4 =	vmax.f32 v4, v3;
	v3 =	vld [tilespmem:s20+$0x11290]  }
0x1c2: {  	s21 =	simm.s32 $0x200;
	v11 =	vmul.f32 v15, v2;
	v8 =	vmax.f32 v4, v12;
	v4 =	vld [tilespmem:s20+$0x7F90];
	v12 =	vmax.f32 v63, v13  }
.LBB2_9:
0x1c3: {  	p1 =	sne.s32 s21, $0x6100;
	v13 =	vld [tilespmem:s20+$0x9810];
	v0 =	vmul.f32 v5, v0;
	v5 =	vmax.f32 v9, v10  }
0x1c4: {  	v9 =	vld [tilespmem:s20+$0xB090];
	v1 =	vmul.f32 v6, v1;
	v6 =	vmax.f32 v8, v11  }
0x1c5: {  	v8 =	vld [tilespmem:s20+$0xC910];
	v0 =	vmax.f32 v12, v0;
	v2 =	vmul.f32 v7, v2  }
0x1c6: {  	v7 =	vld [tilespmem:s20+$0xE190];
	[tilespmem:s19+$0x17460] =	vst v0;
	v1 =	vmax.f32 v5, v1  }
0x1c7: {  	v0 =	vld [tilespmem:s20+$0x11260];
	[tilespmem:s19+$0x17470] =	vst v1;
	v1 =	vmax.f32 v6, v2  }
0x1c8: {  	v4 =	vmul.f32 v4, v3;
	v2 =	vld [tilespmem:s20+$0x7F60];
	v5 =	vmul.f32 v13, v3;
	[tilespmem:s19+$0x17480] =	vst v1;
	s19 =	smov.u32 s20  }
0x1c9: {  	v6 =	vld [tilespmem:s19+$0x97E0];
	v9 =	vmul.f32 v9, v3  }
0x1ca: {  	v1 =	vld [tilespmem:s19+$0x11270];
	v4 =	vmax.f32 v4, v5;
	v5 =	vmul.f32 v8, v3  }
0x1cb: {  	v8 =	vld [tilespmem:s19+$0x7F70];
	v4 =	vmax.f32 v4, v9;
	v3 =	vmul.f32 v7, v3  }
0x1cc: {  	v7 =	vld [tilespmem:s19+$0x97F0];
	v4 =	vmax.f32 v4, v5  }
0x1cd: {  	v5 =	vmul.f32 v2, v0;
	v2 =	vld [tilespmem:s19+$0x11280];
	v3 =	vmax.f32 v4, v3  }
0x1ce: {  	v4 =	vmul.f32 v6, v0;
	v6 =	vld [tilespmem:s19+$0x7F80];
	[tilespmem:s19+$0x17490] =	vst v3  }
0x1cf: {  	v3 =	vld [tilespmem:s19+$0x9800]  }
0x1d0: {  	v4 =	vmax.f32 v5, v4;
	v5 =	vld [tilespmem:s19+$0xB060];
	v8 =	vmul.f32 v8, v1  }
0x1d1: {  	v7 =	vmul.f32 v7, v1;
	v9 =	vld [tilespmem:s19+$0xB070]  }
0x1d2: {  	v10 =	vld [tilespmem:s19+$0xB080]  }
0x1d3: {  	v11 =	vld [tilespmem:s19+$0xC8E0];
	v7 =	vmax.f32 v8, v7;
	v6 =	vmul.f32 v6, v2  }
0x1d4: {  	v8 =	vld [tilespmem:s19+$0xC8F0];
	v3 =	vmul.f32 v3, v2  }
0x1d5: {  	v12 =	vmul.f32 v5, v0;
	v13 =	vld [tilespmem:s19+$0xC900]  }
.Ltmp3:
0x1d6: {  	v5 =	vld [tilespmem:s19+$0xE160];
	v9 =	vmul.f32 v9, v1;
	v14 =	vmax.f32 v6, v3;
	(pc) =	sbr.rel @p1 .LBB2_9-.Ltmp3, $4  }
0x1d7: {  	v12 =	vmax.f32 v4, v12;
	v6 =	vld [tilespmem:s19+$0xE170];
	v4 =	vmul.f32 v10, v2  }
0x1d8: {  	s20 =	sshra.s32 s21, $0x2;
	v11 =	vmul.f32 v11, v0;
	v9 =	vmax.f32 v7, v9;
	v7 =	vld [tilespmem:s19+$0xE180]  }
0x1d9: {  	v3 =	vld [tilespmem:s20+$0x11290];
	v10 =	vmul.f32 v8, v1;
	v8 =	vmax.f32 v14, v4  }
0x1da: {  	s21 =	sadd.s32 $0x100, s21;
	v4 =	vld [tilespmem:s20+$0x7F90];
	v12 =	vmax.f32 v12, v11;
	v11 =	vmul.f32 v13, v2  }
0x1db: {  	v13 =	vld [tilespmem:s20+$0x9810];
	v0 =	vmul.f32 v5, v0  }
0x1dc: {  	v33 =	vld [tilespmem:s20+$0xB090];
	v1 =	vmul.f32 v6, v1  }
0x1dd: {  	v14 =	vld [tilespmem:s20+$0xC910];
	v9 =	vmax.f32 v9, v10;
	v0 =	vmax.f32 v12, v0;
	v35 =	vmul.f32 v7, v2  }
0x1de: {  	v34 =	vld [tilespmem:s20+$0xE190];
	v37 =	vmax.f32 v8, v11;
	[tilespmem:s19+$0x17460] =	vst v0;
	v1 =	vmax.f32 v9, v1  }
0x1df: {  	v36 =	vld [tilespmem:s20+$0x11260];
	[tilespmem:s19+$0x17470] =	vst v1;
	v0 =	vmax.f32 v37, v35  }
0x1e0: {  	v1 =	vld [tilespmem:s20+$0x7F60];
	[tilespmem:s19+$0x17480] =	vst v0  }
0x1e1: {  	v40 =	vld [tilespmem:s20+$0x97E0]  }
0x1e2: {  	v41 =	vld [tilespmem:s20+$0x11270]  }
0x1e3: {  	v43 =	vld [tilespmem:s20+$0x7F70]  }
0x1e4: {  	v45 =	vld [tilespmem:s20+$0x97F0]  }
0x1e5: {  	v46 =	vld [tilespmem:s20+$0x11280]  }
0x1e6: {  	v47 =	vld [tilespmem:s20+$0x7F80]  }
0x1e7: {  	v48 =	vld [tilespmem:s20+$0x9800]  }
0x1e8: {  	v49 =	vld [tilespmem:s20+$0xB060]  }
0x1e9: {  	v50 =	vld [tilespmem:s20+$0xB070]  }
0x1ea: {  	v38 =	vmul.f32 v4, v3;
	v39 =	vmul.f32 v13, v3;
	v51 =	vld [tilespmem:s20+$0xB080]  }
0x1eb: {  	v5 =	vmul.f32 v33, v3;
	v52 =	vld [tilespmem:s20+$0xC8E0]  }
0x1ec: {  	v42 =	vmul.f32 v14, v3;
	v53 =	vld [tilespmem:s20+$0xC8F0];
	v0 =	vmax.f32 v38, v39  }
0x1ed: {  	v44 =	vmul.f32 v34, v3;
	v54 =	vld [tilespmem:s20+$0xC900];
	v0 =	vmax.f32 v0, v5  }
0x1ee: {  	v15 =	vld [tilespmem:s20+$0xE160];
	v0 =	vmax.f32 v0, v42;
	v1 =	vmul.f32 v1, v36;
	v7 =	vmul.f32 v40, v36  }
0x1ef: {  	v16 =	vld [tilespmem:s20+$0xE170];
	v0 =	vmax.f32 v0, v44;
	v9 =	vmul.f32 v43, v41;
	v5 =	vmul.f32 v45, v41  }
0x1f0: {  	v56 =	vld [tilespmem:s20+$0xE180];
	[tilespmem:s20+$0x17490] =	vst v0;
	v3 =	vmul.f32 v47, v46;
	v0 =	vmul.f32 v48, v46  }
0x1f1: {  	v6 =	vmul.f32 v49, v36;
	v55 =	vmul.f32 v50, v41  }
0x1f2: {  	v57 =	vmul.f32 v51, v46;
	v58 =	vmul.f32 v52, v36  }
0x1f3: {  	v59 =	vmul.f32 v53, v41;
	v2 =	vmul.f32 v15, v36  }
0x1f4: {  	v60 =	vmul.f32 v54, v46;
	v61 =	vmul.f32 v16, v41;
	v1 =	vmax.f32 v1, v7  }
0x1f5: {  	v62 =	vmul.f32 v56, v46;
	v5 =	vmax.f32 v9, v5;
	v1 =	vmax.f32 v1, v6  }
0x1f6: {  	v0 =	vmax.f32 v3, v0;
	v5 =	vmax.f32 v5, v55;
	v1 =	vmax.f32 v1, v58  }
0x1f7: {  	v0 =	vmax.f32 v0, v57;
	v5 =	vmax.f32 v5, v59;
	v1 =	vmax.f32 v1, v2  }
0x1f8: {  	v0 =	vmax.f32 v0, v60;
	v63 =	vmax.f32 v5, v61;
	[tilespmem:s20+$0x17460] =	vst v1  }
0x1f9: {  	v0 =	vmax.f32 v0, v62;
	[tilespmem:s20+$0x17470] =	vst v63  }
0x1fa: {  	s19 =	simm.s32 @!p0 $0x2;
	[tilespmem:s20+$0x17480] =	vst v0  }
0x1fb: {  	_ =	swait.ge @!p0 [sflag:s19], $0x270  }
0x1fc: {  	s21 =	simm.s32 @!p0 $0x7F60;
	[sflag:s19] =	ssyncset.done @!p0 $0x0  }
0x1fd: {  	s20 =	simm.s32 @!p0 $0x270;
	[sflag:s19] =	ssyncadd.s32 @!p0 $0xFFFFFD90;
	s19 =	simm.s32 @!p0 $0x62  }
0x1fe: {  	[tilespmem:s21], [sflag:$0x4] =	stream.indirect.gather @!p0 [hbm4b:s6+s19], $0x40, s20, s19, $0xb8;
	[tilespmem:$0x18CE0] =	vst v63  }
0x1ff: {  	s20 =	simm.s32 @!p0 $0x2D8;
	s21 =	simm.s32 @!p0 $0x97E0  }
0x200: {  	[tilespmem:s21], [sflag:$0x4] =	stream.indirect.gather @!p0 [hbm4b:s6+s19], $0x40, s20, s19, $0xb8;
	[tilespmem:$0x18CE0] =	vst v63  }
0x201: {  	s20 =	simm.s32 @!p0 $0x340;
	s21 =	simm.s32 @!p0 $0xB060  }
0x202: {  	[tilespmem:s21], [sflag:$0x4] =	stream.indirect.gather @!p0 [hbm4b:s6+s19], $0x40, s20, s19, $0xb8;
	[tilespmem:$0x18CE0] =	vst v63  }
0x203: {  	s20 =	simm.s32 @!p0 $0x3A8;
	s21 =	simm.s32 @!p0 $0xC8E0  }
0x204: {  	[tilespmem:s21], [sflag:$0x4] =	stream.indirect.gather @!p0 [hbm4b:s6+s19], $0x40, s20, s19, $0xb8;
	[tilespmem:$0x18CE0] =	vst v63  }
0x205: {  	s20 =	simm.s32 @!p0 $0x410;
	s21 =	simm.s32 @!p0 $0xE160  }
0x206: {  	[tilespmem:s21], [sflag:$0x4] =	stream.indirect.gather @!p0 [hbm4b:s6+s19], $0x40, s20, s19, $0xb8;
	[tilespmem:$0x18CE0] =	vst v63  }
0x207: {  	s17 =	sadd.s32 $0x1, s17;
	s20 =	simm.s32 @!p0 $0x478;
	s21 =	simm.s32 @!p0 $0x11260  }
0x208: {  	[tilespmem:s21], [sflag:$0x4] =	stream.indirect.gather @!p0 [hbm4b:s8+s19], $0x40, s20, s19, $0xb8;
	[tilespmem:$0x18CE0] =	vst v63  }
0x209: {  	p0 =	sne.s32 s17, $0x10  }
.Ltmp4:
0x20a: {  	_ = 	snop;
	(pc) =	sbr.rel @p0 .LBB2_2-.Ltmp4, $3  }
0x20b: {  	s18 =	smul.u32 $0x620, s18;
	_ =	sdelay $0x1  }
0x20c: {  	s23 =	simm.s32 $0x15BE0;
	s18 =	sadd.s32 s2, s18  }
0x20d: {  	[hbm4b:s18+s3] =	stream.linear.scatter [tilespmem:s23], [sflag:$0x6], $0x3100, $0x38;
	[tilespmem:$0x18CE0] =	vst v63  }
0x20e: {  	s17 =	simm.s32 $0x5  }
0x20f: {  	_ =	swait.ge [sflag:s17], $0x3100  }
0x210: {  	[sflag:s17] =	ssyncset.done $0x0  }
0x211: {  	s18 =	simm.s32 $0x6;
	[sflag:s17] =	ssyncadd.s32 $0xFFFFCF00  }
0x212: {  	_ =	swait.ge [sflag:s18], $0x3100  }
0x213: {  	s19 =	rddreg [dreg:$0x6]  }
0x214: {  	s23 =	rddreg [dreg:$0x5];
	s19 =	sadd.s32 $0x1, s19  }
0x215: {  	p0 =	sne.s32 s19, s23  }
.Ltmp5:
0x216: {  	_ = 	snop;
	(pc) =	sbr.rel @p0 .LBB2_1-.Ltmp5, $3  }
0x217: {  	_ =	sdelay $0x1  }
0x218: {  	[sflag:s18] =	ssyncset.done $0x0  }
0x219: {  	[sflag:s18] =	ssyncadd.s32 $0xFFFFCF00  }
0x21a: {  	_ =	sfence.sel $0x180000  }
0x21b: {  	[bflag:$0x0] =	sbarrier.arrive $0xFFFF  }
0x21c: {  	_ =	strace $0x90000047  }
0x21d: {  	s0 =	stileid.u32;
	[bflag:$0x2] =	sbarrier.arrive $0xFFFF  }
0x21e: {  	p0 =	sne.s32 s0, $0x0;
	s0 =	rddreg [dreg:$0x2]  }
0x21f: {  	s0 =	sadd.s32 @!p0 $0x100000, s0  }
0x220: {  	[sflag:s0] =	ssyncadd.tile.s32 @!p0 $0x1;
	_ =	shalt  }
.Lfunc_end2:
_tile_overlayer_lowered:
.L_overlay_start_2:
0x221: {  	(tag) =	ssettag $0x2  }
0x222: {  	s0 =	rddreg [dreg:$0x0];
	s2 =	stileid.u32  }
0x223: {  	s1 =	rddreg [dreg:$0x1];
	p0 =	sne.s32 s2, $0x0  }
0x224: {  	s3 =	rddreg [dreg:$0x2];
	[bflag:$0x3] =	sbarrier.arrive $0xFFFF;
	s2 =	simm.s32 @!p0 $0x1C07  }
0x225: {  	[timem:s3], [sflag:s2] =	dma.local @!p0 [hbm:s0], s1  }
0x226: {  	s0 =	simm.s32 @!p0 $0x7  }
0x227: {  	_ =	swait.ge @!p0 [sflag:s0], s1  }
0x228: {  	s1 =	ssub.s32 @!p0 $0x0, s1;
	[sflag:s0] =	ssyncset.done @!p0 $0x0  }
0x229: {  	[sflag:s0] =	ssyncadd.s32 @!p0 s1  }
0x22a: {  	[bflag:$0x3] =	sbarrier.arrive $0xFFFF  }
0x22b: {  	_ =	shalt  }

// kernel: sparse-core-data-format-call.cloned.1.call-start
scs
called_computation_lowered:
.L_overlay_start_0:
0x0: {  	s2 =	sld [smem:$0x3FD9]  }
0x1: {  	s3 =	sld [smem:$0x3FFE];
	_ =	sdelay $0x1  }
0x2: {  	s1 =	srdreg.scid  }
0x3: {  	s0 =	sand.u32 $0x1, s1  }
0x4: {  	s18 =	sshll.u32 s0, $0xA;
	s2 =	sadd.s32 s3, s2  }
0x5: {  	s2 =	sadd.s32 s2, s18  }
0x6: {  	[smem:$0x3FC5] =	sst s2  }
0x7: {  	_ = 	snop  }
0x8: {  	s2 =	sld [smem:$0x3FD0];
	(tm) =	ssettm $0x1  }
0x9: {  	s19 =	sld [smem:$0x3FFB];
	_ =	sdelay $0x3  }
0xa: {  	_ =	strace s19  }
0xb: {  	s3 =	sld [smem:$0x3FFC];
	_ =	sdelay $0x3  }
0xc: {  	_ =	strace s3  }
0xd: {  	s3 =	sld [smem:$0x3FFD];
	_ =	sdelay $0x3  }
0xe: {  	_ =	strace s3  }
0xf: {  	_ =	strace $0x8FFFFFFF  }
0x10: {  	s20 =	sld [smem:$0x3FDB];
	_ =	sdelay $0x1  }
0x11: {  	s4 =	simm.s32 $_scs_section_size  }
0x12: {  	s5 =	simm.s32 $_size__tile_overlayer_lowered;
	s6 =	simm.s32 $_tile_overlayer_lowered  }
0x13: {  	s23 =	simm.s32 $0x1BFF;
	s22 =	sshll.u32 s6, $0x1;
	s3 =	sadd.s32 s4, s20  }
0x14: {  	s7 =	simm.s32 $0x0;
	s21 =	sshll.u32 s5, $0x1;
	s5 =	sadd.s32 s22, s3  }
0x15: {  	[timem:s7], [sflag:s23] =	dma.local [hbm:s5], s21  }
0x16: {  	_ =	swait.ge [sflag:s23], s21  }
0x17: {  	s4 =	ssub.s32 $0x0, s21;
	[sflag:s23] =	ssyncset.done $0x0  }
0x18: {  	[sflag:s23] =	ssyncadd.s32 s4;
	_ =	sdelay $0x1  }
0x19: {  	s24 =	simm.s32 $0x1B8B  }
0x1a: {  	_ =	swait.ge [sflag:s24], $0x1  }
0x1b: {  	[sflag:s24] =	ssyncset.done $0x0  }
0x1c: {  	s26 =	simm.s32 $0x1B8E;
	s25 =	sld [smem:$0x3FFE];
	[sflag:s24] =	ssyncadd.s32 $0xFFFFFFFF  }
0x1d: {  	s27 =	simm.s32 $execute0_lowered;
	[smem:$0x3FD2] =	sst s26  }
0x1e: {  	s5 =	sshll.u32 s27, $0x1;
	_ =	strace $0x80000049;
	[dreg:$0x1] =	wrdreg $0xFFFFFFFF  }
0x1f: {  	s28 =	simm.s32 $_size_execute0_lowered;
	s3 =	sadd.s32 s3, s5;
	[dreg:$0x0] =	wrdreg $0x0  }
0x20: {  	s5 =	sshll.u32 s28, $0x1;
	[dreg:$0x2] =	wrdreg s3  }
0x21: {  	[dreg:$0x3] =	wrdreg s5  }
0x22: {  	[dreg:$0x4] =	wrdreg $0xC0  }
0x23: {  	_ =	task [dreg:s7], $0x5FFFF  }
0x24: {  	[dreg:$0x1] =	wrdreg $0xFFFFFFFF  }
0x25: {  	[dreg:$0x0] =	wrdreg $0x60  }
0x26: {  	[dreg:$0x2] =	wrdreg s25  }
0x27: {  	[dreg:$0x3] =	wrdreg s2  }
0x28: {  	[dreg:$0x4] =	wrdreg $0x9  }
0x29: {  	_ =	task.clear_ibuf [dreg:s7], $0x5FFFF;
	_ =	strace $0x90000049  }
0x2a: {  	s29 =	simm.s32 $0x9;
	_ =	strace $0x8000004B  }
0x2b: {  	_ =	swait.ge [sflag:s29], $0x1  }
0x2c: {  	[sflag:s29] =	ssyncadd.s32 $0xFFFFFFFF  }
0x2d: {  	_ =	strace $0x9000004B  }
0x2e: {  	_ =	sfence  }
0x2f: {  	s30 =	sld [smem:$0x0];
	_ =	sdelay $0x2  }
0x30: {  	s31 =	sshll.u32 s1, $0xD;
	s1 =	sshrl.u32 s1, $0x2  }
0x31: {  	s3 =	sand.u32 $0x4000, s31;
	s1 =	sadd.s32 s1, s30  }
0x32: {  	s0 =	sor.u32 s3, s0;
	s1 =	sshll.u32 s1, $0x11  }
0x33: {  	s0 =	sor.u32 s1, s0  }
0x34: {  	s0 =	sadd.s32 $0x8F2B, s0  }
0x35: {  	[sflag:s0] =	ssyncadd.remote.s32 $0x1  }
0x36: {  	_ =	sfence.sel $0xFFFF  }
0x37: {  	[dreg:$0x0] =	wrdreg $0xFFFFFFFF;
	(pc) =	sbr.abs _section_cstart, $3  }
0x38: {  	[dreg:$0x1] =	wrdreg $0xFFFFFFFF  }
0x39: {  	_ =	task.clear_ibuf [dreg:s7], $0x2FFFF;
	_ =	strace $0x9FFFFFFF  }
0x3a: {  	(tm) =	ssettm $0x7FFFFFFF  }
0x3b: {  	_ =	shalt  }
tec
execute0_lowered:
.L_overlay_start_1:
0x0: {  	(tag) =	ssettag $0x1  }
0x1: {  	s0 =	stileid.u32;
	s6 =	rddreg [dreg:$0x0]  }
0x2: {  	s2 =	rddreg [dreg:$0x1];
	s5 =	srdreg.scid  }
0x3: {  	s31 =	simm.s32 $0x2;
	s13 =	simm.s32 $0x0;
	s1 =	sshll.u32 s0, $0x7  }
0x4: {  	s14 =	simm.s32 $0x0;
	s12 =	simm.s32 $0x0;
	s3 =	sand.u32 $0x380, s1  }
0x5: {  	s5 =	sshll.u32 s5, $0x4;
	s6 =	sadd.s32 $0xE00, s6;
	s4 =	ssub.s32 $0x400, s3  }
0x6: {  	s1 =	rddreg [dreg:$0x2];
	_ =	strace $0x8000004A;
	s7 =	sand.u32 $0x380, s4  }
0x7: {  	s5 =	sand.u32 $0x10, s5;
	p0 =	sne.s32 s7, $0x0;
	s7 =	simm.s32 $0x1  }
.Ltmp0:
0x8: {  	s8 =	sshrl.u32 s4, $0xA;
	s7 =	simm.s32 @!p0 $0x0;
	(pc) =	sbr.rel .LBB1_1-.Ltmp0, $4  }
0x9: {  	s9 =	sor.u32 s0, s5;
	s4 =	simm.s32 $0x1;
	s30 =	sadd.s32 s7, s8  }
0xa: {  	s11 =	smov.u32 s3;
	[sflag:s4] =	ssyncpa.u1 $0x0;
	s5 =	smul.u32 $0x31, s30  }
0xb: {  	[sflag:s31] =	ssyncpa.u1 $0x0;
	p0 =	por $0x0, $0x0;
	s7 =	sshrl.u32 s9, $0x3  }
0xc: {  	s9 =	simm.s32 $0x2000;
	s10 =	smov.u32 s7;
	s8 =	sadd.s32 $0x1, s5  }
.LBB1_4:
0xd: {  	s17 =	sand.u32 $0x1F80, s14;
	s13 =	sshll.u32 s13, $0xD  }
0xe: {  	[tilespmem:s16+$0x810 ss:$0x81] =	vst.msk $0xffff, v2;
	s18 =	sshrl.u32 s14, $0x3;
	s31 =	sand.u32 $0x7, s14;
	s17 =	sadd.s32 s2, s17  }
0xf: {  	[tilespmem:s16+$0x1020 ss:$0x81] =	vst.msk $0xffff, v0;
	s18 =	sand.u32 $0xF, s18;
	s14 =	sshll.u32 s31, $0x12;
	s13 =	sadd.s32 s13, s17  }
0x10: {  	[tilespmem:s16+$0x0 ss:$0x81] =	vst.msk $0xffff, v1;
	s14 =	sor.u32 $0x400, s14;
	s13 =	sadd.s32 s18, s13  }
0x11: {  	[hbm4b:s13+s14] =	stream.strided.scatter [tilespmem:s15], [sflag:$0x2], $0x2000, s9, s14, $0x20;
	[tilespmem:$0x8080] =	vst v63  }
.LBB1_5:
0x12: {  	s15 =	sadd.s32 $0x4, s10  }
0x13: {  	s13 =	sadd.s32 $0x400, s11;
	s17 =	smov.u32 s11;
	p2 =	sgt.s32 s15, $0xC3  }
0x14: {  	s17 =	smov.u32 @p2 s13  }
0x15: {  	s15 =	smov.u32 @p2 s7;
	p2 =	sgt.s32 s17, $0x3FF  }
0x16: {  	s17 =	smov.u32 @p2 s3;
	p2 =	sne.s32 s12, s8  }
.Ltmp1:
0x17: {  	p1 =	slt.u32 s12, $0x2;
	(pc) =	sbr.rel @!p2 .LBB1_6-.Ltmp1, $4  }
0x18: {  	s16 =	simm.s32 @!p1 $0x2  }
0x19: {  	s14 =	smov.u32 s11;
	p0 =	por !p0, !p0;
	_ =	swait.ge @!p1 [sflag:s16], $0x2000  }
0x1a: {  	s13 =	smov.u32 s10;
	[sflag:s16] =	ssyncset.done @!p1 $0x0;
	s10 =	smov.u32 s15  }
0x1b: {  	s12 =	sadd.s32 $0x1, s12;
	[sflag:s16] =	ssyncadd.s32 @!p1 $0xFFFFE000;
	s11 =	smov.u32 s17  }
.LBB1_1:
0x1c: {  	p1 =	sge.u32 s12, s5  }
0x1d: {  	s15 =	sand.u32 @!p1 $0x1FFFFFF, s10  }
0x1e: {  	s16 =	smulhi.u32 @!p1 $0x147AE15, s15;
	_ =	sdelay $0x1  }
0x1f: {  	s16 =	smul.u32 @!p1 $0xC8, s16  }
0x20: {  	s17 =	sxor.u32 @!p1 $0xFFFFFFFF, s12;
	s18 =	smul.u32 @!p1 $0xC80, s11  }
0x21: {  	s31 =	sadd.s32 $0xFFFFFFFF, s12;
	s17 =	sshll.u32 @!p1 s17, $0xD;
	s15 =	ssub.s32 @!p1 s15, s16  }
0x22: {  	s16 =	sand.u32 @!p1 $0x2000, s17;
	s17 =	sadd.s32 @!p1 s6, s18;
	s15 =	sshll.u32 @!p1 s15, $0x4  }
0x23: {  	s18 =	simm.s32 @!p1 $0x6400;
	s15 =	sadd.s32 @!p1 s15, s17;
	s17 =	simm.s32 @!p1 $0x40  }
0x24: {  	[tilespmem:s16], [sflag:$0x1] =	stream.strided.gather @!p1 [hbm4b:s15+s17], $0x2000, s18, s17, $0x38;
	[tilespmem:$0x8080] =	vst v63  }
0x25: {  	p1 =	sge.u32 s31, s5  }
.Ltmp2:
0x26: {  	_ = 	snop;
	(pc) =	sbr.rel @p1 .LBB1_5-.Ltmp2, $1  }
0x27: {  	_ =	sdelay $0x3  }
0x28: {  	s15 =	simm.s32 $0x1  }
0x29: {  	_ =	swait.ge [sflag:s4], $0x2000;
	s15 =	simm.s32 @!p0 $0x0  }
0x2a: {  	[sflag:s4] =	ssyncset.done $0x0;
	s16 =	sshll.u32 s15, $0xD  }
0x2b: {  	[sflag:s4] =	ssyncadd.s32 $0xFFFFE000;
	s19 =	sor.u32 $0x20, s16  }
0x2c: {  	s15 =	smul.u32 $0x8100, s15;
	v3 =	vld [tilespmem:s19+$0x10]  }
0x2d: {  	s30 =	sand.u32 $0x1, s12;
	v2 =	vld [tilespmem:s19+$0xFFFFFFF0]  }
0x2e: {  	s16 =	smul.u32 $0x8100, s30;
	s15 =	sshrl.u32 s15, $0x2;
	v0 =	vld [tilespmem:s19+$0x0]  }
0x2f: {  	v1 =	vld [tilespmem:s19+$0xFFFFFFE0];
	s17 =	sor.u32 $0x4000, s15  }
0x30: {  	s31 =	sshrl.u32 s16, $0x2;
	s16 =	sadd.s32 $0x0, s17  }
0x31: {  	s18 =	simm.s32 $0x4;
	s19 =	sadd.s32 $0x40, s19;
	s15 =	sor.u32 $0x4000, s31;
	[tilespmem:s16+$0x1830 ss:$0x81] =	vst.msk $0xffff, v3  }
.LBB1_3:
0x32: {  	v3 =	vld [tilespmem:s19+$0x10];
	p1 =	sne.s32 s18, $0x1FC;
	[tilespmem:s16+$0x810 ss:$0x81] =	vst.msk $0xffff, v2;
	s20 =	smov.u32 s18;
	s18 =	sadd.s32 $0x4, s18  }
.Ltmp3:
0x33: {  	v2 =	vld [tilespmem:s19+$0xFFFFFFF0];
	[tilespmem:s16+$0x1020 ss:$0x81] =	vst.msk $0xffff, v0;
	(pc) =	sbr.rel @p1 .LBB1_3-.Ltmp3, $4  }
0x34: {  	v0 =	vld [tilespmem:s19+$0x0];
	[tilespmem:s16+$0x0 ss:$0x81] =	vst.msk $0xffff, v1  }
0x35: {  	s16 =	sshra.s32 s20, $0x2;
	v1 =	vld [tilespmem:s19+$0xFFFFFFE0]  }
0x36: {  	s16 =	sadd.s32 s16, s17  }
0x37: {  	s19 =	sadd.s32 $0x40, s19;
	[tilespmem:s16+$0x1830 ss:$0x81] =	vst.msk $0xffff, v3  }
.Ltmp4:
0x38: {  	_ = 	snop;
	(pc) =	sbr.rel .LBB1_4-.Ltmp4, $1  }
0x39: {  	_ =	sdelay $0x3  }
.LBB1_6:
0x3a: {  	_ =	sfence.sel $0x180000  }
0x3b: {  	s2 =	simm.s32 $0x1;
	[bflag:$0x0] =	sbarrier.arrive $0xFFFF  }
0x3c: {  	s31 =	simm.s32 $0x2;
	[sflag:s2] =	ssyncpa.u1 $0x1  }
0x3d: {  	[sflag:s31] =	ssyncpa.u1 $0x1  }
0x3e: {  	p0 =	sne.s32 s0, $0x0;
	_ =	strace $0x9000004A  }
0x3f: {  	s0 =	sadd.s32 @!p0 $0x100000, s1;
	[bflag:$0x2] =	sbarrier.arrive $0xFFFF  }
0x40: {  	[sflag:s0] =	ssyncadd.tile.s32 @!p0 $0x1;
	_ =	shalt  }
.Lfunc_end1:
_tile_overlayer_lowered:
.L_overlay_start_2:
0x41: {  	(tag) =	ssettag $0x2  }
0x42: {  	s0 =	rddreg [dreg:$0x0];
	s2 =	stileid.u32  }
0x43: {  	s1 =	rddreg [dreg:$0x1];
	p0 =	sne.s32 s2, $0x0  }
0x44: {  	s3 =	rddreg [dreg:$0x2];
	[bflag:$0x3] =	sbarrier.arrive $0xFFFF;
	s2 =	simm.s32 @!p0 $0x1C01  }
0x45: {  	[timem:s3], [sflag:s2] =	dma.local @!p0 [hbm:s0], s1  }
0x46: {  	s0 =	simm.s32 @!p0 $0x1  }
0x47: {  	_ =	swait.ge @!p0 [sflag:s0], s1  }
0x48: {  	s1 =	ssub.s32 @!p0 $0x0, s1;
	[sflag:s0] =	ssyncset.done @!p0 $0x0  }
0x49: {  	[sflag:s0] =	ssyncadd.s32 @!p0 s1  }
0x4a: {  	[bflag:$0x3] =	sbarrier.arrive $0xFFFF  }
0x4b: {  	_ =	shalt  }

</sc_bundles>
